<compile_context>
chip_gen: v7x
topology: tpu7x:2x2x1
jax: 0.10.2.dev20260603
libtpu: 0.0.44.dev20260713+nightly
codegen_flags: <defaults>
</compile_context>

<pallas_src>
import jax
import jax.numpy as jnp
from jax import lax
from jax.experimental import pallas as pl
from jax.experimental.pallas import tpu as pltpu
from jax.experimental.pallas import tpu_sc as plsc

N = 10000
E = 320000
F = 128
H = 128
C = 10
G = 128

NC = 2
NS = 16
NW = NC * NS
EP = E // NW
CH = 80
NCH = EP // CH

_SC_MESH = plsc.VectorSubcoreMesh(
    core_axis_name="c", subcore_axis_name="s", num_cores=NC, num_subcores=NS)


def _split_copy(src_ref, dst_ref, s):
    @pl.when(s < NS - 1)
    def _():
        pltpu.sync_copy(src_ref.at[pl.ds(s * 624, 624)],
                        dst_ref.at[pl.ds(s * 624, 624)])

    @pl.when(s == NS - 1)
    def _():
        pltpu.sync_copy(src_ref.at[pl.ds(9360, 640)],
                        dst_ref.at[pl.ds(9360, 640)])


def _sc_deg_body(dst_hbm, ones_hbm, zeros_hbm, out_hbm, dst_v, ones_v, acc,
                 sem_d):
    c = lax.axis_index("c")
    s = lax.axis_index("s")
    w = c * NS + s
    pltpu.sync_copy(dst_hbm.at[w], dst_v)
    pltpu.sync_copy(ones_hbm, ones_v)

    @pl.when(s == 0)
    def _():
        pltpu.sync_copy(zeros_hbm, acc)
    plsc.subcore_barrier()

    def step(k, carry):
        for i in range(5):
            pltpu.async_copy(ones_v, acc.at[dst_v.at[5 * k + i]], sem_d,
                             add=True)
        for i in range(5):
            pltpu.make_async_copy(ones_v, acc.at[dst_v.at[0]], sem_d).wait()
        return carry

    lax.fori_loop(0, NCH // 5, step, 0)
    plsc.subcore_barrier()

    @pl.when(s == 0)
    def _():
        pltpu.sync_copy(acc, out_hbm.at[c])


_sc_deg = pl.kernel(
    _sc_deg_body,
    out_type=jax.ShapeDtypeStruct((NC, N), jnp.float32),
    mesh=_SC_MESH,
    scratch_types=[
        pltpu.VMEM((NCH, CH), jnp.int32),
        pltpu.VMEM((CH,), jnp.float32),
        pltpu.VMEM_SHARED((N,), jnp.float32),
        pltpu.SemaphoreType.DMA,
    ],
)


NPH = 5
PC = NCH // NPH


def _sc_edge_body(xs_hbm, src_hbm, dst_hbm, zer_hbm, out_hbm,
                  src_v, dst_v, rows, sem_g, sem_s, acc):
    c = lax.axis_index("c")
    s = lax.axis_index("s")
    w = c * NS + s
    @pl.when(c == 0)
    def _():
        _split_copy(xs_hbm, acc, s)

    @pl.when(c == 1)
    def _():
        _split_copy(zer_hbm, acc, s)
    plsc.subcore_barrier()

    def phase(p, carry):
        pltpu.sync_copy(src_hbm.at[w, p], src_v)
        pltpu.sync_copy(dst_hbm.at[w, p], dst_v)

        def virt(j, b):
            @pl.when(jnp.logical_and(j >= DEPTH, j < PC))
            def _():
                pltpu.make_async_copy(
                    rows[b], acc.at[dst_v.at[0]], sem_s[b]).wait()

            @pl.when(j < PC)
            def _():
                pltpu.async_copy(xs_hbm.at[src_v.at[j]], rows[b], sem_g[b])

            @pl.when(j >= DEPTH - 1)
            def _():
                jj = j - (DEPTH - 1)
                bb = (b + 1) % DEPTH
                pltpu.make_async_copy(
                    xs_hbm.at[src_v.at[jj]], rows[bb], sem_g[bb]).wait()
                pltpu.async_copy(rows[bb], acc.at[dst_v.at[jj]], sem_s[bb],
                                 add=True)

        def step(m, carry2):
            for i in range(DEPTH):
                virt(DEPTH * m + i, i)
            return carry2

        lax.fori_loop(0, (PC + DEPTH - 1) // DEPTH, step, 0)
        for b in range(DEPTH):
            pltpu.make_async_copy(rows[b], acc.at[dst_v.at[0]], sem_s[b]).wait()
        return carry

    lax.fori_loop(0, NPH, phase, 0)
    plsc.subcore_barrier()
    _split_copy(acc, out_hbm.at[c], s)


DEPTH = 4
assert (PC + DEPTH - 1) % DEPTH == 0


def _sc_edge_entry(xs_hbm, src_hbm, dst_hbm, zer_hbm, out_hbm, src_v, dst_v,
                   rows_b, sem_g_b, sem_s_b, acc):
    return _sc_edge_body(xs_hbm, src_hbm, dst_hbm, zer_hbm, out_hbm,
                         src_v, dst_v,
                         list(rows_b), list(sem_g_b), list(sem_s_b), acc)


_sc_edge = pl.kernel(
    _sc_edge_entry,
    out_type=jax.ShapeDtypeStruct((NC, N, H), jnp.float32),
    mesh=_SC_MESH,
    scratch_types=[
        pltpu.VMEM((PC, CH), jnp.int32),
        pltpu.VMEM((PC, CH), jnp.int32),
        [pltpu.VMEM((CH, H), jnp.float32) for _ in range(DEPTH)],
        [pltpu.SemaphoreType.DMA for _ in range(DEPTH)],
        [pltpu.SemaphoreType.DMA for _ in range(DEPTH)],
        pltpu.VMEM_SHARED((N, H), jnp.float32),
    ],
)


def _tc0_body(x_ref, w1_ref, xw_ref):
    xw_ref[...] = jnp.dot(x_ref[...], w1_ref[...],
                          preferred_element_type=jnp.float32)


def _tc1_body(xw_ref, degp_ref, xs_ref, dinv_ref):
    dp = degp_ref[...]
    dinv = lax.rsqrt(dp[0] + dp[1] + 1.0)
    xs_ref[...] = xw_ref[...] * dinv
    dinv_ref[...] = dinv


def _tc2_body(p_ref, dinv_ref, b1_ref, w2_ref, xs2_ref):
    p = p_ref[...]
    dinv = dinv_ref[...]
    h1 = jnp.maximum(dinv * (p[0] + p[1]) + b1_ref[...], 0.0)
    xs2_ref[...] = dinv * jnp.dot(h1, w2_ref[...],
                                  preferred_element_type=jnp.float32)


def _tc3_body(q_ref, dinv_ref, b2_ref, batch_ref, wlin_ref, blin_ref,
              out_ref):
    q = q_ref[...]
    dinv = dinv_ref[...]
    h2 = jnp.maximum(dinv * (q[0] + q[1]) + b2_ref[...], 0.0)
    gids = lax.broadcasted_iota(jnp.int32, (N, G), 1)
    onehot = (batch_ref[...] == gids).astype(jnp.float32)
    dn = (((0,), (0,)), ((), ()))
    psum = lax.dot_general(onehot, h2, dn,
                           preferred_element_type=jnp.float32)
    cnt = lax.dot_general(onehot, jnp.ones((N, 1), jnp.float32), dn,
                          preferred_element_type=jnp.float32)
    pooled = psum / jnp.maximum(cnt, 1.0)
    out_ref[...] = jnp.dot(pooled, wlin_ref[...],
                           preferred_element_type=jnp.float32) + blin_ref[...]


def kernel(x, edge_index, batch, W1, b1, W2, b2, Wlin, blin):
    src4 = edge_index[0].reshape(NW, NPH, PC, CH)
    dst4 = edge_index[1].reshape(NW, NPH, PC, CH)
    dst3 = edge_index[1].reshape(NW, NCH, CH)
    ones_ch = jnp.ones((CH,), jnp.float32)
    zeros_n1 = jnp.zeros((N,), jnp.float32)
    zeros_nf = jnp.zeros((N, H), jnp.float32)
    batch2d = batch.reshape(N, 1)
    b1r = b1.reshape(1, H)
    b2r = b2.reshape(1, H)
    blinr = blin.reshape(1, C)

    xw1 = pl.pallas_call(
        _tc0_body,
        out_shape=jax.ShapeDtypeStruct((N, H), jnp.float32),
    )(x, W1)

    degp = _sc_deg(dst3, ones_ch, zeros_n1).reshape(NC, N, 1)

    xs1, dinv = pl.pallas_call(
        _tc1_body,
        out_shape=[jax.ShapeDtypeStruct((N, H), jnp.float32),
                   jax.ShapeDtypeStruct((N, 1), jnp.float32)],
    )(xw1, degp)

    p = _sc_edge(xs1, src4, dst4, zeros_nf)

    xs2 = pl.pallas_call(
        _tc2_body,
        out_shape=jax.ShapeDtypeStruct((N, H), jnp.float32),
    )(p, dinv, b1r, W2)

    q = _sc_edge(xs2, src4, dst4, zeros_nf)

    logits = pl.pallas_call(
        _tc3_body,
        out_shape=jax.ShapeDtypeStruct((G, C), jnp.float32),
    )(q, dinv, b2r, batch2d, Wlin, blinr)
    return logits

# --- scband reference (transcript-rebuilt; emitter-appended) ---
"""Pipeline reference for scband-standard-gcn-11596411699548 (READ-ONLY COPY).

The authoritative reference and input builder live on the scoring server;
editing this copy changes nothing except your own understanding.
"""

import jax, jax.numpy as jnp
import numpy as np

N = 10000   # nodes
E = 320000  # edges
F = 128     # num_features
H = 128     # hidden
C = 10      # num_classes
G = 128     # graphs in batch


def setup_inputs(seed: int = 0) -> dict:
    key = jax.random.key(seed)
    ks = jax.random.split(key, 10)
    x = jax.random.normal(ks[0], (N, F), dtype=jnp.float32)
    edge_index = jax.random.randint(ks[1], (2, E), 0, N, dtype=jnp.int32)
    batch = jnp.sort(jax.random.randint(ks[2], (N,), 0, G, dtype=jnp.int32))
    W1 = jax.random.normal(ks[3], (F, H), dtype=jnp.float32) * (1.0 / np.sqrt(F))
    b1 = jnp.zeros((H,), dtype=jnp.float32)
    W2 = jax.random.normal(ks[4], (H, H), dtype=jnp.float32) * (1.0 / np.sqrt(H))
    b2 = jnp.zeros((H,), dtype=jnp.float32)
    Wlin = jax.random.normal(ks[5], (H, C), dtype=jnp.float32) * (1.0 / np.sqrt(H))
    blin = jnp.zeros((C,), dtype=jnp.float32)
    return {"x": x, "edge_index": edge_index, "batch": batch,
            "W1": W1, "b1": b1, "W2": W2, "b2": b2, "Wlin": Wlin, "blin": blin}


def _gcn_conv(x, edge_index, W, b):
    # PyG GCNConv: x' = D^{-1/2} (A + I) D^{-1/2} (x W) + b
    xw = x @ W
    loops = jnp.arange(N, dtype=edge_index.dtype)
    src = jnp.concatenate([edge_index[0], loops])
    dst = jnp.concatenate([edge_index[1], loops])
    deg = jax.ops.segment_sum(jnp.ones_like(src, dtype=xw.dtype), dst, num_segments=N)
    dinv = jax.lax.rsqrt(jnp.maximum(deg, 1.0))
    norm = dinv[src] * dinv[dst]
    msg = xw[src] * norm[:, None]          # gather
    out = jax.ops.segment_sum(msg, dst, num_segments=N)  # scatter-add
    return out + b


def _global_mean_pool(h, batch):
    counts = jax.ops.segment_sum(jnp.ones((N,), h.dtype), batch, num_segments=G)
    summed = jax.ops.segment_sum(h, batch, num_segments=G)
    return summed / jnp.maximum(counts, 1.0)[:, None]


def reference(x, edge_index, batch, W1, b1, W2, b2, Wlin, blin):
    h = jax.nn.relu(_gcn_conv(x, edge_index, W1, b1))
    h = jax.nn.relu(_gcn_conv(h, edge_index, W2, b2))
    pooled = _global_mean_pool(h, batch)
    return pooled @ Wlin + blin

if __name__ == "__main__":
    import jax
    _d = setup_inputs()
    print(jax.jit(kernel)(*tuple(_d.values())))

</pallas_src>

<mosaic_0001>
#map = affine_map<(d0, d1) -> (0, 0)>
#map1 = affine_map<(d0, d1) -> (0, 0, 0, 0)>
#map2 = affine_map<(d0, d1) -> (0, 0, 0)>
module attributes {stable_mosaic.version = 14 : i64} {
  func.func @_sc_edge_entry(%arg0: i32, %arg1: i32, %arg2: memref<10000x128xf32, #tpu.memory_space<hbm>>, %arg3: memref<32x5x25x80xi32, #tpu.memory_space<hbm>>, %arg4: memref<32x5x25x80xi32, #tpu.memory_space<hbm>>, %arg5: memref<10000x128xf32, #tpu.memory_space<hbm>>, %arg6: memref<2x10000x128xf32, #tpu.memory_space<hbm>>, %arg7: memref<25x80xi32, #tpu.memory_space<vmem>>, %arg8: memref<25x80xi32, #tpu.memory_space<vmem>>, %arg9: memref<80x128xf32, #tpu.memory_space<vmem>>, %arg10: memref<80x128xf32, #tpu.memory_space<vmem>>, %arg11: memref<80x128xf32, #tpu.memory_space<vmem>>, %arg12: memref<80x128xf32, #tpu.memory_space<vmem>>, %arg13: memref<!tpu.dma_semaphore, #tpu.memory_space<semaphore_mem>>, %arg14: memref<!tpu.dma_semaphore, #tpu.memory_space<semaphore_mem>>, %arg15: memref<!tpu.dma_semaphore, #tpu.memory_space<semaphore_mem>>, %arg16: memref<!tpu.dma_semaphore, #tpu.memory_space<semaphore_mem>>, %arg17: memref<!tpu.dma_semaphore, #tpu.memory_space<semaphore_mem>>, %arg18: memref<!tpu.dma_semaphore, #tpu.memory_space<semaphore_mem>>, %arg19: memref<!tpu.dma_semaphore, #tpu.memory_space<semaphore_mem>>, %arg20: memref<!tpu.dma_semaphore, #tpu.memory_space<semaphore_mem>>, %arg21: memref<10000x128xf32, #tpu.memory_space<vmem_shared>>) attributes {dimension_semantics = [#tpu.dimension_semantics<core_parallel>, #tpu.dimension_semantics<subcore_parallel>], iteration_bounds = array<i64: 2, 16>, scalar_prefetch = 0 : i64, scratch_operands = 15 : i64, tpu.core_type = #tpu.core_type<sc_vector_subcore>, window_params = [{transform_indices = #map}, {transform_indices = #map1}, {transform_indices = #map1}, {transform_indices = #map}, {transform_indices = #map2}]} {
    %mul3A = arith.constant 16 : i32
    %mul3A_0 = arith.muli %arg0, %mul3A : i32
    %add3A = arith.addi %mul3A_0, %arg1 : i32
    %eq3A = arith.constant 0 : i32
    %eq3A_1 = arith.cmpi eq, %arg0, %eq3A : i32
    %convert_element_type3A = arith.extui %eq3A_1 : i1 to i32
    %cond3A = arith.constant 0 : i32
    %cond3A_2 = arith.cmpi ne, %convert_element_type3A, %cond3A : i32
    scf.if %cond3A_2 {
      %lt3A_23 = arith.constant 15 : i32
      %lt3A_24 = arith.cmpi slt, %arg1, %lt3A_23 : i32
      %convert_element_type3A_25 = arith.extui %lt3A_24 : i1 to i32
      %cond3A_26 = arith.constant 0 : i32
      %cond3A_27 = arith.cmpi ne, %convert_element_type3A_25, %cond3A_26 : i32
      scf.if %cond3A_27 {
        %mul3A_33 = arith.constant 624 : i32
        %mul3A_34 = arith.muli %arg1, %mul3A_33 : i32
        %mul3A_35 = arith.constant 624 : i32
        %mul3A_36 = arith.muli %arg1, %mul3A_35 : i32
        "tpu.region"() ({
          %run_scoped3A = tpu.sem_alloc : memref<!tpu.dma_semaphore, #tpu.memory_space<semaphore_mem>>
          %dma_start3A = arith.constant 0 : i32
          %dma_start3A_37 = tpu.memref_slice %arg21[%mul3A_36, %dma_start3A] : memref<10000x128xf32, #tpu.memory_space<vmem_shared>> -> memref<624x128xf32, #tpu.memory_space<vmem_shared>>
          %dma_start3A_38 = arith.constant 0 : i32
          %dma_start3A_39 = tpu.memref_slice %arg2[%mul3A_34, %dma_start3A_38] : memref<10000x128xf32, #tpu.memory_space<hbm>> -> memref<624x128xf32, #tpu.memory_space<hbm>>
          tpu.enqueue_dma source(%dma_start3A_39 : memref<624x128xf32, #tpu.memory_space<hbm>>) target(%dma_start3A_37 : memref<624x128xf32, #tpu.memory_space<vmem_shared>>) target_semaphore(%run_scoped3A : memref<!tpu.dma_semaphore, #tpu.memory_space<semaphore_mem>>)
          %dma_wait3A = arith.constant 0 : i32
          %dma_wait3A_40 = tpu.memref_slice %arg21[%mul3A_36, %dma_wait3A] : memref<10000x128xf32, #tpu.memory_space<vmem_shared>> -> memref<624x128xf32, #tpu.memory_space<vmem_shared>>
          %dma_wait3A_41 = arith.constant 0 : i32
          %dma_wait3A_42 = tpu.memref_slice %arg2[%mul3A_34, %dma_wait3A_41] : memref<10000x128xf32, #tpu.memory_space<hbm>> -> memref<624x128xf32, #tpu.memory_space<hbm>>
          tpu.wait_dma2 semaphore(%run_scoped3A : memref<!tpu.dma_semaphore, #tpu.memory_space<semaphore_mem>>) src(%dma_wait3A_42 : memref<624x128xf32, #tpu.memory_space<hbm>>) dst(%dma_wait3A_40 : memref<624x128xf32, #tpu.memory_space<vmem_shared>>)
          tpu.yield
        }) : () -> ()
      } else {
      }
      %eq3A_28 = arith.constant 15 : i32
      %eq3A_29 = arith.cmpi eq, %arg1, %eq3A_28 : i32
      %convert_element_type3A_30 = arith.extui %eq3A_29 : i1 to i32
      %cond3A_31 = arith.constant 0 : i32
      %cond3A_32 = arith.cmpi ne, %convert_element_type3A_30, %cond3A_31 : i32
      scf.if %cond3A_32 {
        "tpu.region"() ({
          %run_scoped3A = tpu.sem_alloc : memref<!tpu.dma_semaphore, #tpu.memory_space<semaphore_mem>>
          %dma_start3A = arith.constant 9360 : i32
          %dma_start3A_33 = arith.constant 0 : i32
          %dma_start3A_34 = tpu.memref_slice %arg21[%dma_start3A, %dma_start3A_33] : memref<10000x128xf32, #tpu.memory_space<vmem_shared>> -> memref<640x128xf32, #tpu.memory_space<vmem_shared>>
          %dma_start3A_35 = arith.constant 9360 : i32
          %dma_start3A_36 = arith.constant 0 : i32
          %dma_start3A_37 = tpu.memref_slice %arg2[%dma_start3A_35, %dma_start3A_36] : memref<10000x128xf32, #tpu.memory_space<hbm>> -> memref<640x128xf32, #tpu.memory_space<hbm>>
          tpu.enqueue_dma source(%dma_start3A_37 : memref<640x128xf32, #tpu.memory_space<hbm>>) target(%dma_start3A_34 : memref<640x128xf32, #tpu.memory_space<vmem_shared>>) target_semaphore(%run_scoped3A : memref<!tpu.dma_semaphore, #tpu.memory_space<semaphore_mem>>)
          %dma_wait3A = arith.constant 9360 : i32
          %dma_wait3A_38 = arith.constant 0 : i32
          %dma_wait3A_39 = tpu.memref_slice %arg21[%dma_wait3A, %dma_wait3A_38] : memref<10000x128xf32, #tpu.memory_space<vmem_shared>> -> memref<640x128xf32, #tpu.memory_space<vmem_shared>>
          %dma_wait3A_40 = arith.constant 9360 : i32
          %dma_wait3A_41 = arith.constant 0 : i32
          %dma_wait3A_42 = tpu.memref_slice %arg2[%dma_wait3A_40, %dma_wait3A_41] : memref<10000x128xf32, #tpu.memory_space<hbm>> -> memref<640x128xf32, #tpu.memory_space<hbm>>
          tpu.wait_dma2 semaphore(%run_scoped3A : memref<!tpu.dma_semaphore, #tpu.memory_space<semaphore_mem>>) src(%dma_wait3A_42 : memref<640x128xf32, #tpu.memory_space<hbm>>) dst(%dma_wait3A_39 : memref<640x128xf32, #tpu.memory_space<vmem_shared>>)
          tpu.yield
        }) : () -> ()
      } else {
      }
    } else {
    }
    %eq3A_3 = arith.constant 1 : i32
    %eq3A_4 = arith.cmpi eq, %arg0, %eq3A_3 : i32
    %convert_element_type3A_5 = arith.extui %eq3A_4 : i1 to i32
    %cond3A_6 = arith.constant 0 : i32
    %cond3A_7 = arith.cmpi ne, %convert_element_type3A_5, %cond3A_6 : i32
    scf.if %cond3A_7 {
      %lt3A_23 = arith.constant 15 : i32
      %lt3A_24 = arith.cmpi slt, %arg1, %lt3A_23 : i32
      %convert_element_type3A_25 = arith.extui %lt3A_24 : i1 to i32
      %cond3A_26 = arith.constant 0 : i32
      %cond3A_27 = arith.cmpi ne, %convert_element_type3A_25, %cond3A_26 : i32
      scf.if %cond3A_27 {
        %mul3A_33 = arith.constant 624 : i32
        %mul3A_34 = arith.muli %arg1, %mul3A_33 : i32
        %mul3A_35 = arith.constant 624 : i32
        %mul3A_36 = arith.muli %arg1, %mul3A_35 : i32
        "tpu.region"() ({
          %run_scoped3A = tpu.sem_alloc : memref<!tpu.dma_semaphore, #tpu.memory_space<semaphore_mem>>
          %dma_start3A = arith.constant 0 : i32
          %dma_start3A_37 = tpu.memref_slice %arg21[%mul3A_36, %dma_start3A] : memref<10000x128xf32, #tpu.memory_space<vmem_shared>> -> memref<624x128xf32, #tpu.memory_space<vmem_shared>>
          %dma_start3A_38 = arith.constant 0 : i32
          %dma_start3A_39 = tpu.memref_slice %arg5[%mul3A_34, %dma_start3A_38] : memref<10000x128xf32, #tpu.memory_space<hbm>> -> memref<624x128xf32, #tpu.memory_space<hbm>>
          tpu.enqueue_dma source(%dma_start3A_39 : memref<624x128xf32, #tpu.memory_space<hbm>>) target(%dma_start3A_37 : memref<624x128xf32, #tpu.memory_space<vmem_shared>>) target_semaphore(%run_scoped3A : memref<!tpu.dma_semaphore, #tpu.memory_space<semaphore_mem>>)
          %dma_wait3A = arith.constant 0 : i32
          %dma_wait3A_40 = tpu.memref_slice %arg21[%mul3A_36, %dma_wait3A] : memref<10000x128xf32, #tpu.memory_space<vmem_shared>> -> memref<624x128xf32, #tpu.memory_space<vmem_shared>>
          %dma_wait3A_41 = arith.constant 0 : i32
          %dma_wait3A_42 = tpu.memref_slice %arg5[%mul3A_34, %dma_wait3A_41] : memref<10000x128xf32, #tpu.memory_space<hbm>> -> memref<624x128xf32, #tpu.memory_space<hbm>>
          tpu.wait_dma2 semaphore(%run_scoped3A : memref<!tpu.dma_semaphore, #tpu.memory_space<semaphore_mem>>) src(%dma_wait3A_42 : memref<624x128xf32, #tpu.memory_space<hbm>>) dst(%dma_wait3A_40 : memref<624x128xf32, #tpu.memory_space<vmem_shared>>)
          tpu.yield
        }) : () -> ()
      } else {
      }
      %eq3A_28 = arith.constant 15 : i32
      %eq3A_29 = arith.cmpi eq, %arg1, %eq3A_28 : i32
      %convert_element_type3A_30 = arith.extui %eq3A_29 : i1 to i32
      %cond3A_31 = arith.constant 0 : i32
      %cond3A_32 = arith.cmpi ne, %convert_element_type3A_30, %cond3A_31 : i32
      scf.if %cond3A_32 {
        "tpu.region"() ({
          %run_scoped3A = tpu.sem_alloc : memref<!tpu.dma_semaphore, #tpu.memory_space<semaphore_mem>>
          %dma_start3A = arith.constant 9360 : i32
          %dma_start3A_33 = arith.constant 0 : i32
          %dma_start3A_34 = tpu.memref_slice %arg21[%dma_start3A, %dma_start3A_33] : memref<10000x128xf32, #tpu.memory_space<vmem_shared>> -> memref<640x128xf32, #tpu.memory_space<vmem_shared>>
          %dma_start3A_35 = arith.constant 9360 : i32
          %dma_start3A_36 = arith.constant 0 : i32
          %dma_start3A_37 = tpu.memref_slice %arg5[%dma_start3A_35, %dma_start3A_36] : memref<10000x128xf32, #tpu.memory_space<hbm>> -> memref<640x128xf32, #tpu.memory_space<hbm>>
          tpu.enqueue_dma source(%dma_start3A_37 : memref<640x128xf32, #tpu.memory_space<hbm>>) target(%dma_start3A_34 : memref<640x128xf32, #tpu.memory_space<vmem_shared>>) target_semaphore(%run_scoped3A : memref<!tpu.dma_semaphore, #tpu.memory_space<semaphore_mem>>)
          %dma_wait3A = arith.constant 9360 : i32
          %dma_wait3A_38 = arith.constant 0 : i32
          %dma_wait3A_39 = tpu.memref_slice %arg21[%dma_wait3A, %dma_wait3A_38] : memref<10000x128xf32, #tpu.memory_space<vmem_shared>> -> memref<640x128xf32, #tpu.memory_space<vmem_shared>>
          %dma_wait3A_40 = arith.constant 9360 : i32
          %dma_wait3A_41 = arith.constant 0 : i32
          %dma_wait3A_42 = tpu.memref_slice %arg5[%dma_wait3A_40, %dma_wait3A_41] : memref<10000x128xf32, #tpu.memory_space<hbm>> -> memref<640x128xf32, #tpu.memory_space<hbm>>
          tpu.wait_dma2 semaphore(%run_scoped3A : memref<!tpu.dma_semaphore, #tpu.memory_space<semaphore_mem>>) src(%dma_wait3A_42 : memref<640x128xf32, #tpu.memory_space<hbm>>) dst(%dma_wait3A_39 : memref<640x128xf32, #tpu.memory_space<vmem_shared>>)
          tpu.yield
        }) : () -> ()
      } else {
      }
    } else {
    }
    %barrier3A = arith.constant 0 : index
    tpu.barrier barrier_id(%barrier3A)
    %scan3A = arith.constant 0 : i32
    %scan3A_8 = arith.constant 0 : i32
    %scan3A_9 = arith.constant 5 : i32
    %scan3A_10 = arith.addi %scan3A_8, %scan3A_9 : i32
    %scan3A_11 = arith.constant 1 : i32
    scf.for %scan3A_23 = %scan3A_8 to %scan3A_10 step %scan3A_11  : i32 {
      "tpu.region"() ({
        %run_scoped3A = tpu.sem_alloc : memref<!tpu.dma_semaphore, #tpu.memory_space<semaphore_mem>>
        %dma_start3A = arith.constant 0 : i32
        %dma_start3A_57 = arith.constant 0 : i32
        %dma_start3A_58 = tpu.memref_slice %arg3[%add3A, %scan3A_23, %dma_start3A, %dma_start3A_57] : memref<32x5x25x80xi32, #tpu.memory_space<hbm>> -> memref<1x1x25x80xi32, #tpu.memory_space<hbm>>
        %dma_start3A_59 = tpu.memref_squeeze %dma_start3A_58 : memref<1x1x25x80xi32, #tpu.memory_space<hbm>> -> memref<25x80xi32, #tpu.memory_space<hbm>>
        %dma_start3A_60 = arith.constant 0 : i32
        %dma_start3A_61 = arith.constant 0 : i32
        %dma_start3A_62 = tpu.memref_slice %arg3[%add3A, %scan3A_23, %dma_start3A_60, %dma_start3A_61] : memref<32x5x25x80xi32, #tpu.memory_space<hbm>> -> memref<1x1x25x80xi32, #tpu.memory_space<hbm>>
        %dma_start3A_63 = tpu.memref_squeeze %dma_start3A_62 : memref<1x1x25x80xi32, #tpu.memory_space<hbm>> -> memref<25x80xi32, #tpu.memory_space<hbm>>
        tpu.enqueue_dma source(%dma_start3A_63 : memref<25x80xi32, #tpu.memory_space<hbm>>) target(%arg7 : memref<25x80xi32, #tpu.memory_space<vmem>>) target_semaphore(%run_scoped3A : memref<!tpu.dma_semaphore, #tpu.memory_space<semaphore_mem>>)
        %dma_wait3A_64 = arith.constant 0 : i32
        %dma_wait3A_65 = arith.constant 0 : i32
        %dma_wait3A_66 = tpu.memref_slice %arg3[%add3A, %scan3A_23, %dma_wait3A_64, %dma_wait3A_65] : memref<32x5x25x80xi32, #tpu.memory_space<hbm>> -> memref<1x1x25x80xi32, #tpu.memory_space<hbm>>
        %dma_wait3A_67 = tpu.memref_squeeze %dma_wait3A_66 : memref<1x1x25x80xi32, #tpu.memory_space<hbm>> -> memref<25x80xi32, #tpu.memory_space<hbm>>
        %dma_wait3A_68 = arith.constant 0 : i32
        %dma_wait3A_69 = arith.constant 0 : i32
        %dma_wait3A_70 = tpu.memref_slice %arg3[%add3A, %scan3A_23, %dma_wait3A_68, %dma_wait3A_69] : memref<32x5x25x80xi32, #tpu.memory_space<hbm>> -> memref<1x1x25x80xi32, #tpu.memory_space<hbm>>
        %dma_wait3A_71 = tpu.memref_squeeze %dma_wait3A_70 : memref<1x1x25x80xi32, #tpu.memory_space<hbm>> -> memref<25x80xi32, #tpu.memory_space<hbm>>
        tpu.wait_dma2 semaphore(%run_scoped3A : memref<!tpu.dma_semaphore, #tpu.memory_space<semaphore_mem>>) src(%dma_wait3A_71 : memref<25x80xi32, #tpu.memory_space<hbm>>) dst(%arg7 : memref<25x80xi32, #tpu.memory_space<vmem>>)
        tpu.yield
      }) : () -> ()
      "tpu.region"() ({
        %run_scoped3A = tpu.sem_alloc : memref<!tpu.dma_semaphore, #tpu.memory_space<semaphore_mem>>
        %dma_start3A = arith.constant 0 : i32
        %dma_start3A_57 = arith.constant 0 : i32
        %dma_start3A_58 = tpu.memref_slice %arg4[%add3A, %scan3A_23, %dma_start3A, %dma_start3A_57] : memref<32x5x25x80xi32, #tpu.memory_space<hbm>> -> memref<1x1x25x80xi32, #tpu.memory_space<hbm>>
        %dma_start3A_59 = tpu.memref_squeeze %dma_start3A_58 : memref<1x1x25x80xi32, #tpu.memory_space<hbm>> -> memref<25x80xi32, #tpu.memory_space<hbm>>
        %dma_start3A_60 = arith.constant 0 : i32
        %dma_start3A_61 = arith.constant 0 : i32
        %dma_start3A_62 = tpu.memref_slice %arg4[%add3A, %scan3A_23, %dma_start3A_60, %dma_start3A_61] : memref<32x5x25x80xi32, #tpu.memory_space<hbm>> -> memref<1x1x25x80xi32, #tpu.memory_space<hbm>>
        %dma_start3A_63 = tpu.memref_squeeze %dma_start3A_62 : memref<1x1x25x80xi32, #tpu.memory_space<hbm>> -> memref<25x80xi32, #tpu.memory_space<hbm>>
        tpu.enqueue_dma source(%dma_start3A_63 : memref<25x80xi32, #tpu.memory_space<hbm>>) target(%arg8 : memref<25x80xi32, #tpu.memory_space<vmem>>) target_semaphore(%run_scoped3A : memref<!tpu.dma_semaphore, #tpu.memory_space<semaphore_mem>>)
        %dma_wait3A_64 = arith.constant 0 : i32
        %dma_wait3A_65 = arith.constant 0 : i32
        %dma_wait3A_66 = tpu.memref_slice %arg4[%add3A, %scan3A_23, %dma_wait3A_64, %dma_wait3A_65] : memref<32x5x25x80xi32, #tpu.memory_space<hbm>> -> memref<1x1x25x80xi32, #tpu.memory_space<hbm>>
        %dma_wait3A_67 = tpu.memref_squeeze %dma_wait3A_66 : memref<1x1x25x80xi32, #tpu.memory_space<hbm>> -> memref<25x80xi32, #tpu.memory_space<hbm>>
        %dma_wait3A_68 = arith.constant 0 : i32
        %dma_wait3A_69 = arith.constant 0 : i32
        %dma_wait3A_70 = tpu.memref_slice %arg4[%add3A, %scan3A_23, %dma_wait3A_68, %dma_wait3A_69] : memref<32x5x25x80xi32, #tpu.memory_space<hbm>> -> memref<1x1x25x80xi32, #tpu.memory_space<hbm>>
        %dma_wait3A_71 = tpu.memref_squeeze %dma_wait3A_70 : memref<1x1x25x80xi32, #tpu.memory_space<hbm>> -> memref<25x80xi32, #tpu.memory_space<hbm>>
        tpu.wait_dma2 semaphore(%run_scoped3A : memref<!tpu.dma_semaphore, #tpu.memory_space<semaphore_mem>>) src(%dma_wait3A_71 : memref<25x80xi32, #tpu.memory_space<hbm>>) dst(%arg8 : memref<25x80xi32, #tpu.memory_space<vmem>>)
        tpu.yield
      }) : () -> ()
      %scan3A_24 = arith.constant 0 : i32
      %scan3A_25 = arith.constant 0 : i32
      %scan3A_26 = arith.constant 7 : i32
      %scan3A_27 = arith.addi %scan3A_25, %scan3A_26 : i32
      %scan3A_28 = arith.constant 1 : i32
      scf.for %scan3A_57 = %scan3A_25 to %scan3A_27 step %scan3A_28  : i32 {
        %mul3A_58 = arith.constant 4 : i32
        %mul3A_59 = arith.muli %mul3A_58, %scan3A_57 : i32
        %add3A_60 = arith.constant 0 : i32
        %add3A_61 = arith.addi %mul3A_59, %add3A_60 : i32
        %ge3A = arith.constant 4 : i32
        %ge3A_62 = arith.cmpi sge, %add3A_61, %ge3A : i32
        %lt3A_63 = arith.constant 25 : i32
        %lt3A_64 = arith.cmpi slt, %add3A_61, %lt3A_63 : i32
        %and3A = arith.andi %ge3A_62, %lt3A_64 : i1
        %convert_element_type3A_65 = arith.extui %and3A : i1 to i32
        %cond3A_66 = arith.constant 0 : i32
        %cond3A_67 = arith.cmpi ne, %convert_element_type3A_65, %cond3A_66 : i32
        scf.if %cond3A_67 {
          %dma_wait3A_144 = arith.constant 0 : i32
          %dma_wait3A_145 = arith.constant 0 : i32
          %dma_wait3A_146 = tpu.memref_slice %arg8[%dma_wait3A_144, %dma_wait3A_145] : memref<25x80xi32, #tpu.memory_space<vmem>> -> memref<1x80xi32, #tpu.memory_space<vmem>>
          %dma_wait3A_147 = tpu.memref_squeeze %dma_wait3A_146 : memref<1x80xi32, #tpu.memory_space<vmem>> -> memref<80xi32, #tpu.memory_space<vmem>>
          %dma_wait3A_148 = arith.constant 0 : i32
          %dma_wait3A_149 = arith.constant 0 : i32
          %dma_wait3A_150 = tpu.memref_slice %arg21[%dma_wait3A_148, %dma_wait3A_149] : memref<10000x128xf32, #tpu.memory_space<vmem_shared>> -> memref<10000x128xf32, #tpu.memory_space<vmem_shared>>
          tpu.wait_indirect_dma semaphore(%arg17 : memref<!tpu.dma_semaphore, #tpu.memory_space<semaphore_mem>>) src(%arg9 : memref<80x128xf32, #tpu.memory_space<vmem>>) dst(%dma_wait3A_150 : memref<10000x128xf32, #tpu.memory_space<vmem_shared>>)
        } else {
        }
        %lt3A_68 = arith.constant 25 : i32
        %lt3A_69 = arith.cmpi slt, %add3A_61, %lt3A_68 : i32
        %convert_element_type3A_70 = arith.extui %lt3A_69 : i1 to i32
        %cond3A_71 = arith.constant 0 : i32
        %cond3A_72 = arith.cmpi ne, %convert_element_type3A_70, %cond3A_71 : i32
        scf.if %cond3A_72 {
          %dma_start3A = arith.constant 0 : i32
          %dma_start3A_144 = tpu.memref_slice %arg7[%add3A_61, %dma_start3A] : memref<25x80xi32, #tpu.memory_space<vmem>> -> memref<1x80xi32, #tpu.memory_space<vmem>>
          %dma_start3A_145 = tpu.memref_squeeze %dma_start3A_144 : memref<1x80xi32, #tpu.memory_space<vmem>> -> memref<80xi32, #tpu.memory_space<vmem>>
          %dma_start3A_146 = arith.constant 0 : i32
          %dma_start3A_147 = arith.constant 0 : i32
          %dma_start3A_148 = tpu.memref_slice %arg2[%dma_start3A_146, %dma_start3A_147] : memref<10000x128xf32, #tpu.memory_space<hbm>> -> memref<10000x128xf32, #tpu.memory_space<hbm>>
          tpu.enqueue_indirect_dma source(%dma_start3A_148 : memref<10000x128xf32, #tpu.memory_space<hbm>>) target(%arg9 : memref<80x128xf32, #tpu.memory_space<vmem>>) offsets(%dma_start3A_145 : memref<80xi32, #tpu.memory_space<vmem>>) semaphore(%arg13 : memref<!tpu.dma_semaphore, #tpu.memory_space<semaphore_mem>>)
        } else {
        }
        %ge3A_73 = arith.constant 3 : i32
        %ge3A_74 = arith.cmpi sge, %add3A_61, %ge3A_73 : i32
        %convert_element_type3A_75 = arith.extui %ge3A_74 : i1 to i32
        %cond3A_76 = arith.constant 0 : i32
        %cond3A_77 = arith.cmpi ne, %convert_element_type3A_75, %cond3A_76 : i32
        scf.if %cond3A_77 {
          %sub3A = arith.constant 3 : i32
          %sub3A_144 = arith.subi %add3A_61, %sub3A : i32
          %dma_wait3A_145 = arith.constant 0 : i32
          %dma_wait3A_146 = tpu.memref_slice %arg7[%sub3A_144, %dma_wait3A_145] : memref<25x80xi32, #tpu.memory_space<vmem>> -> memref<1x80xi32, #tpu.memory_space<vmem>>
          %dma_wait3A_147 = tpu.memref_squeeze %dma_wait3A_146 : memref<1x80xi32, #tpu.memory_space<vmem>> -> memref<80xi32, #tpu.memory_space<vmem>>
          %dma_wait3A_148 = arith.constant 0 : i32
          %dma_wait3A_149 = arith.constant 0 : i32
          %dma_wait3A_150 = tpu.memref_slice %arg2[%dma_wait3A_148, %dma_wait3A_149] : memref<10000x128xf32, #tpu.memory_space<hbm>> -> memref<10000x128xf32, #tpu.memory_space<hbm>>
          tpu.wait_indirect_dma semaphore(%arg14 : memref<!tpu.dma_semaphore, #tpu.memory_space<semaphore_mem>>) src(%dma_wait3A_150 : memref<10000x128xf32, #tpu.memory_space<hbm>>) dst(%arg10 : memref<80x128xf32, #tpu.memory_space<vmem>>)
          %dma_start3A = arith.constant 0 : i32
          %dma_start3A_151 = tpu.memref_slice %arg8[%sub3A_144, %dma_start3A] : memref<25x80xi32, #tpu.memory_space<vmem>> -> memref<1x80xi32, #tpu.memory_space<vmem>>
          %dma_start3A_152 = tpu.memref_squeeze %dma_start3A_151 : memref<1x80xi32, #tpu.memory_space<vmem>> -> memref<80xi32, #tpu.memory_space<vmem>>
          %dma_start3A_153 = arith.constant 0 : i32
          %dma_start3A_154 = arith.constant 0 : i32
          %dma_start3A_155 = tpu.memref_slice %arg21[%dma_start3A_153, %dma_start3A_154] : memref<10000x128xf32, #tpu.memory_space<vmem_shared>> -> memref<10000x128xf32, #tpu.memory_space<vmem_shared>>
          tpu.enqueue_indirect_dma source(%arg10 : memref<80x128xf32, #tpu.memory_space<vmem>>) target(%dma_start3A_155 : memref<10000x128xf32, #tpu.memory_space<vmem_shared>>) offsets(%dma_start3A_152 : memref<80xi32, #tpu.memory_space<vmem>>) semaphore(%arg18 : memref<!tpu.dma_semaphore, #tpu.memory_space<semaphore_mem>>) {add = true}
        } else {
        }
        %mul3A_78 = arith.constant 4 : i32
        %mul3A_79 = arith.muli %mul3A_78, %scan3A_57 : i32
        %add3A_80 = arith.constant 1 : i32
        %add3A_81 = arith.addi %mul3A_79, %add3A_80 : i32
        %ge3A_82 = arith.constant 4 : i32
        %ge3A_83 = arith.cmpi sge, %add3A_81, %ge3A_82 : i32
        %lt3A_84 = arith.constant 25 : i32
        %lt3A_85 = arith.cmpi slt, %add3A_81, %lt3A_84 : i32
        %and3A_86 = arith.andi %ge3A_83, %lt3A_85 : i1
        %convert_element_type3A_87 = arith.extui %and3A_86 : i1 to i32
        %cond3A_88 = arith.constant 0 : i32
        %cond3A_89 = arith.cmpi ne, %convert_element_type3A_87, %cond3A_88 : i32
        scf.if %cond3A_89 {
          %dma_wait3A_144 = arith.constant 0 : i32
          %dma_wait3A_145 = arith.constant 0 : i32
          %dma_wait3A_146 = tpu.memref_slice %arg8[%dma_wait3A_144, %dma_wait3A_145] : memref<25x80xi32, #tpu.memory_space<vmem>> -> memref<1x80xi32, #tpu.memory_space<vmem>>
          %dma_wait3A_147 = tpu.memref_squeeze %dma_wait3A_146 : memref<1x80xi32, #tpu.memory_space<vmem>> -> memref<80xi32, #tpu.memory_space<vmem>>
          %dma_wait3A_148 = arith.constant 0 : i32
          %dma_wait3A_149 = arith.constant 0 : i32
          %dma_wait3A_150 = tpu.memref_slice %arg21[%dma_wait3A_148, %dma_wait3A_149] : memref<10000x128xf32, #tpu.memory_space<vmem_shared>> -> memref<10000x128xf32, #tpu.memory_space<vmem_shared>>
          tpu.wait_indirect_dma semaphore(%arg18 : memref<!tpu.dma_semaphore, #tpu.memory_space<semaphore_mem>>) src(%arg10 : memref<80x128xf32, #tpu.memory_space<vmem>>) dst(%dma_wait3A_150 : memref<10000x128xf32, #tpu.memory_space<vmem_shared>>)
        } else {
        }
        %lt3A_90 = arith.constant 25 : i32
        %lt3A_91 = arith.cmpi slt, %add3A_81, %lt3A_90 : i32
        %convert_element_type3A_92 = arith.extui %lt3A_91 : i1 to i32
        %cond3A_93 = arith.constant 0 : i32
        %cond3A_94 = arith.cmpi ne, %convert_element_type3A_92, %cond3A_93 : i32
        scf.if %cond3A_94 {
          %dma_start3A = arith.constant 0 : i32
          %dma_start3A_144 = tpu.memref_slice %arg7[%add3A_81, %dma_start3A] : memref<25x80xi32, #tpu.memory_space<vmem>> -> memref<1x80xi32, #tpu.memory_space<vmem>>
          %dma_start3A_145 = tpu.memref_squeeze %dma_start3A_144 : memref<1x80xi32, #tpu.memory_space<vmem>> -> memref<80xi32, #tpu.memory_space<vmem>>
          %dma_start3A_146 = arith.constant 0 : i32
          %dma_start3A_147 = arith.constant 0 : i32
          %dma_start3A_148 = tpu.memref_slice %arg2[%dma_start3A_146, %dma_start3A_147] : memref<10000x128xf32, #tpu.memory_space<hbm>> -> memref<10000x128xf32, #tpu.memory_space<hbm>>
          tpu.enqueue_indirect_dma source(%dma_start3A_148 : memref<10000x128xf32, #tpu.memory_space<hbm>>) target(%arg10 : memref<80x128xf32, #tpu.memory_space<vmem>>) offsets(%dma_start3A_145 : memref<80xi32, #tpu.memory_space<vmem>>) semaphore(%arg14 : memref<!tpu.dma_semaphore, #tpu.memory_space<semaphore_mem>>)
        } else {
        }
        %ge3A_95 = arith.constant 3 : i32
        %ge3A_96 = arith.cmpi sge, %add3A_81, %ge3A_95 : i32
        %convert_element_type3A_97 = arith.extui %ge3A_96 : i1 to i32
        %cond3A_98 = arith.constant 0 : i32
        %cond3A_99 = arith.cmpi ne, %convert_element_type3A_97, %cond3A_98 : i32
        scf.if %cond3A_99 {
          %sub3A = arith.constant 3 : i32
          %sub3A_144 = arith.subi %add3A_81, %sub3A : i32
          %dma_wait3A_145 = arith.constant 0 : i32
          %dma_wait3A_146 = tpu.memref_slice %arg7[%sub3A_144, %dma_wait3A_145] : memref<25x80xi32, #tpu.memory_space<vmem>> -> memref<1x80xi32, #tpu.memory_space<vmem>>
          %dma_wait3A_147 = tpu.memref_squeeze %dma_wait3A_146 : memref<1x80xi32, #tpu.memory_space<vmem>> -> memref<80xi32, #tpu.memory_space<vmem>>
          %dma_wait3A_148 = arith.constant 0 : i32
          %dma_wait3A_149 = arith.constant 0 : i32
          %dma_wait3A_150 = tpu.memref_slice %arg2[%dma_wait3A_148, %dma_wait3A_149] : memref<10000x128xf32, #tpu.memory_space<hbm>> -> memref<10000x128xf32, #tpu.memory_space<hbm>>
          tpu.wait_indirect_dma semaphore(%arg15 : memref<!tpu.dma_semaphore, #tpu.memory_space<semaphore_mem>>) src(%dma_wait3A_150 : memref<10000x128xf32, #tpu.memory_space<hbm>>) dst(%arg11 : memref<80x128xf32, #tpu.memory_space<vmem>>)
          %dma_start3A = arith.constant 0 : i32
          %dma_start3A_151 = tpu.memref_slice %arg8[%sub3A_144, %dma_start3A] : memref<25x80xi32, #tpu.memory_space<vmem>> -> memref<1x80xi32, #tpu.memory_space<vmem>>
          %dma_start3A_152 = tpu.memref_squeeze %dma_start3A_151 : memref<1x80xi32, #tpu.memory_space<vmem>> -> memref<80xi32, #tpu.memory_space<vmem>>
          %dma_start3A_153 = arith.constant 0 : i32
          %dma_start3A_154 = arith.constant 0 : i32
          %dma_start3A_155 = tpu.memref_slice %arg21[%dma_start3A_153, %dma_start3A_154] : memref<10000x128xf32, #tpu.memory_space<vmem_shared>> -> memref<10000x128xf32, #tpu.memory_space<vmem_shared>>
          tpu.enqueue_indirect_dma source(%arg11 : memref<80x128xf32, #tpu.memory_space<vmem>>) target(%dma_start3A_155 : memref<10000x128xf32, #tpu.memory_space<vmem_shared>>) offsets(%dma_start3A_152 : memref<80xi32, #tpu.memory_space<vmem>>) semaphore(%arg19 : memref<!tpu.dma_semaphore, #tpu.memory_space<semaphore_mem>>) {add = true}
        } else {
        }
        %mul3A_100 = arith.constant 4 : i32
        %mul3A_101 = arith.muli %mul3A_100, %scan3A_57 : i32
        %add3A_102 = arith.constant 2 : i32
        %add3A_103 = arith.addi %mul3A_101, %add3A_102 : i32
        %ge3A_104 = arith.constant 4 : i32
        %ge3A_105 = arith.cmpi sge, %add3A_103, %ge3A_104 : i32
        %lt3A_106 = arith.constant 25 : i32
        %lt3A_107 = arith.cmpi slt, %add3A_103, %lt3A_106 : i32
        %and3A_108 = arith.andi %ge3A_105, %lt3A_107 : i1
        %convert_element_type3A_109 = arith.extui %and3A_108 : i1 to i32
        %cond3A_110 = arith.constant 0 : i32
        %cond3A_111 = arith.cmpi ne, %convert_element_type3A_109, %cond3A_110 : i32
        scf.if %cond3A_111 {
          %dma_wait3A_144 = arith.constant 0 : i32
          %dma_wait3A_145 = arith.constant 0 : i32
          %dma_wait3A_146 = tpu.memref_slice %arg8[%dma_wait3A_144, %dma_wait3A_145] : memref<25x80xi32, #tpu.memory_space<vmem>> -> memref<1x80xi32, #tpu.memory_space<vmem>>
          %dma_wait3A_147 = tpu.memref_squeeze %dma_wait3A_146 : memref<1x80xi32, #tpu.memory_space<vmem>> -> memref<80xi32, #tpu.memory_space<vmem>>
          %dma_wait3A_148 = arith.constant 0 : i32
          %dma_wait3A_149 = arith.constant 0 : i32
          %dma_wait3A_150 = tpu.memref_slice %arg21[%dma_wait3A_148, %dma_wait3A_149] : memref<10000x128xf32, #tpu.memory_space<vmem_shared>> -> memref<10000x128xf32, #tpu.memory_space<vmem_shared>>
          tpu.wait_indirect_dma semaphore(%arg19 : memref<!tpu.dma_semaphore, #tpu.memory_space<semaphore_mem>>) src(%arg11 : memref<80x128xf32, #tpu.memory_space<vmem>>) dst(%dma_wait3A_150 : memref<10000x128xf32, #tpu.memory_space<vmem_shared>>)
        } else {
        }
        %lt3A_112 = arith.constant 25 : i32
        %lt3A_113 = arith.cmpi slt, %add3A_103, %lt3A_112 : i32
        %convert_element_type3A_114 = arith.extui %lt3A_113 : i1 to i32
        %cond3A_115 = arith.constant 0 : i32
        %cond3A_116 = arith.cmpi ne, %convert_element_type3A_114, %cond3A_115 : i32
        scf.if %cond3A_116 {
          %dma_start3A = arith.constant 0 : i32
          %dma_start3A_144 = tpu.memref_slice %arg7[%add3A_103, %dma_start3A] : memref<25x80xi32, #tpu.memory_space<vmem>> -> memref<1x80xi32, #tpu.memory_space<vmem>>
          %dma_start3A_145 = tpu.memref_squeeze %dma_start3A_144 : memref<1x80xi32, #tpu.memory_space<vmem>> -> memref<80xi32, #tpu.memory_space<vmem>>
          %dma_start3A_146 = arith.constant 0 : i32
          %dma_start3A_147 = arith.constant 0 : i32
          %dma_start3A_148 = tpu.memref_slice %arg2[%dma_start3A_146, %dma_start3A_147] : memref<10000x128xf32, #tpu.memory_space<hbm>> -> memref<10000x128xf32, #tpu.memory_space<hbm>>
          tpu.enqueue_indirect_dma source(%dma_start3A_148 : memref<10000x128xf32, #tpu.memory_space<hbm>>) target(%arg11 : memref<80x128xf32, #tpu.memory_space<vmem>>) offsets(%dma_start3A_145 : memref<80xi32, #tpu.memory_space<vmem>>) semaphore(%arg15 : memref<!tpu.dma_semaphore, #tpu.memory_space<semaphore_mem>>)
        } else {
        }
        %ge3A_117 = arith.constant 3 : i32
        %ge3A_118 = arith.cmpi sge, %add3A_103, %ge3A_117 : i32
        %convert_element_type3A_119 = arith.extui %ge3A_118 : i1 to i32
        %cond3A_120 = arith.constant 0 : i32
        %cond3A_121 = arith.cmpi ne, %convert_element_type3A_119, %cond3A_120 : i32
        scf.if %cond3A_121 {
          %sub3A = arith.constant 3 : i32
          %sub3A_144 = arith.subi %add3A_103, %sub3A : i32
          %dma_wait3A_145 = arith.constant 0 : i32
          %dma_wait3A_146 = tpu.memref_slice %arg7[%sub3A_144, %dma_wait3A_145] : memref<25x80xi32, #tpu.memory_space<vmem>> -> memref<1x80xi32, #tpu.memory_space<vmem>>
          %dma_wait3A_147 = tpu.memref_squeeze %dma_wait3A_146 : memref<1x80xi32, #tpu.memory_space<vmem>> -> memref<80xi32, #tpu.memory_space<vmem>>
          %dma_wait3A_148 = arith.constant 0 : i32
          %dma_wait3A_149 = arith.constant 0 : i32
          %dma_wait3A_150 = tpu.memref_slice %arg2[%dma_wait3A_148, %dma_wait3A_149] : memref<10000x128xf32, #tpu.memory_space<hbm>> -> memref<10000x128xf32, #tpu.memory_space<hbm>>
          tpu.wait_indirect_dma semaphore(%arg16 : memref<!tpu.dma_semaphore, #tpu.memory_space<semaphore_mem>>) src(%dma_wait3A_150 : memref<10000x128xf32, #tpu.memory_space<hbm>>) dst(%arg12 : memref<80x128xf32, #tpu.memory_space<vmem>>)
          %dma_start3A = arith.constant 0 : i32
          %dma_start3A_151 = tpu.memref_slice %arg8[%sub3A_144, %dma_start3A] : memref<25x80xi32, #tpu.memory_space<vmem>> -> memref<1x80xi32, #tpu.memory_space<vmem>>
          %dma_start3A_152 = tpu.memref_squeeze %dma_start3A_151 : memref<1x80xi32, #tpu.memory_space<vmem>> -> memref<80xi32, #tpu.memory_space<vmem>>
          %dma_start3A_153 = arith.constant 0 : i32
          %dma_start3A_154 = arith.constant 0 : i32
          %dma_start3A_155 = tpu.memref_slice %arg21[%dma_start3A_153, %dma_start3A_154] : memref<10000x128xf32, #tpu.memory_space<vmem_shared>> -> memref<10000x128xf32, #tpu.memory_space<vmem_shared>>
          tpu.enqueue_indirect_dma source(%arg12 : memref<80x128xf32, #tpu.memory_space<vmem>>) target(%dma_start3A_155 : memref<10000x128xf32, #tpu.memory_space<vmem_shared>>) offsets(%dma_start3A_152 : memref<80xi32, #tpu.memory_space<vmem>>) semaphore(%arg20 : memref<!tpu.dma_semaphore, #tpu.memory_space<semaphore_mem>>) {add = true}
        } else {
        }
        %mul3A_122 = arith.constant 4 : i32
        %mul3A_123 = arith.muli %mul3A_122, %scan3A_57 : i32
        %add3A_124 = arith.constant 3 : i32
        %add3A_125 = arith.addi %mul3A_123, %add3A_124 : i32
        %ge3A_126 = arith.constant 4 : i32
        %ge3A_127 = arith.cmpi sge, %add3A_125, %ge3A_126 : i32
        %lt3A_128 = arith.constant 25 : i32
        %lt3A_129 = arith.cmpi slt, %add3A_125, %lt3A_128 : i32
        %and3A_130 = arith.andi %ge3A_127, %lt3A_129 : i1
        %convert_element_type3A_131 = arith.extui %and3A_130 : i1 to i32
        %cond3A_132 = arith.constant 0 : i32
        %cond3A_133 = arith.cmpi ne, %convert_element_type3A_131, %cond3A_132 : i32
        scf.if %cond3A_133 {
          %dma_wait3A_144 = arith.constant 0 : i32
          %dma_wait3A_145 = arith.constant 0 : i32
          %dma_wait3A_146 = tpu.memref_slice %arg8[%dma_wait3A_144, %dma_wait3A_145] : memref<25x80xi32, #tpu.memory_space<vmem>> -> memref<1x80xi32, #tpu.memory_space<vmem>>
          %dma_wait3A_147 = tpu.memref_squeeze %dma_wait3A_146 : memref<1x80xi32, #tpu.memory_space<vmem>> -> memref<80xi32, #tpu.memory_space<vmem>>
          %dma_wait3A_148 = arith.constant 0 : i32
          %dma_wait3A_149 = arith.constant 0 : i32
          %dma_wait3A_150 = tpu.memref_slice %arg21[%dma_wait3A_148, %dma_wait3A_149] : memref<10000x128xf32, #tpu.memory_space<vmem_shared>> -> memref<10000x128xf32, #tpu.memory_space<vmem_shared>>
          tpu.wait_indirect_dma semaphore(%arg20 : memref<!tpu.dma_semaphore, #tpu.memory_space<semaphore_mem>>) src(%arg12 : memref<80x128xf32, #tpu.memory_space<vmem>>) dst(%dma_wait3A_150 : memref<10000x128xf32, #tpu.memory_space<vmem_shared>>)
        } else {
        }
        %lt3A_134 = arith.constant 25 : i32
        %lt3A_135 = arith.cmpi slt, %add3A_125, %lt3A_134 : i32
        %convert_element_type3A_136 = arith.extui %lt3A_135 : i1 to i32
        %cond3A_137 = arith.constant 0 : i32
        %cond3A_138 = arith.cmpi ne, %convert_element_type3A_136, %cond3A_137 : i32
        scf.if %cond3A_138 {
          %dma_start3A = arith.constant 0 : i32
          %dma_start3A_144 = tpu.memref_slice %arg7[%add3A_125, %dma_start3A] : memref<25x80xi32, #tpu.memory_space<vmem>> -> memref<1x80xi32, #tpu.memory_space<vmem>>
          %dma_start3A_145 = tpu.memref_squeeze %dma_start3A_144 : memref<1x80xi32, #tpu.memory_space<vmem>> -> memref<80xi32, #tpu.memory_space<vmem>>
          %dma_start3A_146 = arith.constant 0 : i32
          %dma_start3A_147 = arith.constant 0 : i32
          %dma_start3A_148 = tpu.memref_slice %arg2[%dma_start3A_146, %dma_start3A_147] : memref<10000x128xf32, #tpu.memory_space<hbm>> -> memref<10000x128xf32, #tpu.memory_space<hbm>>
          tpu.enqueue_indirect_dma source(%dma_start3A_148 : memref<10000x128xf32, #tpu.memory_space<hbm>>) target(%arg12 : memref<80x128xf32, #tpu.memory_space<vmem>>) offsets(%dma_start3A_145 : memref<80xi32, #tpu.memory_space<vmem>>) semaphore(%arg16 : memref<!tpu.dma_semaphore, #tpu.memory_space<semaphore_mem>>)
        } else {
        }
        %ge3A_139 = arith.constant 3 : i32
        %ge3A_140 = arith.cmpi sge, %add3A_125, %ge3A_139 : i32
        %convert_element_type3A_141 = arith.extui %ge3A_140 : i1 to i32
        %cond3A_142 = arith.constant 0 : i32
        %cond3A_143 = arith.cmpi ne, %convert_element_type3A_141, %cond3A_142 : i32
        scf.if %cond3A_143 {
          %sub3A = arith.constant 3 : i32
          %sub3A_144 = arith.subi %add3A_125, %sub3A : i32
          %dma_wait3A_145 = arith.constant 0 : i32
          %dma_wait3A_146 = tpu.memref_slice %arg7[%sub3A_144, %dma_wait3A_145] : memref<25x80xi32, #tpu.memory_space<vmem>> -> memref<1x80xi32, #tpu.memory_space<vmem>>
          %dma_wait3A_147 = tpu.memref_squeeze %dma_wait3A_146 : memref<1x80xi32, #tpu.memory_space<vmem>> -> memref<80xi32, #tpu.memory_space<vmem>>
          %dma_wait3A_148 = arith.constant 0 : i32
          %dma_wait3A_149 = arith.constant 0 : i32
          %dma_wait3A_150 = tpu.memref_slice %arg2[%dma_wait3A_148, %dma_wait3A_149] : memref<10000x128xf32, #tpu.memory_space<hbm>> -> memref<10000x128xf32, #tpu.memory_space<hbm>>
          tpu.wait_indirect_dma semaphore(%arg13 : memref<!tpu.dma_semaphore, #tpu.memory_space<semaphore_mem>>) src(%dma_wait3A_150 : memref<10000x128xf32, #tpu.memory_space<hbm>>) dst(%arg9 : memref<80x128xf32, #tpu.memory_space<vmem>>)
          %dma_start3A = arith.constant 0 : i32
          %dma_start3A_151 = tpu.memref_slice %arg8[%sub3A_144, %dma_start3A] : memref<25x80xi32, #tpu.memory_space<vmem>> -> memref<1x80xi32, #tpu.memory_space<vmem>>
          %dma_start3A_152 = tpu.memref_squeeze %dma_start3A_151 : memref<1x80xi32, #tpu.memory_space<vmem>> -> memref<80xi32, #tpu.memory_space<vmem>>
          %dma_start3A_153 = arith.constant 0 : i32
          %dma_start3A_154 = arith.constant 0 : i32
          %dma_start3A_155 = tpu.memref_slice %arg21[%dma_start3A_153, %dma_start3A_154] : memref<10000x128xf32, #tpu.memory_space<vmem_shared>> -> memref<10000x128xf32, #tpu.memory_space<vmem_shared>>
          tpu.enqueue_indirect_dma source(%arg9 : memref<80x128xf32, #tpu.memory_space<vmem>>) target(%dma_start3A_155 : memref<10000x128xf32, #tpu.memory_space<vmem_shared>>) offsets(%dma_start3A_152 : memref<80xi32, #tpu.memory_space<vmem>>) semaphore(%arg17 : memref<!tpu.dma_semaphore, #tpu.memory_space<semaphore_mem>>) {add = true}
        } else {
        }
      }
      %scan3A_29 = arith.constant 7 : i32
      %dma_wait3A = arith.constant 0 : i32
      %dma_wait3A_30 = arith.constant 0 : i32
      %dma_wait3A_31 = tpu.memref_slice %arg8[%dma_wait3A, %dma_wait3A_30] : memref<25x80xi32, #tpu.memory_space<vmem>> -> memref<1x80xi32, #tpu.memory_space<vmem>>
      %dma_wait3A_32 = tpu.memref_squeeze %dma_wait3A_31 : memref<1x80xi32, #tpu.memory_space<vmem>> -> memref<80xi32, #tpu.memory_space<vmem>>
      %dma_wait3A_33 = arith.constant 0 : i32
      %dma_wait3A_34 = arith.constant 0 : i32
      %dma_wait3A_35 = tpu.memref_slice %arg21[%dma_wait3A_33, %dma_wait3A_34] : memref<10000x128xf32, #tpu.memory_space<vmem_shared>> -> memref<10000x128xf32, #tpu.memory_space<vmem_shared>>
      tpu.wait_indirect_dma semaphore(%arg17 : memref<!tpu.dma_semaphore, #tpu.memory_space<semaphore_mem>>) src(%arg9 : memref<80x128xf32, #tpu.memory_space<vmem>>) dst(%dma_wait3A_35 : memref<10000x128xf32, #tpu.memory_space<vmem_shared>>)
      %dma_wait3A_36 = arith.constant 0 : i32
      %dma_wait3A_37 = arith.constant 0 : i32
      %dma_wait3A_38 = tpu.memref_slice %arg8[%dma_wait3A_36, %dma_wait3A_37] : memref<25x80xi32, #tpu.memory_space<vmem>> -> memref<1x80xi32, #tpu.memory_space<vmem>>
      %dma_wait3A_39 = tpu.memref_squeeze %dma_wait3A_38 : memref<1x80xi32, #tpu.memory_space<vmem>> -> memref<80xi32, #tpu.memory_space<vmem>>
      %dma_wait3A_40 = arith.constant 0 : i32
      %dma_wait3A_41 = arith.constant 0 : i32
      %dma_wait3A_42 = tpu.memref_slice %arg21[%dma_wait3A_40, %dma_wait3A_41] : memref<10000x128xf32, #tpu.memory_space<vmem_shared>> -> memref<10000x128xf32, #tpu.memory_space<vmem_shared>>
      tpu.wait_indirect_dma semaphore(%arg18 : memref<!tpu.dma_semaphore, #tpu.memory_space<semaphore_mem>>) src(%arg10 : memref<80x128xf32, #tpu.memory_space<vmem>>) dst(%dma_wait3A_42 : memref<10000x128xf32, #tpu.memory_space<vmem_shared>>)
      %dma_wait3A_43 = arith.constant 0 : i32
      %dma_wait3A_44 = arith.constant 0 : i32
      %dma_wait3A_45 = tpu.memref_slice %arg8[%dma_wait3A_43, %dma_wait3A_44] : memref<25x80xi32, #tpu.memory_space<vmem>> -> memref<1x80xi32, #tpu.memory_space<vmem>>
      %dma_wait3A_46 = tpu.memref_squeeze %dma_wait3A_45 : memref<1x80xi32, #tpu.memory_space<vmem>> -> memref<80xi32, #tpu.memory_space<vmem>>
      %dma_wait3A_47 = arith.constant 0 : i32
      %dma_wait3A_48 = arith.constant 0 : i32
      %dma_wait3A_49 = tpu.memref_slice %arg21[%dma_wait3A_47, %dma_wait3A_48] : memref<10000x128xf32, #tpu.memory_space<vmem_shared>> -> memref<10000x128xf32, #tpu.memory_space<vmem_shared>>
      tpu.wait_indirect_dma semaphore(%arg19 : memref<!tpu.dma_semaphore, #tpu.memory_space<semaphore_mem>>) src(%arg11 : memref<80x128xf32, #tpu.memory_space<vmem>>) dst(%dma_wait3A_49 : memref<10000x128xf32, #tpu.memory_space<vmem_shared>>)
      %dma_wait3A_50 = arith.constant 0 : i32
      %dma_wait3A_51 = arith.constant 0 : i32
      %dma_wait3A_52 = tpu.memref_slice %arg8[%dma_wait3A_50, %dma_wait3A_51] : memref<25x80xi32, #tpu.memory_space<vmem>> -> memref<1x80xi32, #tpu.memory_space<vmem>>
      %dma_wait3A_53 = tpu.memref_squeeze %dma_wait3A_52 : memref<1x80xi32, #tpu.memory_space<vmem>> -> memref<80xi32, #tpu.memory_space<vmem>>
      %dma_wait3A_54 = arith.constant 0 : i32
      %dma_wait3A_55 = arith.constant 0 : i32
      %dma_wait3A_56 = tpu.memref_slice %arg21[%dma_wait3A_54, %dma_wait3A_55] : memref<10000x128xf32, #tpu.memory_space<vmem_shared>> -> memref<10000x128xf32, #tpu.memory_space<vmem_shared>>
      tpu.wait_indirect_dma semaphore(%arg20 : memref<!tpu.dma_semaphore, #tpu.memory_space<semaphore_mem>>) src(%arg12 : memref<80x128xf32, #tpu.memory_space<vmem>>) dst(%dma_wait3A_56 : memref<10000x128xf32, #tpu.memory_space<vmem_shared>>)
    }
    %scan3A_12 = arith.constant 5 : i32
    %barrier3A_13 = arith.constant 0 : index
    tpu.barrier barrier_id(%barrier3A_13)
    %lt3A = arith.constant 15 : i32
    %lt3A_14 = arith.cmpi slt, %arg1, %lt3A : i32
    %convert_element_type3A_15 = arith.extui %lt3A_14 : i1 to i32
    %cond3A_16 = arith.constant 0 : i32
    %cond3A_17 = arith.cmpi ne, %convert_element_type3A_15, %cond3A_16 : i32
    scf.if %cond3A_17 {
      %mul3A_23 = arith.constant 624 : i32
      %mul3A_24 = arith.muli %arg1, %mul3A_23 : i32
      %mul3A_25 = arith.constant 624 : i32
      %mul3A_26 = arith.muli %arg1, %mul3A_25 : i32
      "tpu.region"() ({
        %run_scoped3A = tpu.sem_alloc : memref<!tpu.dma_semaphore, #tpu.memory_space<semaphore_mem>>
        %dma_start3A = arith.constant 0 : i32
        %dma_start3A_27 = arith.constant 0 : i32
        %dma_start3A_28 = tpu.memref_slice %arg6[%arg0, %dma_start3A, %dma_start3A_27] : memref<2x10000x128xf32, #tpu.memory_space<hbm>> -> memref<1x10000x128xf32, #tpu.memory_space<hbm>>
        %dma_start3A_29 = tpu.memref_squeeze %dma_start3A_28 : memref<1x10000x128xf32, #tpu.memory_space<hbm>> -> memref<10000x128xf32, #tpu.memory_space<hbm>>
        %dma_start3A_30 = arith.constant 0 : i32
        %dma_start3A_31 = tpu.memref_slice %dma_start3A_29[%mul3A_26, %dma_start3A_30] : memref<10000x128xf32, #tpu.memory_space<hbm>> -> memref<624x128xf32, #tpu.memory_space<hbm>>
        %dma_start3A_32 = arith.constant 0 : i32
        %dma_start3A_33 = tpu.memref_slice %arg21[%mul3A_24, %dma_start3A_32] : memref<10000x128xf32, #tpu.memory_space<vmem_shared>> -> memref<624x128xf32, #tpu.memory_space<vmem_shared>>
        tpu.enqueue_dma source(%dma_start3A_33 : memref<624x128xf32, #tpu.memory_space<vmem_shared>>) target(%dma_start3A_31 : memref<624x128xf32, #tpu.memory_space<hbm>>) target_semaphore(%run_scoped3A : memref<!tpu.dma_semaphore, #tpu.memory_space<semaphore_mem>>)
        %dma_wait3A = arith.constant 0 : i32
        %dma_wait3A_34 = arith.constant 0 : i32
        %dma_wait3A_35 = tpu.memref_slice %arg6[%arg0, %dma_wait3A, %dma_wait3A_34] : memref<2x10000x128xf32, #tpu.memory_space<hbm>> -> memref<1x10000x128xf32, #tpu.memory_space<hbm>>
        %dma_wait3A_36 = tpu.memref_squeeze %dma_wait3A_35 : memref<1x10000x128xf32, #tpu.memory_space<hbm>> -> memref<10000x128xf32, #tpu.memory_space<hbm>>
        %dma_wait3A_37 = arith.constant 0 : i32
        %dma_wait3A_38 = tpu.memref_slice %dma_wait3A_36[%mul3A_26, %dma_wait3A_37] : memref<10000x128xf32, #tpu.memory_space<hbm>> -> memref<624x128xf32, #tpu.memory_space<hbm>>
        %dma_wait3A_39 = arith.constant 0 : i32
        %dma_wait3A_40 = tpu.memref_slice %arg21[%mul3A_24, %dma_wait3A_39] : memref<10000x128xf32, #tpu.memory_space<vmem_shared>> -> memref<624x128xf32, #tpu.memory_space<vmem_shared>>
        tpu.wait_dma2 semaphore(%run_scoped3A : memref<!tpu.dma_semaphore, #tpu.memory_space<semaphore_mem>>) src(%dma_wait3A_40 : memref<624x128xf32, #tpu.memory_space<vmem_shared>>) dst(%dma_wait3A_38 : memref<624x128xf32, #tpu.memory_space<hbm>>)
        tpu.yield
      }) : () -> ()
    } else {
    }
    %eq3A_18 = arith.constant 15 : i32
    %eq3A_19 = arith.cmpi eq, %arg1, %eq3A_18 : i32
    %convert_element_type3A_20 = arith.extui %eq3A_19 : i1 to i32
    %cond3A_21 = arith.constant 0 : i32
    %cond3A_22 = arith.cmpi ne, %convert_element_type3A_20, %cond3A_21 : i32
    scf.if %cond3A_22 {
      "tpu.region"() ({
        %run_scoped3A = tpu.sem_alloc : memref<!tpu.dma_semaphore, #tpu.memory_space<semaphore_mem>>
        %dma_start3A = arith.constant 0 : i32
        %dma_start3A_23 = arith.constant 0 : i32
        %dma_start3A_24 = tpu.memref_slice %arg6[%arg0, %dma_start3A, %dma_start3A_23] : memref<2x10000x128xf32, #tpu.memory_space<hbm>> -> memref<1x10000x128xf32, #tpu.memory_space<hbm>>
        %dma_start3A_25 = tpu.memref_squeeze %dma_start3A_24 : memref<1x10000x128xf32, #tpu.memory_space<hbm>> -> memref<10000x128xf32, #tpu.memory_space<hbm>>
        %dma_start3A_26 = arith.constant 9360 : i32
        %dma_start3A_27 = arith.constant 0 : i32
        %dma_start3A_28 = tpu.memref_slice %dma_start3A_25[%dma_start3A_26, %dma_start3A_27] : memref<10000x128xf32, #tpu.memory_space<hbm>> -> memref<640x128xf32, #tpu.memory_space<hbm>>
        %dma_start3A_29 = arith.constant 9360 : i32
        %dma_start3A_30 = arith.constant 0 : i32
        %dma_start3A_31 = tpu.memref_slice %arg21[%dma_start3A_29, %dma_start3A_30] : memref<10000x128xf32, #tpu.memory_space<vmem_shared>> -> memref<640x128xf32, #tpu.memory_space<vmem_shared>>
        tpu.enqueue_dma source(%dma_start3A_31 : memref<640x128xf32, #tpu.memory_space<vmem_shared>>) target(%dma_start3A_28 : memref<640x128xf32, #tpu.memory_space<hbm>>) target_semaphore(%run_scoped3A : memref<!tpu.dma_semaphore, #tpu.memory_space<semaphore_mem>>)
        %dma_wait3A = arith.constant 0 : i32
        %dma_wait3A_32 = arith.constant 0 : i32
        %dma_wait3A_33 = tpu.memref_slice %arg6[%arg0, %dma_wait3A, %dma_wait3A_32] : memref<2x10000x128xf32, #tpu.memory_space<hbm>> -> memref<1x10000x128xf32, #tpu.memory_space<hbm>>
        %dma_wait3A_34 = tpu.memref_squeeze %dma_wait3A_33 : memref<1x10000x128xf32, #tpu.memory_space<hbm>> -> memref<10000x128xf32, #tpu.memory_space<hbm>>
        %dma_wait3A_35 = arith.constant 9360 : i32
        %dma_wait3A_36 = arith.constant 0 : i32
        %dma_wait3A_37 = tpu.memref_slice %dma_wait3A_34[%dma_wait3A_35, %dma_wait3A_36] : memref<10000x128xf32, #tpu.memory_space<hbm>> -> memref<640x128xf32, #tpu.memory_space<hbm>>
        %dma_wait3A_38 = arith.constant 9360 : i32
        %dma_wait3A_39 = arith.constant 0 : i32
        %dma_wait3A_40 = tpu.memref_slice %arg21[%dma_wait3A_38, %dma_wait3A_39] : memref<10000x128xf32, #tpu.memory_space<vmem_shared>> -> memref<640x128xf32, #tpu.memory_space<vmem_shared>>
        tpu.wait_dma2 semaphore(%run_scoped3A : memref<!tpu.dma_semaphore, #tpu.memory_space<semaphore_mem>>) src(%dma_wait3A_40 : memref<640x128xf32, #tpu.memory_space<vmem_shared>>) dst(%dma_wait3A_37 : memref<640x128xf32, #tpu.memory_space<hbm>>)
        tpu.yield
      }) : () -> ()
    } else {
    }
    return
  }
}

#map = affine_map<(d0, d1) -> (0, 0)>
#map1 = affine_map<(d0, d1) -> (0, 0, 0, 0)>
#map2 = affine_map<(d0, d1) -> (0, 0, 0)>
module attributes {stable_mosaic.version = 14 : i64} {
  func.func @_sc_edge_entry(%arg0: i32, %arg1: i32, %arg2: memref<10000x128xf32, #tpu.memory_space<hbm>>, %arg3: memref<32x5x25x80xi32, #tpu.memory_space<hbm>>, %arg4: memref<32x5x25x80xi32, #tpu.memory_space<hbm>>, %arg5: memref<10000x128xf32, #tpu.memory_space<hbm>>, %arg6: memref<2x10000x128xf32, #tpu.memory_space<hbm>>, %arg7: memref<25x80xi32, #tpu.memory_space<vmem>>, %arg8: memref<25x80xi32, #tpu.memory_space<vmem>>, %arg9: memref<80x128xf32, #tpu.memory_space<vmem>>, %arg10: memref<80x128xf32, #tpu.memory_space<vmem>>, %arg11: memref<80x128xf32, #tpu.memory_space<vmem>>, %arg12: memref<80x128xf32, #tpu.memory_space<vmem>>, %arg13: memref<!tpu.dma_semaphore, #tpu.memory_space<semaphore_mem>>, %arg14: memref<!tpu.dma_semaphore, #tpu.memory_space<semaphore_mem>>, %arg15: memref<!tpu.dma_semaphore, #tpu.memory_space<semaphore_mem>>, %arg16: memref<!tpu.dma_semaphore, #tpu.memory_space<semaphore_mem>>, %arg17: memref<!tpu.dma_semaphore, #tpu.memory_space<semaphore_mem>>, %arg18: memref<!tpu.dma_semaphore, #tpu.memory_space<semaphore_mem>>, %arg19: memref<!tpu.dma_semaphore, #tpu.memory_space<semaphore_mem>>, %arg20: memref<!tpu.dma_semaphore, #tpu.memory_space<semaphore_mem>>, %arg21: memref<10000x128xf32, #tpu.memory_space<vmem_shared>>) attributes {dimension_semantics = [#tpu.dimension_semantics<core_parallel>, #tpu.dimension_semantics<subcore_parallel>], iteration_bounds = array<i64: 2, 16>, scalar_prefetch = 0 : i64, scratch_operands = 15 : i64, tpu.core_type = #tpu.core_type<sc_vector_subcore>, window_params = [{transform_indices = #map}, {transform_indices = #map1}, {transform_indices = #map1}, {transform_indices = #map}, {transform_indices = #map2}]} {
    %mul3A = arith.constant 16 : i32
    %mul3A_0 = arith.muli %arg0, %mul3A : i32
    %add3A = arith.addi %mul3A_0, %arg1 : i32
    %eq3A = arith.constant 0 : i32
    %eq3A_1 = arith.cmpi eq, %arg0, %eq3A : i32
    %convert_element_type3A = arith.extui %eq3A_1 : i1 to i32
    %cond3A = arith.constant 0 : i32
    %cond3A_2 = arith.cmpi ne, %convert_element_type3A, %cond3A : i32
    scf.if %cond3A_2 {
      %lt3A_23 = arith.constant 15 : i32
      %lt3A_24 = arith.cmpi slt, %arg1, %lt3A_23 : i32
      %convert_element_type3A_25 = arith.extui %lt3A_24 : i1 to i32
      %cond3A_26 = arith.constant 0 : i32
      %cond3A_27 = arith.cmpi ne, %convert_element_type3A_25, %cond3A_26 : i32
      scf.if %cond3A_27 {
        %mul3A_33 = arith.constant 624 : i32
        %mul3A_34 = arith.muli %arg1, %mul3A_33 : i32
        %mul3A_35 = arith.constant 624 : i32
        %mul3A_36 = arith.muli %arg1, %mul3A_35 : i32
        "tpu.region"() ({
          %run_scoped3A = tpu.sem_alloc : memref<!tpu.dma_semaphore, #tpu.memory_space<semaphore_mem>>
          %dma_start3A = arith.constant 0 : i32
          %dma_start3A_37 = tpu.memref_slice %arg21[%mul3A_36, %dma_start3A] : memref<10000x128xf32, #tpu.memory_space<vmem_shared>> -> memref<624x128xf32, #tpu.memory_space<vmem_shared>>
          %dma_start3A_38 = arith.constant 0 : i32
          %dma_start3A_39 = tpu.memref_slice %arg2[%mul3A_34, %dma_start3A_38] : memref<10000x128xf32, #tpu.memory_space<hbm>> -> memref<624x128xf32, #tpu.memory_space<hbm>>
          tpu.enqueue_dma source(%dma_start3A_39 : memref<624x128xf32, #tpu.memory_space<hbm>>) target(%dma_start3A_37 : memref<624x128xf32, #tpu.memory_space<vmem_shared>>) target_semaphore(%run_scoped3A : memref<!tpu.dma_semaphore, #tpu.memory_space<semaphore_mem>>)
          %dma_wait3A = arith.constant 0 : i32
          %dma_wait3A_40 = tpu.memref_slice %arg21[%mul3A_36, %dma_wait3A] : memref<10000x128xf32, #tpu.memory_space<vmem_shared>> -> memref<624x128xf32, #tpu.memory_space<vmem_shared>>
          %dma_wait3A_41 = arith.constant 0 : i32
          %dma_wait3A_42 = tpu.memref_slice %arg2[%mul3A_34, %dma_wait3A_41] : memref<10000x128xf32, #tpu.memory_space<hbm>> -> memref<624x128xf32, #tpu.memory_space<hbm>>
          tpu.wait_dma2 semaphore(%run_scoped3A : memref<!tpu.dma_semaphore, #tpu.memory_space<semaphore_mem>>) src(%dma_wait3A_42 : memref<624x128xf32, #tpu.memory_space<hbm>>) dst(%dma_wait3A_40 : memref<624x128xf32, #tpu.memory_space<vmem_shared>>)
          tpu.yield
        }) : () -> ()
      } else {
      }
      %eq3A_28 = arith.constant 15 : i32
      %eq3A_29 = arith.cmpi eq, %arg1, %eq3A_28 : i32
      %convert_element_type3A_30 = arith.extui %eq3A_29 : i1 to i32
      %cond3A_31 = arith.constant 0 : i32
      %cond3A_32 = arith.cmpi ne, %convert_element_type3A_30, %cond3A_31 : i32
      scf.if %cond3A_32 {
        "tpu.region"() ({
          %run_scoped3A = tpu.sem_alloc : memref<!tpu.dma_semaphore, #tpu.memory_space<semaphore_mem>>
          %dma_start3A = arith.constant 9360 : i32
          %dma_start3A_33 = arith.constant 0 : i32
          %dma_start3A_34 = tpu.memref_slice %arg21[%dma_start3A, %dma_start3A_33] : memref<10000x128xf32, #tpu.memory_space<vmem_shared>> -> memref<640x128xf32, #tpu.memory_space<vmem_shared>>
          %dma_start3A_35 = arith.constant 9360 : i32
          %dma_start3A_36 = arith.constant 0 : i32
          %dma_start3A_37 = tpu.memref_slice %arg2[%dma_start3A_35, %dma_start3A_36] : memref<10000x128xf32, #tpu.memory_space<hbm>> -> memref<640x128xf32, #tpu.memory_space<hbm>>
          tpu.enqueue_dma source(%dma_start3A_37 : memref<640x128xf32, #tpu.memory_space<hbm>>) target(%dma_start3A_34 : memref<640x128xf32, #tpu.memory_space<vmem_shared>>) target_semaphore(%run_scoped3A : memref<!tpu.dma_semaphore, #tpu.memory_space<semaphore_mem>>)
          %dma_wait3A = arith.constant 9360 : i32
          %dma_wait3A_38 = arith.constant 0 : i32
          %dma_wait3A_39 = tpu.memref_slice %arg21[%dma_wait3A, %dma_wait3A_38] : memref<10000x128xf32, #tpu.memory_space<vmem_shared>> -> memref<640x128xf32, #tpu.memory_space<vmem_shared>>
          %dma_wait3A_40 = arith.constant 9360 : i32
          %dma_wait3A_41 = arith.constant 0 : i32
          %dma_wait3A_42 = tpu.memref_slice %arg2[%dma_wait3A_40, %dma_wait3A_41] : memref<10000x128xf32, #tpu.memory_space<hbm>> -> memref<640x128xf32, #tpu.memory_space<hbm>>
          tpu.wait_dma2 semaphore(%run_scoped3A : memref<!tpu.dma_semaphore, #tpu.memory_space<semaphore_mem>>) src(%dma_wait3A_42 : memref<640x128xf32, #tpu.memory_space<hbm>>) dst(%dma_wait3A_39 : memref<640x128xf32, #tpu.memory_space<vmem_shared>>)
          tpu.yield
        }) : () -> ()
      } else {
      }
    } else {
    }
    %eq3A_3 = arith.constant 1 : i32
    %eq3A_4 = arith.cmpi eq, %arg0, %eq3A_3 : i32
    %convert_element_type3A_5 = arith.extui %eq3A_4 : i1 to i32
    %cond3A_6 = arith.constant 0 : i32
    %cond3A_7 = arith.cmpi ne, %convert_element_type3A_5, %cond3A_6 : i32
    scf.if %cond3A_7 {
      %lt3A_23 = arith.constant 15 : i32
      %lt3A_24 = arith.cmpi slt, %arg1, %lt3A_23 : i32
      %convert_element_type3A_25 = arith.extui %lt3A_24 : i1 to i32
      %cond3A_26 = arith.constant 0 : i32
      %cond3A_27 = arith.cmpi ne, %convert_element_type3A_25, %cond3A_26 : i32
      scf.if %cond3A_27 {
        %mul3A_33 = arith.constant 624 : i32
        %mul3A_34 = arith.muli %arg1, %mul3A_33 : i32
        %mul3A_35 = arith.constant 624 : i32
        %mul3A_36 = arith.muli %arg1, %mul3A_35 : i32
        "tpu.region"() ({
          %run_scoped3A = tpu.sem_alloc : memref<!tpu.dma_semaphore, #tpu.memory_space<semaphore_mem>>
          %dma_start3A = arith.constant 0 : i32
          %dma_start3A_37 = tpu.memref_slice %arg21[%mul3A_36, %dma_start3A] : memref<10000x128xf32, #tpu.memory_space<vmem_shared>> -> memref<624x128xf32, #tpu.memory_space<vmem_shared>>
          %dma_start3A_38 = arith.constant 0 : i32
          %dma_start3A_39 = tpu.memref_slice %arg5[%mul3A_34, %dma_start3A_38] : memref<10000x128xf32, #tpu.memory_space<hbm>> -> memref<624x128xf32, #tpu.memory_space<hbm>>
          tpu.enqueue_dma source(%dma_start3A_39 : memref<624x128xf32, #tpu.memory_space<hbm>>) target(%dma_start3A_37 : memref<624x128xf32, #tpu.memory_space<vmem_shared>>) target_semaphore(%run_scoped3A : memref<!tpu.dma_semaphore, #tpu.memory_space<semaphore_mem>>)
          %dma_wait3A = arith.constant 0 : i32
          %dma_wait3A_40 = tpu.memref_slice %arg21[%mul3A_36, %dma_wait3A] : memref<10000x128xf32, #tpu.memory_space<vmem_shared>> -> memref<624x128xf32, #tpu.memory_space<vmem_shared>>
          %dma_wait3A_41 = arith.constant 0 : i32
          %dma_wait3A_42 = tpu.memref_slice %arg5[%mul3A_34, %dma_wait3A_41] : memref<10000x128xf32, #tpu.memory_space<hbm>> -> memref<624x128xf32, #tpu.memory_space<hbm>>
          tpu.wait_dma2 semaphore(%run_scoped3A : memref<!tpu.dma_semaphore, #tpu.memory_space<semaphore_mem>>) src(%dma_wait3A_42 : memref<624x128xf32, #tpu.memory_space<hbm>>) dst(%dma_wait3A_40 : memref<624x128xf32, #tpu.memory_space<vmem_shared>>)
          tpu.yield
        }) : () -> ()
      } else {
      }
      %eq3A_28 = arith.constant 15 : i32
      %eq3A_29 = arith.cmpi eq, %arg1, %eq3A_28 : i32
      %convert_element_type3A_30 = arith.extui %eq3A_29 : i1 to i32
      %cond3A_31 = arith.constant 0 : i32
      %cond3A_32 = arith.cmpi ne, %convert_element_type3A_30, %cond3A_31 : i32
      scf.if %cond3A_32 {
        "tpu.region"() ({
          %run_scoped3A = tpu.sem_alloc : memref<!tpu.dma_semaphore, #tpu.memory_space<semaphore_mem>>
          %dma_start3A = arith.constant 9360 : i32
          %dma_start3A_33 = arith.constant 0 : i32
          %dma_start3A_34 = tpu.memref_slice %arg21[%dma_start3A, %dma_start3A_33] : memref<10000x128xf32, #tpu.memory_space<vmem_shared>> -> memref<640x128xf32, #tpu.memory_space<vmem_shared>>
          %dma_start3A_35 = arith.constant 9360 : i32
          %dma_start3A_36 = arith.constant 0 : i32
          %dma_start3A_37 = tpu.memref_slice %arg5[%dma_start3A_35, %dma_start3A_36] : memref<10000x128xf32, #tpu.memory_space<hbm>> -> memref<640x128xf32, #tpu.memory_space<hbm>>
          tpu.enqueue_dma source(%dma_start3A_37 : memref<640x128xf32, #tpu.memory_space<hbm>>) target(%dma_start3A_34 : memref<640x128xf32, #tpu.memory_space<vmem_shared>>) target_semaphore(%run_scoped3A : memref<!tpu.dma_semaphore, #tpu.memory_space<semaphore_mem>>)
          %dma_wait3A = arith.constant 9360 : i32
          %dma_wait3A_38 = arith.constant 0 : i32
          %dma_wait3A_39 = tpu.memref_slice %arg21[%dma_wait3A, %dma_wait3A_38] : memref<10000x128xf32, #tpu.memory_space<vmem_shared>> -> memref<640x128xf32, #tpu.memory_space<vmem_shared>>
          %dma_wait3A_40 = arith.constant 9360 : i32
          %dma_wait3A_41 = arith.constant 0 : i32
          %dma_wait3A_42 = tpu.memref_slice %arg5[%dma_wait3A_40, %dma_wait3A_41] : memref<10000x128xf32, #tpu.memory_space<hbm>> -> memref<640x128xf32, #tpu.memory_space<hbm>>
          tpu.wait_dma2 semaphore(%run_scoped3A : memref<!tpu.dma_semaphore, #tpu.memory_space<semaphore_mem>>) src(%dma_wait3A_42 : memref<640x128xf32, #tpu.memory_space<hbm>>) dst(%dma_wait3A_39 : memref<640x128xf32, #tpu.memory_space<vmem_shared>>)
          tpu.yield
        }) : () -> ()
      } else {
      }
    } else {
    }
    %barrier3A = arith.constant 0 : index
    tpu.barrier barrier_id(%barrier3A)
    %scan3A = arith.constant 0 : i32
    %scan3A_8 = arith.constant 0 : i32
    %scan3A_9 = arith.constant 5 : i32
    %scan3A_10 = arith.addi %scan3A_8, %scan3A_9 : i32
    %scan3A_11 = arith.constant 1 : i32
    scf.for %scan3A_23 = %scan3A_8 to %scan3A_10 step %scan3A_11  : i32 {
      "tpu.region"() ({
        %run_scoped3A = tpu.sem_alloc : memref<!tpu.dma_semaphore, #tpu.memory_space<semaphore_mem>>
        %dma_start3A = arith.constant 0 : i32
        %dma_start3A_57 = arith.constant 0 : i32
        %dma_start3A_58 = tpu.memref_slice %arg3[%add3A, %scan3A_23, %dma_start3A, %dma_start3A_57] : memref<32x5x25x80xi32, #tpu.memory_space<hbm>> -> memref<1x1x25x80xi32, #tpu.memory_space<hbm>>
        %dma_start3A_59 = tpu.memref_squeeze %dma_start3A_58 : memref<1x1x25x80xi32, #tpu.memory_space<hbm>> -> memref<25x80xi32, #tpu.memory_space<hbm>>
        %dma_start3A_60 = arith.constant 0 : i32
        %dma_start3A_61 = arith.constant 0 : i32
        %dma_start3A_62 = tpu.memref_slice %arg3[%add3A, %scan3A_23, %dma_start3A_60, %dma_start3A_61] : memref<32x5x25x80xi32, #tpu.memory_space<hbm>> -> memref<1x1x25x80xi32, #tpu.memory_space<hbm>>
        %dma_start3A_63 = tpu.memref_squeeze %dma_start3A_62 : memref<1x1x25x80xi32, #tpu.memory_space<hbm>> -> memref<25x80xi32, #tpu.memory_space<hbm>>
        tpu.enqueue_dma source(%dma_start3A_63 : memref<25x80xi32, #tpu.memory_space<hbm>>) target(%arg7 : memref<25x80xi32, #tpu.memory_space<vmem>>) target_semaphore(%run_scoped3A : memref<!tpu.dma_semaphore, #tpu.memory_space<semaphore_mem>>)
        %dma_wait3A_64 = arith.constant 0 : i32
        %dma_wait3A_65 = arith.constant 0 : i32
        %dma_wait3A_66 = tpu.memref_slice %arg3[%add3A, %scan3A_23, %dma_wait3A_64, %dma_wait3A_65] : memref<32x5x25x80xi32, #tpu.memory_space<hbm>> -> memref<1x1x25x80xi32, #tpu.memory_space<hbm>>
        %dma_wait3A_67 = tpu.memref_squeeze %dma_wait3A_66 : memref<1x1x25x80xi32, #tpu.memory_space<hbm>> -> memref<25x80xi32, #tpu.memory_space<hbm>>
        %dma_wait3A_68 = arith.constant 0 : i32
        %dma_wait3A_69 = arith.constant 0 : i32
        %dma_wait3A_70 = tpu.memref_slice %arg3[%add3A, %scan3A_23, %dma_wait3A_68, %dma_wait3A_69] : memref<32x5x25x80xi32, #tpu.memory_space<hbm>> -> memref<1x1x25x80xi32, #tpu.memory_space<hbm>>
        %dma_wait3A_71 = tpu.memref_squeeze %dma_wait3A_70 : memref<1x1x25x80xi32, #tpu.memory_space<hbm>> -> memref<25x80xi32, #tpu.memory_space<hbm>>
        tpu.wait_dma2 semaphore(%run_scoped3A : memref<!tpu.dma_semaphore, #tpu.memory_space<semaphore_mem>>) src(%dma_wait3A_71 : memref<25x80xi32, #tpu.memory_space<hbm>>) dst(%arg7 : memref<25x80xi32, #tpu.memory_space<vmem>>)
        tpu.yield
      }) : () -> ()
      "tpu.region"() ({
        %run_scoped3A = tpu.sem_alloc : memref<!tpu.dma_semaphore, #tpu.memory_space<semaphore_mem>>
        %dma_start3A = arith.constant 0 : i32
        %dma_start3A_57 = arith.constant 0 : i32
        %dma_start3A_58 = tpu.memref_slice %arg4[%add3A, %scan3A_23, %dma_start3A, %dma_start3A_57] : memref<32x5x25x80xi32, #tpu.memory_space<hbm>> -> memref<1x1x25x80xi32, #tpu.memory_space<hbm>>
        %dma_start3A_59 = tpu.memref_squeeze %dma_start3A_58 : memref<1x1x25x80xi32, #tpu.memory_space<hbm>> -> memref<25x80xi32, #tpu.memory_space<hbm>>
        %dma_start3A_60 = arith.constant 0 : i32
        %dma_start3A_61 = arith.constant 0 : i32
        %dma_start3A_62 = tpu.memref_slice %arg4[%add3A, %scan3A_23, %dma_start3A_60, %dma_start3A_61] : memref<32x5x25x80xi32, #tpu.memory_space<hbm>> -> memref<1x1x25x80xi32, #tpu.memory_space<hbm>>
        %dma_start3A_63 = tpu.memref_squeeze %dma_start3A_62 : memref<1x1x25x80xi32, #tpu.memory_space<hbm>> -> memref<25x80xi32, #tpu.memory_space<hbm>>
        tpu.enqueue_dma source(%dma_start3A_63 : memref<25x80xi32, #tpu.memory_space<hbm>>) target(%arg8 : memref<25x80xi32, #tpu.memory_space<vmem>>) target_semaphore(%run_scoped3A : memref<!tpu.dma_semaphore, #tpu.memory_space<semaphore_mem>>)
        %dma_wait3A_64 = arith.constant 0 : i32
        %dma_wait3A_65 = arith.constant 0 : i32
        %dma_wait3A_66 = tpu.memref_slice %arg4[%add3A, %scan3A_23, %dma_wait3A_64, %dma_wait3A_65] : memref<32x5x25x80xi32, #tpu.memory_space<hbm>> -> memref<1x1x25x80xi32, #tpu.memory_space<hbm>>
        %dma_wait3A_67 = tpu.memref_squeeze %dma_wait3A_66 : memref<1x1x25x80xi32, #tpu.memory_space<hbm>> -> memref<25x80xi32, #tpu.memory_space<hbm>>
        %dma_wait3A_68 = arith.constant 0 : i32
        %dma_wait3A_69 = arith.constant 0 : i32
        %dma_wait3A_70 = tpu.memref_slice %arg4[%add3A, %scan3A_23, %dma_wait3A_68, %dma_wait3A_69] : memref<32x5x25x80xi32, #tpu.memory_space<hbm>> -> memref<1x1x25x80xi32, #tpu.memory_space<hbm>>
        %dma_wait3A_71 = tpu.memref_squeeze %dma_wait3A_70 : memref<1x1x25x80xi32, #tpu.memory_space<hbm>> -> memref<25x80xi32, #tpu.memory_space<hbm>>
        tpu.wait_dma2 semaphore(%run_scoped3A : memref<!tpu.dma_semaphore, #tpu.memory_space<semaphore_mem>>) src(%dma_wait3A_71 : memref<25x80xi32, #tpu.memory_space<hbm>>) dst(%arg8 : memref<25x80xi32, #tpu.memory_space<vmem>>)
        tpu.yield
      }) : () -> ()
      %scan3A_24 = arith.constant 0 : i32
      %scan3A_25 = arith.constant 0 : i32
      %scan3A_26 = arith.constant 7 : i32
      %scan3A_27 = arith.addi %scan3A_25, %scan3A_26 : i32
      %scan3A_28 = arith.constant 1 : i32
      scf.for %scan3A_57 = %scan3A_25 to %scan3A_27 step %scan3A_28  : i32 {
        %mul3A_58 = arith.constant 4 : i32
        %mul3A_59 = arith.muli %mul3A_58, %scan3A_57 : i32
        %add3A_60 = arith.constant 0 : i32
        %add3A_61 = arith.addi %mul3A_59, %add3A_60 : i32
        %ge3A = arith.constant 4 : i32
        %ge3A_62 = arith.cmpi sge, %add3A_61, %ge3A : i32
        %lt3A_63 = arith.constant 25 : i32
        %lt3A_64 = arith.cmpi slt, %add3A_61, %lt3A_63 : i32
        %and3A = arith.andi %ge3A_62, %lt3A_64 : i1
        %convert_element_type3A_65 = arith.extui %and3A : i1 to i32
        %cond3A_66 = arith.constant 0 : i32
        %cond3A_67 = arith.cmpi ne, %convert_element_type3A_65, %cond3A_66 : i32
        scf.if %cond3A_67 {
          %dma_wait3A_144 = arith.constant 0 : i32
          %dma_wait3A_145 = arith.constant 0 : i32
          %dma_wait3A_146 = tpu.memref_slice %arg8[%dma_wait3A_144, %dma_wait3A_145] : memref<25x80xi32, #tpu.memory_space<vmem>> -> memref<1x80xi32, #tpu.memory_space<vmem>>
          %dma_wait3A_147 = tpu.memref_squeeze %dma_wait3A_146 : memref<1x80xi32, #tpu.memory_space<vmem>> -> memref<80xi32, #tpu.memory_space<vmem>>
          %dma_wait3A_148 = arith.constant 0 : i32
          %dma_wait3A_149 = arith.constant 0 : i32
          %dma_wait3A_150 = tpu.memref_slice %arg21[%dma_wait3A_148, %dma_wait3A_149] : memref<10000x128xf32, #tpu.memory_space<vmem_shared>> -> memref<10000x128xf32, #tpu.memory_space<vmem_shared>>
          tpu.wait_indirect_dma semaphore(%arg17 : memref<!tpu.dma_semaphore, #tpu.memory_space<semaphore_mem>>) src(%arg9 : memref<80x128xf32, #tpu.memory_space<vmem>>) dst(%dma_wait3A_150 : memref<10000x128xf32, #tpu.memory_space<vmem_shared>>)
        } else {
        }
        %lt3A_68 = arith.constant 25 : i32
        %lt3A_69 = arith.cmpi slt, %add3A_61, %lt3A_68 : i32
        %convert_element_type3A_70 = arith.extui %lt3A_69 : i1 to i32
        %cond3A_71 = arith.constant 0 : i32
        %cond3A_72 = arith.cmpi ne, %convert_element_type3A_70, %cond3A_71 : i32
        scf.if %cond3A_72 {
          %dma_start3A = arith.constant 0 : i32
          %dma_start3A_144 = tpu.memref_slice %arg7[%add3A_61, %dma_start3A] : memref<25x80xi32, #tpu.memory_space<vmem>> -> memref<1x80xi32, #tpu.memory_space<vmem>>
          %dma_start3A_145 = tpu.memref_squeeze %dma_start3A_144 : memref<1x80xi32, #tpu.memory_space<vmem>> -> memref<80xi32, #tpu.memory_space<vmem>>
          %dma_start3A_146 = arith.constant 0 : i32
          %dma_start3A_147 = arith.constant 0 : i32
          %dma_start3A_148 = tpu.memref_slice %arg2[%dma_start3A_146, %dma_start3A_147] : memref<10000x128xf32, #tpu.memory_space<hbm>> -> memref<10000x128xf32, #tpu.memory_space<hbm>>
          tpu.enqueue_indirect_dma source(%dma_start3A_148 : memref<10000x128xf32, #tpu.memory_space<hbm>>) target(%arg9 : memref<80x128xf32, #tpu.memory_space<vmem>>) offsets(%dma_start3A_145 : memref<80xi32, #tpu.memory_space<vmem>>) semaphore(%arg13 : memref<!tpu.dma_semaphore, #tpu.memory_space<semaphore_mem>>)
        } else {
        }
        %ge3A_73 = arith.constant 3 : i32
        %ge3A_74 = arith.cmpi sge, %add3A_61, %ge3A_73 : i32
        %convert_element_type3A_75 = arith.extui %ge3A_74 : i1 to i32
        %cond3A_76 = arith.constant 0 : i32
        %cond3A_77 = arith.cmpi ne, %convert_element_type3A_75, %cond3A_76 : i32
        scf.if %cond3A_77 {
          %sub3A = arith.constant 3 : i32
          %sub3A_144 = arith.subi %add3A_61, %sub3A : i32
          %dma_wait3A_145 = arith.constant 0 : i32
          %dma_wait3A_146 = tpu.memref_slice %arg7[%sub3A_144, %dma_wait3A_145] : memref<25x80xi32, #tpu.memory_space<vmem>> -> memref<1x80xi32, #tpu.memory_space<vmem>>
          %dma_wait3A_147 = tpu.memref_squeeze %dma_wait3A_146 : memref<1x80xi32, #tpu.memory_space<vmem>> -> memref<80xi32, #tpu.memory_space<vmem>>
          %dma_wait3A_148 = arith.constant 0 : i32
          %dma_wait3A_149 = arith.constant 0 : i32
          %dma_wait3A_150 = tpu.memref_slice %arg2[%dma_wait3A_148, %dma_wait3A_149] : memref<10000x128xf32, #tpu.memory_space<hbm>> -> memref<10000x128xf32, #tpu.memory_space<hbm>>
          tpu.wait_indirect_dma semaphore(%arg14 : memref<!tpu.dma_semaphore, #tpu.memory_space<semaphore_mem>>) src(%dma_wait3A_150 : memref<10000x128xf32, #tpu.memory_space<hbm>>) dst(%arg10 : memref<80x128xf32, #tpu.memory_space<vmem>>)
          %dma_start3A = arith.constant 0 : i32
          %dma_start3A_151 = tpu.memref_slice %arg8[%sub3A_144, %dma_start3A] : memref<25x80xi32, #tpu.memory_space<vmem>> -> memref<1x80xi32, #tpu.memory_space<vmem>>
          %dma_start3A_152 = tpu.memref_squeeze %dma_start3A_151 : memref<1x80xi32, #tpu.memory_space<vmem>> -> memref<80xi32, #tpu.memory_space<vmem>>
          %dma_start3A_153 = arith.constant 0 : i32
          %dma_start3A_154 = arith.constant 0 : i32
          %dma_start3A_155 = tpu.memref_slice %arg21[%dma_start3A_153, %dma_start3A_154] : memref<10000x128xf32, #tpu.memory_space<vmem_shared>> -> memref<10000x128xf32, #tpu.memory_space<vmem_shared>>
          tpu.enqueue_indirect_dma source(%arg10 : memref<80x128xf32, #tpu.memory_space<vmem>>) target(%dma_start3A_155 : memref<10000x128xf32, #tpu.memory_space<vmem_shared>>) offsets(%dma_start3A_152 : memref<80xi32, #tpu.memory_space<vmem>>) semaphore(%arg18 : memref<!tpu.dma_semaphore, #tpu.memory_space<semaphore_mem>>) {add = true}
        } else {
        }
        %mul3A_78 = arith.constant 4 : i32
        %mul3A_79 = arith.muli %mul3A_78, %scan3A_57 : i32
        %add3A_80 = arith.constant 1 : i32
        %add3A_81 = arith.addi %mul3A_79, %add3A_80 : i32
        %ge3A_82 = arith.constant 4 : i32
        %ge3A_83 = arith.cmpi sge, %add3A_81, %ge3A_82 : i32
        %lt3A_84 = arith.constant 25 : i32
        %lt3A_85 = arith.cmpi slt, %add3A_81, %lt3A_84 : i32
        %and3A_86 = arith.andi %ge3A_83, %lt3A_85 : i1
        %convert_element_type3A_87 = arith.extui %and3A_86 : i1 to i32
        %cond3A_88 = arith.constant 0 : i32
        %cond3A_89 = arith.cmpi ne, %convert_element_type3A_87, %cond3A_88 : i32
        scf.if %cond3A_89 {
          %dma_wait3A_144 = arith.constant 0 : i32
          %dma_wait3A_145 = arith.constant 0 : i32
          %dma_wait3A_146 = tpu.memref_slice %arg8[%dma_wait3A_144, %dma_wait3A_145] : memref<25x80xi32, #tpu.memory_space<vmem>> -> memref<1x80xi32, #tpu.memory_space<vmem>>
          %dma_wait3A_147 = tpu.memref_squeeze %dma_wait3A_146 : memref<1x80xi32, #tpu.memory_space<vmem>> -> memref<80xi32, #tpu.memory_space<vmem>>
          %dma_wait3A_148 = arith.constant 0 : i32
          %dma_wait3A_149 = arith.constant 0 : i32
          %dma_wait3A_150 = tpu.memref_slice %arg21[%dma_wait3A_148, %dma_wait3A_149] : memref<10000x128xf32, #tpu.memory_space<vmem_shared>> -> memref<10000x128xf32, #tpu.memory_space<vmem_shared>>
          tpu.wait_indirect_dma semaphore(%arg18 : memref<!tpu.dma_semaphore, #tpu.memory_space<semaphore_mem>>) src(%arg10 : memref<80x128xf32, #tpu.memory_space<vmem>>) dst(%dma_wait3A_150 : memref<10000x128xf32, #tpu.memory_space<vmem_shared>>)
        } else {
        }
        %lt3A_90 = arith.constant 25 : i32
        %lt3A_91 = arith.cmpi slt, %add3A_81, %lt3A_90 : i32
        %convert_element_type3A_92 = arith.extui %lt3A_91 : i1 to i32
        %cond3A_93 = arith.constant 0 : i32
        %cond3A_94 = arith.cmpi ne, %convert_element_type3A_92, %cond3A_93 : i32
        scf.if %cond3A_94 {
          %dma_start3A = arith.constant 0 : i32
          %dma_start3A_144 = tpu.memref_slice %arg7[%add3A_81, %dma_start3A] : memref<25x80xi32, #tpu.memory_space<vmem>> -> memref<1x80xi32, #tpu.memory_space<vmem>>
          %dma_start3A_145 = tpu.memref_squeeze %dma_start3A_144 : memref<1x80xi32, #tpu.memory_space<vmem>> -> memref<80xi32, #tpu.memory_space<vmem>>
          %dma_start3A_146 = arith.constant 0 : i32
          %dma_start3A_147 = arith.constant 0 : i32
          %dma_start3A_148 = tpu.memref_slice %arg2[%dma_start3A_146, %dma_start3A_147] : memref<10000x128xf32, #tpu.memory_space<hbm>> -> memref<10000x128xf32, #tpu.memory_space<hbm>>
          tpu.enqueue_indirect_dma source(%dma_start3A_148 : memref<10000x128xf32, #tpu.memory_space<hbm>>) target(%arg10 : memref<80x128xf32, #tpu.memory_space<vmem>>) offsets(%dma_start3A_145 : memref<80xi32, #tpu.memory_space<vmem>>) semaphore(%arg14 : memref<!tpu.dma_semaphore, #tpu.memory_space<semaphore_mem>>)
        } else {
        }
        %ge3A_95 = arith.constant 3 : i32
        %ge3A_96 = arith.cmpi sge, %add3A_81, %ge3A_95 : i32
        %convert_element_type3A_97 = arith.extui %ge3A_96 : i1 to i32
        %cond3A_98 = arith.constant 0 : i32
        %cond3A_99 = arith.cmpi ne, %convert_element_type3A_97, %cond3A_98 : i32
        scf.if %cond3A_99 {
          %sub3A = arith.constant 3 : i32
          %sub3A_144 = arith.subi %add3A_81, %sub3A : i32
          %dma_wait3A_145 = arith.constant 0 : i32
          %dma_wait3A_146 = tpu.memref_slice %arg7[%sub3A_144, %dma_wait3A_145] : memref<25x80xi32, #tpu.memory_space<vmem>> -> memref<1x80xi32, #tpu.memory_space<vmem>>
          %dma_wait3A_147 = tpu.memref_squeeze %dma_wait3A_146 : memref<1x80xi32, #tpu.memory_space<vmem>> -> memref<80xi32, #tpu.memory_space<vmem>>
          %dma_wait3A_148 = arith.constant 0 : i32
          %dma_wait3A_149 = arith.constant 0 : i32
          %dma_wait3A_150 = tpu.memref_slice %arg2[%dma_wait3A_148, %dma_wait3A_149] : memref<10000x128xf32, #tpu.memory_space<hbm>> -> memref<10000x128xf32, #tpu.memory_space<hbm>>
          tpu.wait_indirect_dma semaphore(%arg15 : memref<!tpu.dma_semaphore, #tpu.memory_space<semaphore_mem>>) src(%dma_wait3A_150 : memref<10000x128xf32, #tpu.memory_space<hbm>>) dst(%arg11 : memref<80x128xf32, #tpu.memory_space<vmem>>)
          %dma_start3A = arith.constant 0 : i32
          %dma_start3A_151 = tpu.memref_slice %arg8[%sub3A_144, %dma_start3A] : memref<25x80xi32, #tpu.memory_space<vmem>> -> memref<1x80xi32, #tpu.memory_space<vmem>>
          %dma_start3A_152 = tpu.memref_squeeze %dma_start3A_151 : memref<1x80xi32, #tpu.memory_space<vmem>> -> memref<80xi32, #tpu.memory_space<vmem>>
          %dma_start3A_153 = arith.constant 0 : i32
          %dma_start3A_154 = arith.constant 0 : i32
          %dma_start3A_155 = tpu.memref_slice %arg21[%dma_start3A_153, %dma_start3A_154] : memref<10000x128xf32, #tpu.memory_space<vmem_shared>> -> memref<10000x128xf32, #tpu.memory_space<vmem_shared>>
          tpu.enqueue_indirect_dma source(%arg11 : memref<80x128xf32, #tpu.memory_space<vmem>>) target(%dma_start3A_155 : memref<10000x128xf32, #tpu.memory_space<vmem_shared>>) offsets(%dma_start3A_152 : memref<80xi32, #tpu.memory_space<vmem>>) semaphore(%arg19 : memref<!tpu.dma_semaphore, #tpu.memory_space<semaphore_mem>>) {add = true}
        } else {
        }
        %mul3A_100 = arith.constant 4 : i32
        %mul3A_101 = arith.muli %mul3A_100, %scan3A_57 : i32
        %add3A_102 = arith.constant 2 : i32
        %add3A_103 = arith.addi %mul3A_101, %add3A_102 : i32
        %ge3A_104 = arith.constant 4 : i32
        %ge3A_105 = arith.cmpi sge, %add3A_103, %ge3A_104 : i32
        %lt3A_106 = arith.constant 25 : i32
        %lt3A_107 = arith.cmpi slt, %add3A_103, %lt3A_106 : i32
        %and3A_108 = arith.andi %ge3A_105, %lt3A_107 : i1
        %convert_element_type3A_109 = arith.extui %and3A_108 : i1 to i32
        %cond3A_110 = arith.constant 0 : i32
        %cond3A_111 = arith.cmpi ne, %convert_element_type3A_109, %cond3A_110 : i32
        scf.if %cond3A_111 {
          %dma_wait3A_144 = arith.constant 0 : i32
          %dma_wait3A_145 = arith.constant 0 : i32
          %dma_wait3A_146 = tpu.memref_slice %arg8[%dma_wait3A_144, %dma_wait3A_145] : memref<25x80xi32, #tpu.memory_space<vmem>> -> memref<1x80xi32, #tpu.memory_space<vmem>>
          %dma_wait3A_147 = tpu.memref_squeeze %dma_wait3A_146 : memref<1x80xi32, #tpu.memory_space<vmem>> -> memref<80xi32, #tpu.memory_space<vmem>>
          %dma_wait3A_148 = arith.constant 0 : i32
          %dma_wait3A_149 = arith.constant 0 : i32
          %dma_wait3A_150 = tpu.memref_slice %arg21[%dma_wait3A_148, %dma_wait3A_149] : memref<10000x128xf32, #tpu.memory_space<vmem_shared>> -> memref<10000x128xf32, #tpu.memory_space<vmem_shared>>
          tpu.wait_indirect_dma semaphore(%arg19 : memref<!tpu.dma_semaphore, #tpu.memory_space<semaphore_mem>>) src(%arg11 : memref<80x128xf32, #tpu.memory_space<vmem>>) dst(%dma_wait3A_150 : memref<10000x128xf32, #tpu.memory_space<vmem_shared>>)
        } else {
        }
        %lt3A_112 = arith.constant 25 : i32
        %lt3A_113 = arith.cmpi slt, %add3A_103, %lt3A_112 : i32
        %convert_element_type3A_114 = arith.extui %lt3A_113 : i1 to i32
        %cond3A_115 = arith.constant 0 : i32
        %cond3A_116 = arith.cmpi ne, %convert_element_type3A_114, %cond3A_115 : i32
        scf.if %cond3A_116 {
          %dma_start3A = arith.constant 0 : i32
          %dma_start3A_144 = tpu.memref_slice %arg7[%add3A_103, %dma_start3A] : memref<25x80xi32, #tpu.memory_space<vmem>> -> memref<1x80xi32, #tpu.memory_space<vmem>>
          %dma_start3A_145 = tpu.memref_squeeze %dma_start3A_144 : memref<1x80xi32, #tpu.memory_space<vmem>> -> memref<80xi32, #tpu.memory_space<vmem>>
          %dma_start3A_146 = arith.constant 0 : i32
          %dma_start3A_147 = arith.constant 0 : i32
          %dma_start3A_148 = tpu.memref_slice %arg2[%dma_start3A_146, %dma_start3A_147] : memref<10000x128xf32, #tpu.memory_space<hbm>> -> memref<10000x128xf32, #tpu.memory_space<hbm>>
          tpu.enqueue_indirect_dma source(%dma_start3A_148 : memref<10000x128xf32, #tpu.memory_space<hbm>>) target(%arg11 : memref<80x128xf32, #tpu.memory_space<vmem>>) offsets(%dma_start3A_145 : memref<80xi32, #tpu.memory_space<vmem>>) semaphore(%arg15 : memref<!tpu.dma_semaphore, #tpu.memory_space<semaphore_mem>>)
        } else {
        }
        %ge3A_117 = arith.constant 3 : i32
        %ge3A_118 = arith.cmpi sge, %add3A_103, %ge3A_117 : i32
        %convert_element_type3A_119 = arith.extui %ge3A_118 : i1 to i32
        %cond3A_120 = arith.constant 0 : i32
        %cond3A_121 = arith.cmpi ne, %convert_element_type3A_119, %cond3A_120 : i32
        scf.if %cond3A_121 {
          %sub3A = arith.constant 3 : i32
          %sub3A_144 = arith.subi %add3A_103, %sub3A : i32
          %dma_wait3A_145 = arith.constant 0 : i32
          %dma_wait3A_146 = tpu.memref_slice %arg7[%sub3A_144, %dma_wait3A_145] : memref<25x80xi32, #tpu.memory_space<vmem>> -> memref<1x80xi32, #tpu.memory_space<vmem>>
          %dma_wait3A_147 = tpu.memref_squeeze %dma_wait3A_146 : memref<1x80xi32, #tpu.memory_space<vmem>> -> memref<80xi32, #tpu.memory_space<vmem>>
          %dma_wait3A_148 = arith.constant 0 : i32
          %dma_wait3A_149 = arith.constant 0 : i32
          %dma_wait3A_150 = tpu.memref_slice %arg2[%dma_wait3A_148, %dma_wait3A_149] : memref<10000x128xf32, #tpu.memory_space<hbm>> -> memref<10000x128xf32, #tpu.memory_space<hbm>>
          tpu.wait_indirect_dma semaphore(%arg16 : memref<!tpu.dma_semaphore, #tpu.memory_space<semaphore_mem>>) src(%dma_wait3A_150 : memref<10000x128xf32, #tpu.memory_space<hbm>>) dst(%arg12 : memref<80x128xf32, #tpu.memory_space<vmem>>)
          %dma_start3A = arith.constant 0 : i32
          %dma_start3A_151 = tpu.memref_slice %arg8[%sub3A_144, %dma_start3A] : memref<25x80xi32, #tpu.memory_space<vmem>> -> memref<1x80xi32, #tpu.memory_space<vmem>>
          %dma_start3A_152 = tpu.memref_squeeze %dma_start3A_151 : memref<1x80xi32, #tpu.memory_space<vmem>> -> memref<80xi32, #tpu.memory_space<vmem>>
          %dma_start3A_153 = arith.constant 0 : i32
          %dma_start3A_154 = arith.constant 0 : i32
          %dma_start3A_155 = tpu.memref_slice %arg21[%dma_start3A_153, %dma_start3A_154] : memref<10000x128xf32, #tpu.memory_space<vmem_shared>> -> memref<10000x128xf32, #tpu.memory_space<vmem_shared>>
          tpu.enqueue_indirect_dma source(%arg12 : memref<80x128xf32, #tpu.memory_space<vmem>>) target(%dma_start3A_155 : memref<10000x128xf32, #tpu.memory_space<vmem_shared>>) offsets(%dma_start3A_152 : memref<80xi32, #tpu.memory_space<vmem>>) semaphore(%arg20 : memref<!tpu.dma_semaphore, #tpu.memory_space<semaphore_mem>>) {add = true}
        } else {
        }
        %mul3A_122 = arith.constant 4 : i32
        %mul3A_123 = arith.muli %mul3A_122, %scan3A_57 : i32
        %add3A_124 = arith.constant 3 : i32
        %add3A_125 = arith.addi %mul3A_123, %add3A_124 : i32
        %ge3A_126 = arith.constant 4 : i32
        %ge3A_127 = arith.cmpi sge, %add3A_125, %ge3A_126 : i32
        %lt3A_128 = arith.constant 25 : i32
        %lt3A_129 = arith.cmpi slt, %add3A_125, %lt3A_128 : i32
        %and3A_130 = arith.andi %ge3A_127, %lt3A_129 : i1
        %convert_element_type3A_131 = arith.extui %and3A_130 : i1 to i32
        %cond3A_132 = arith.constant 0 : i32
        %cond3A_133 = arith.cmpi ne, %convert_element_type3A_131, %cond3A_132 : i32
        scf.if %cond3A_133 {
          %dma_wait3A_144 = arith.constant 0 : i32
          %dma_wait3A_145 = arith.constant 0 : i32
          %dma_wait3A_146 = tpu.memref_slice %arg8[%dma_wait3A_144, %dma_wait3A_145] : memref<25x80xi32, #tpu.memory_space<vmem>> -> memref<1x80xi32, #tpu.memory_space<vmem>>
          %dma_wait3A_147 = tpu.memref_squeeze %dma_wait3A_146 : memref<1x80xi32, #tpu.memory_space<vmem>> -> memref<80xi32, #tpu.memory_space<vmem>>
          %dma_wait3A_148 = arith.constant 0 : i32
          %dma_wait3A_149 = arith.constant 0 : i32
          %dma_wait3A_150 = tpu.memref_slice %arg21[%dma_wait3A_148, %dma_wait3A_149] : memref<10000x128xf32, #tpu.memory_space<vmem_shared>> -> memref<10000x128xf32, #tpu.memory_space<vmem_shared>>
          tpu.wait_indirect_dma semaphore(%arg20 : memref<!tpu.dma_semaphore, #tpu.memory_space<semaphore_mem>>) src(%arg12 : memref<80x128xf32, #tpu.memory_space<vmem>>) dst(%dma_wait3A_150 : memref<10000x128xf32, #tpu.memory_space<vmem_shared>>)
        } else {
        }
        %lt3A_134 = arith.constant 25 : i32
        %lt3A_135 = arith.cmpi slt, %add3A_125, %lt3A_134 : i32
        %convert_element_type3A_136 = arith.extui %lt3A_135 : i1 to i32
        %cond3A_137 = arith.constant 0 : i32
        %cond3A_138 = arith.cmpi ne, %convert_element_type3A_136, %cond3A_137 : i32
        scf.if %cond3A_138 {
          %dma_start3A = arith.constant 0 : i32
          %dma_start3A_144 = tpu.memref_slice %arg7[%add3A_125, %dma_start3A] : memref<25x80xi32, #tpu.memory_space<vmem>> -> memref<1x80xi32, #tpu.memory_space<vmem>>
          %dma_start3A_145 = tpu.memref_squeeze %dma_start3A_144 : memref<1x80xi32, #tpu.memory_space<vmem>> -> memref<80xi32, #tpu.memory_space<vmem>>
          %dma_start3A_146 = arith.constant 0 : i32
          %dma_start3A_147 = arith.constant 0 : i32
          %dma_start3A_148 = tpu.memref_slice %arg2[%dma_start3A_146, %dma_start3A_147] : memref<10000x128xf32, #tpu.memory_space<hbm>> -> memref<10000x128xf32, #tpu.memory_space<hbm>>
          tpu.enqueue_indirect_dma source(%dma_start3A_148 : memref<10000x128xf32, #tpu.memory_space<hbm>>) target(%arg12 : memref<80x128xf32, #tpu.memory_space<vmem>>) offsets(%dma_start3A_145 : memref<80xi32, #tpu.memory_space<vmem>>) semaphore(%arg16 : memref<!tpu.dma_semaphore, #tpu.memory_space<semaphore_mem>>)
        } else {
        }
        %ge3A_139 = arith.constant 3 : i32
        %ge3A_140 = arith.cmpi sge, %add3A_125, %ge3A_139 : i32
        %convert_element_type3A_141 = arith.extui %ge3A_140 : i1 to i32
        %cond3A_142 = arith.constant 0 : i32
        %cond3A_143 = arith.cmpi ne, %convert_element_type3A_141, %cond3A_142 : i32
        scf.if %cond3A_143 {
          %sub3A = arith.constant 3 : i32
          %sub3A_144 = arith.subi %add3A_125, %sub3A : i32
          %dma_wait3A_145 = arith.constant 0 : i32
          %dma_wait3A_146 = tpu.memref_slice %arg7[%sub3A_144, %dma_wait3A_145] : memref<25x80xi32, #tpu.memory_space<vmem>> -> memref<1x80xi32, #tpu.memory_space<vmem>>
          %dma_wait3A_147 = tpu.memref_squeeze %dma_wait3A_146 : memref<1x80xi32, #tpu.memory_space<vmem>> -> memref<80xi32, #tpu.memory_space<vmem>>
          %dma_wait3A_148 = arith.constant 0 : i32
          %dma_wait3A_149 = arith.constant 0 : i32
          %dma_wait3A_150 = tpu.memref_slice %arg2[%dma_wait3A_148, %dma_wait3A_149] : memref<10000x128xf32, #tpu.memory_space<hbm>> -> memref<10000x128xf32, #tpu.memory_space<hbm>>
          tpu.wait_indirect_dma semaphore(%arg13 : memref<!tpu.dma_semaphore, #tpu.memory_space<semaphore_mem>>) src(%dma_wait3A_150 : memref<10000x128xf32, #tpu.memory_space<hbm>>) dst(%arg9 : memref<80x128xf32, #tpu.memory_space<vmem>>)
          %dma_start3A = arith.constant 0 : i32
          %dma_start3A_151 = tpu.memref_slice %arg8[%sub3A_144, %dma_start3A] : memref<25x80xi32, #tpu.memory_space<vmem>> -> memref<1x80xi32, #tpu.memory_space<vmem>>
          %dma_start3A_152 = tpu.memref_squeeze %dma_start3A_151 : memref<1x80xi32, #tpu.memory_space<vmem>> -> memref<80xi32, #tpu.memory_space<vmem>>
          %dma_start3A_153 = arith.constant 0 : i32
          %dma_start3A_154 = arith.constant 0 : i32
          %dma_start3A_155 = tpu.memref_slice %arg21[%dma_start3A_153, %dma_start3A_154] : memref<10000x128xf32, #tpu.memory_space<vmem_shared>> -> memref<10000x128xf32, #tpu.memory_space<vmem_shared>>
          tpu.enqueue_indirect_dma source(%arg9 : memref<80x128xf32, #tpu.memory_space<vmem>>) target(%dma_start3A_155 : memref<10000x128xf32, #tpu.memory_space<vmem_shared>>) offsets(%dma_start3A_152 : memref<80xi32, #tpu.memory_space<vmem>>) semaphore(%arg17 : memref<!tpu.dma_semaphore, #tpu.memory_space<semaphore_mem>>) {add = true}
        } else {
        }
      }
      %scan3A_29 = arith.constant 7 : i32
      %dma_wait3A = arith.constant 0 : i32
      %dma_wait3A_30 = arith.constant 0 : i32
      %dma_wait3A_31 = tpu.memref_slice %arg8[%dma_wait3A, %dma_wait3A_30] : memref<25x80xi32, #tpu.memory_space<vmem>> -> memref<1x80xi32, #tpu.memory_space<vmem>>
      %dma_wait3A_32 = tpu.memref_squeeze %dma_wait3A_31 : memref<1x80xi32, #tpu.memory_space<vmem>> -> memref<80xi32, #tpu.memory_space<vmem>>
      %dma_wait3A_33 = arith.constant 0 : i32
      %dma_wait3A_34 = arith.constant 0 : i32
      %dma_wait3A_35 = tpu.memref_slice %arg21[%dma_wait3A_33, %dma_wait3A_34] : memref<10000x128xf32, #tpu.memory_space<vmem_shared>> -> memref<10000x128xf32, #tpu.memory_space<vmem_shared>>
      tpu.wait_indirect_dma semaphore(%arg17 : memref<!tpu.dma_semaphore, #tpu.memory_space<semaphore_mem>>) src(%arg9 : memref<80x128xf32, #tpu.memory_space<vmem>>) dst(%dma_wait3A_35 : memref<10000x128xf32, #tpu.memory_space<vmem_shared>>)
      %dma_wait3A_36 = arith.constant 0 : i32
      %dma_wait3A_37 = arith.constant 0 : i32
      %dma_wait3A_38 = tpu.memref_slice %arg8[%dma_wait3A_36, %dma_wait3A_37] : memref<25x80xi32, #tpu.memory_space<vmem>> -> memref<1x80xi32, #tpu.memory_space<vmem>>
      %dma_wait3A_39 = tpu.memref_squeeze %dma_wait3A_38 : memref<1x80xi32, #tpu.memory_space<vmem>> -> memref<80xi32, #tpu.memory_space<vmem>>
      %dma_wait3A_40 = arith.constant 0 : i32
      %dma_wait3A_41 = arith.constant 0 : i32
      %dma_wait3A_42 = tpu.memref_slice %arg21[%dma_wait3A_40, %dma_wait3A_41] : memref<10000x128xf32, #tpu.memory_space<vmem_shared>> -> memref<10000x128xf32, #tpu.memory_space<vmem_shared>>
      tpu.wait_indirect_dma semaphore(%arg18 : memref<!tpu.dma_semaphore, #tpu.memory_space<semaphore_mem>>) src(%arg10 : memref<80x128xf32, #tpu.memory_space<vmem>>) dst(%dma_wait3A_42 : memref<10000x128xf32, #tpu.memory_space<vmem_shared>>)
      %dma_wait3A_43 = arith.constant 0 : i32
      %dma_wait3A_44 = arith.constant 0 : i32
      %dma_wait3A_45 = tpu.memref_slice %arg8[%dma_wait3A_43, %dma_wait3A_44] : memref<25x80xi32, #tpu.memory_space<vmem>> -> memref<1x80xi32, #tpu.memory_space<vmem>>
      %dma_wait3A_46 = tpu.memref_squeeze %dma_wait3A_45 : memref<1x80xi32, #tpu.memory_space<vmem>> -> memref<80xi32, #tpu.memory_space<vmem>>
      %dma_wait3A_47 = arith.constant 0 : i32
      %dma_wait3A_48 = arith.constant 0 : i32
      %dma_wait3A_49 = tpu.memref_slice %arg21[%dma_wait3A_47, %dma_wait3A_48] : memref<10000x128xf32, #tpu.memory_space<vmem_shared>> -> memref<10000x128xf32, #tpu.memory_space<vmem_shared>>
      tpu.wait_indirect_dma semaphore(%arg19 : memref<!tpu.dma_semaphore, #tpu.memory_space<semaphore_mem>>) src(%arg11 : memref<80x128xf32, #tpu.memory_space<vmem>>) dst(%dma_wait3A_49 : memref<10000x128xf32, #tpu.memory_space<vmem_shared>>)
      %dma_wait3A_50 = arith.constant 0 : i32
      %dma_wait3A_51 = arith.constant 0 : i32
      %dma_wait3A_52 = tpu.memref_slice %arg8[%dma_wait3A_50, %dma_wait3A_51] : memref<25x80xi32, #tpu.memory_space<vmem>> -> memref<1x80xi32, #tpu.memory_space<vmem>>
      %dma_wait3A_53 = tpu.memref_squeeze %dma_wait3A_52 : memref<1x80xi32, #tpu.memory_space<vmem>> -> memref<80xi32, #tpu.memory_space<vmem>>
      %dma_wait3A_54 = arith.constant 0 : i32
      %dma_wait3A_55 = arith.constant 0 : i32
      %dma_wait3A_56 = tpu.memref_slice %arg21[%dma_wait3A_54, %dma_wait3A_55] : memref<10000x128xf32, #tpu.memory_space<vmem_shared>> -> memref<10000x128xf32, #tpu.memory_space<vmem_shared>>
      tpu.wait_indirect_dma semaphore(%arg20 : memref<!tpu.dma_semaphore, #tpu.memory_space<semaphore_mem>>) src(%arg12 : memref<80x128xf32, #tpu.memory_space<vmem>>) dst(%dma_wait3A_56 : memref<10000x128xf32, #tpu.memory_space<vmem_shared>>)
    }
    %scan3A_12 = arith.constant 5 : i32
    %barrier3A_13 = arith.constant 0 : index
    tpu.barrier barrier_id(%barrier3A_13)
    %lt3A = arith.constant 15 : i32
    %lt3A_14 = arith.cmpi slt, %arg1, %lt3A : i32
    %convert_element_type3A_15 = arith.extui %lt3A_14 : i1 to i32
    %cond3A_16 = arith.constant 0 : i32
    %cond3A_17 = arith.cmpi ne, %convert_element_type3A_15, %cond3A_16 : i32
    scf.if %cond3A_17 {
      %mul3A_23 = arith.constant 624 : i32
      %mul3A_24 = arith.muli %arg1, %mul3A_23 : i32
      %mul3A_25 = arith.constant 624 : i32
      %mul3A_26 = arith.muli %arg1, %mul3A_25 : i32
      "tpu.region"() ({
        %run_scoped3A = tpu.sem_alloc : memref<!tpu.dma_semaphore, #tpu.memory_space<semaphore_mem>>
        %dma_start3A = arith.constant 0 : i32
        %dma_start3A_27 = arith.constant 0 : i32
        %dma_start3A_28 = tpu.memref_slice %arg6[%arg0, %dma_start3A, %dma_start3A_27] : memref<2x10000x128xf32, #tpu.memory_space<hbm>> -> memref<1x10000x128xf32, #tpu.memory_space<hbm>>
        %dma_start3A_29 = tpu.memref_squeeze %dma_start3A_28 : memref<1x10000x128xf32, #tpu.memory_space<hbm>> -> memref<10000x128xf32, #tpu.memory_space<hbm>>
        %dma_start3A_30 = arith.constant 0 : i32
        %dma_start3A_31 = tpu.memref_slice %dma_start3A_29[%mul3A_26, %dma_start3A_30] : memref<10000x128xf32, #tpu.memory_space<hbm>> -> memref<624x128xf32, #tpu.memory_space<hbm>>
        %dma_start3A_32 = arith.constant 0 : i32
        %dma_start3A_33 = tpu.memref_slice %arg21[%mul3A_24, %dma_start3A_32] : memref<10000x128xf32, #tpu.memory_space<vmem_shared>> -> memref<624x128xf32, #tpu.memory_space<vmem_shared>>
        tpu.enqueue_dma source(%dma_start3A_33 : memref<624x128xf32, #tpu.memory_space<vmem_shared>>) target(%dma_start3A_31 : memref<624x128xf32, #tpu.memory_space<hbm>>) target_semaphore(%run_scoped3A : memref<!tpu.dma_semaphore, #tpu.memory_space<semaphore_mem>>)
        %dma_wait3A = arith.constant 0 : i32
        %dma_wait3A_34 = arith.constant 0 : i32
        %dma_wait3A_35 = tpu.memref_slice %arg6[%arg0, %dma_wait3A, %dma_wait3A_34] : memref<2x10000x128xf32, #tpu.memory_space<hbm>> -> memref<1x10000x128xf32, #tpu.memory_space<hbm>>
        %dma_wait3A_36 = tpu.memref_squeeze %dma_wait3A_35 : memref<1x10000x128xf32, #tpu.memory_space<hbm>> -> memref<10000x128xf32, #tpu.memory_space<hbm>>
        %dma_wait3A_37 = arith.constant 0 : i32
        %dma_wait3A_38 = tpu.memref_slice %dma_wait3A_36[%mul3A_26, %dma_wait3A_37] : memref<10000x128xf32, #tpu.memory_space<hbm>> -> memref<624x128xf32, #tpu.memory_space<hbm>>
        %dma_wait3A_39 = arith.constant 0 : i32
        %dma_wait3A_40 = tpu.memref_slice %arg21[%mul3A_24, %dma_wait3A_39] : memref<10000x128xf32, #tpu.memory_space<vmem_shared>> -> memref<624x128xf32, #tpu.memory_space<vmem_shared>>
        tpu.wait_dma2 semaphore(%run_scoped3A : memref<!tpu.dma_semaphore, #tpu.memory_space<semaphore_mem>>) src(%dma_wait3A_40 : memref<624x128xf32, #tpu.memory_space<vmem_shared>>) dst(%dma_wait3A_38 : memref<624x128xf32, #tpu.memory_space<hbm>>)
        tpu.yield
      }) : () -> ()
    } else {
    }
    %eq3A_18 = arith.constant 15 : i32
    %eq3A_19 = arith.cmpi eq, %arg1, %eq3A_18 : i32
    %convert_element_type3A_20 = arith.extui %eq3A_19 : i1 to i32
    %cond3A_21 = arith.constant 0 : i32
    %cond3A_22 = arith.cmpi ne, %convert_element_type3A_20, %cond3A_21 : i32
    scf.if %cond3A_22 {
      "tpu.region"() ({
        %run_scoped3A = tpu.sem_alloc : memref<!tpu.dma_semaphore, #tpu.memory_space<semaphore_mem>>
        %dma_start3A = arith.constant 0 : i32
        %dma_start3A_23 = arith.constant 0 : i32
        %dma_start3A_24 = tpu.memref_slice %arg6[%arg0, %dma_start3A, %dma_start3A_23] : memref<2x10000x128xf32, #tpu.memory_space<hbm>> -> memref<1x10000x128xf32, #tpu.memory_space<hbm>>
        %dma_start3A_25 = tpu.memref_squeeze %dma_start3A_24 : memref<1x10000x128xf32, #tpu.memory_space<hbm>> -> memref<10000x128xf32, #tpu.memory_space<hbm>>
        %dma_start3A_26 = arith.constant 9360 : i32
        %dma_start3A_27 = arith.constant 0 : i32
        %dma_start3A_28 = tpu.memref_slice %dma_start3A_25[%dma_start3A_26, %dma_start3A_27] : memref<10000x128xf32, #tpu.memory_space<hbm>> -> memref<640x128xf32, #tpu.memory_space<hbm>>
        %dma_start3A_29 = arith.constant 9360 : i32
        %dma_start3A_30 = arith.constant 0 : i32
        %dma_start3A_31 = tpu.memref_slice %arg21[%dma_start3A_29, %dma_start3A_30] : memref<10000x128xf32, #tpu.memory_space<vmem_shared>> -> memref<640x128xf32, #tpu.memory_space<vmem_shared>>
        tpu.enqueue_dma source(%dma_start3A_31 : memref<640x128xf32, #tpu.memory_space<vmem_shared>>) target(%dma_start3A_28 : memref<640x128xf32, #tpu.memory_space<hbm>>) target_semaphore(%run_scoped3A : memref<!tpu.dma_semaphore, #tpu.memory_space<semaphore_mem>>)
        %dma_wait3A = arith.constant 0 : i32
        %dma_wait3A_32 = arith.constant 0 : i32
        %dma_wait3A_33 = tpu.memref_slice %arg6[%arg0, %dma_wait3A, %dma_wait3A_32] : memref<2x10000x128xf32, #tpu.memory_space<hbm>> -> memref<1x10000x128xf32, #tpu.memory_space<hbm>>
        %dma_wait3A_34 = tpu.memref_squeeze %dma_wait3A_33 : memref<1x10000x128xf32, #tpu.memory_space<hbm>> -> memref<10000x128xf32, #tpu.memory_space<hbm>>
        %dma_wait3A_35 = arith.constant 9360 : i32
        %dma_wait3A_36 = arith.constant 0 : i32
        %dma_wait3A_37 = tpu.memref_slice %dma_wait3A_34[%dma_wait3A_35, %dma_wait3A_36] : memref<10000x128xf32, #tpu.memory_space<hbm>> -> memref<640x128xf32, #tpu.memory_space<hbm>>
        %dma_wait3A_38 = arith.constant 9360 : i32
        %dma_wait3A_39 = arith.constant 0 : i32
        %dma_wait3A_40 = tpu.memref_slice %arg21[%dma_wait3A_38, %dma_wait3A_39] : memref<10000x128xf32, #tpu.memory_space<vmem_shared>> -> memref<640x128xf32, #tpu.memory_space<vmem_shared>>
        tpu.wait_dma2 semaphore(%run_scoped3A : memref<!tpu.dma_semaphore, #tpu.memory_space<semaphore_mem>>) src(%dma_wait3A_40 : memref<640x128xf32, #tpu.memory_space<vmem_shared>>) dst(%dma_wait3A_37 : memref<640x128xf32, #tpu.memory_space<hbm>>)
        tpu.yield
      }) : () -> ()
    } else {
    }
    return
  }
}

#map = affine_map<(d0, d1) -> (0, 0, 0)>
#map1 = affine_map<(d0, d1) -> (0)>
#map2 = affine_map<(d0, d1) -> (0, 0)>
module attributes {stable_mosaic.version = 14 : i64} {
  func.func @_sc_deg_body(%arg0: i32, %arg1: i32, %arg2: memref<32x125x80xi32, #tpu.memory_space<hbm>>, %arg3: memref<80xf32, #tpu.memory_space<hbm>>, %arg4: memref<10000xf32, #tpu.memory_space<hbm>>, %arg5: memref<2x10000xf32, #tpu.memory_space<hbm>>, %arg6: memref<125x80xi32, #tpu.memory_space<vmem>>, %arg7: memref<80xf32, #tpu.memory_space<vmem>>, %arg8: memref<10000xf32, #tpu.memory_space<vmem_shared>>, %arg9: memref<!tpu.dma_semaphore, #tpu.memory_space<semaphore_mem>>) attributes {dimension_semantics = [#tpu.dimension_semantics<core_parallel>, #tpu.dimension_semantics<subcore_parallel>], iteration_bounds = array<i64: 2, 16>, scalar_prefetch = 0 : i64, scratch_operands = 4 : i64, tpu.core_type = #tpu.core_type<sc_vector_subcore>, window_params = [{transform_indices = #map}, {transform_indices = #map1}, {transform_indices = #map1}, {transform_indices = #map2}]} {
    %mul3A = arith.constant 16 : i32
    %mul3A_0 = arith.muli %arg0, %mul3A : i32
    %add3A = arith.addi %mul3A_0, %arg1 : i32
    "tpu.region"() ({
      %run_scoped3A = tpu.sem_alloc : memref<!tpu.dma_semaphore, #tpu.memory_space<semaphore_mem>>
      %dma_start3A = arith.constant 0 : i32
      %dma_start3A_14 = arith.constant 0 : i32
      %dma_start3A_15 = tpu.memref_slice %arg2[%add3A, %dma_start3A, %dma_start3A_14] : memref<32x125x80xi32, #tpu.memory_space<hbm>> -> memref<1x125x80xi32, #tpu.memory_space<hbm>>
      %dma_start3A_16 = tpu.memref_squeeze %dma_start3A_15 : memref<1x125x80xi32, #tpu.memory_space<hbm>> -> memref<125x80xi32, #tpu.memory_space<hbm>>
      %dma_start3A_17 = arith.constant 0 : i32
      %dma_start3A_18 = arith.constant 0 : i32
      %dma_start3A_19 = tpu.memref_slice %arg2[%add3A, %dma_start3A_17, %dma_start3A_18] : memref<32x125x80xi32, #tpu.memory_space<hbm>> -> memref<1x125x80xi32, #tpu.memory_space<hbm>>
      %dma_start3A_20 = tpu.memref_squeeze %dma_start3A_19 : memref<1x125x80xi32, #tpu.memory_space<hbm>> -> memref<125x80xi32, #tpu.memory_space<hbm>>
      tpu.enqueue_dma source(%dma_start3A_20 : memref<125x80xi32, #tpu.memory_space<hbm>>) target(%arg6 : memref<125x80xi32, #tpu.memory_space<vmem>>) target_semaphore(%run_scoped3A : memref<!tpu.dma_semaphore, #tpu.memory_space<semaphore_mem>>)
      %dma_wait3A = arith.constant 0 : i32
      %dma_wait3A_21 = arith.constant 0 : i32
      %dma_wait3A_22 = tpu.memref_slice %arg2[%add3A, %dma_wait3A, %dma_wait3A_21] : memref<32x125x80xi32, #tpu.memory_space<hbm>> -> memref<1x125x80xi32, #tpu.memory_space<hbm>>
      %dma_wait3A_23 = tpu.memref_squeeze %dma_wait3A_22 : memref<1x125x80xi32, #tpu.memory_space<hbm>> -> memref<125x80xi32, #tpu.memory_space<hbm>>
      %dma_wait3A_24 = arith.constant 0 : i32
      %dma_wait3A_25 = arith.constant 0 : i32
      %dma_wait3A_26 = tpu.memref_slice %arg2[%add3A, %dma_wait3A_24, %dma_wait3A_25] : memref<32x125x80xi32, #tpu.memory_space<hbm>> -> memref<1x125x80xi32, #tpu.memory_space<hbm>>
      %dma_wait3A_27 = tpu.memref_squeeze %dma_wait3A_26 : memref<1x125x80xi32, #tpu.memory_space<hbm>> -> memref<125x80xi32, #tpu.memory_space<hbm>>
      tpu.wait_dma2 semaphore(%run_scoped3A : memref<!tpu.dma_semaphore, #tpu.memory_space<semaphore_mem>>) src(%dma_wait3A_27 : memref<125x80xi32, #tpu.memory_space<hbm>>) dst(%arg6 : memref<125x80xi32, #tpu.memory_space<vmem>>)
      tpu.yield
    }) : () -> ()
    "tpu.region"() ({
      %run_scoped3A = tpu.sem_alloc : memref<!tpu.dma_semaphore, #tpu.memory_space<semaphore_mem>>
      tpu.enqueue_dma source(%arg3 : memref<80xf32, #tpu.memory_space<hbm>>) target(%arg7 : memref<80xf32, #tpu.memory_space<vmem>>) target_semaphore(%run_scoped3A : memref<!tpu.dma_semaphore, #tpu.memory_space<semaphore_mem>>)
      tpu.wait_dma2 semaphore(%run_scoped3A : memref<!tpu.dma_semaphore, #tpu.memory_space<semaphore_mem>>) src(%arg3 : memref<80xf32, #tpu.memory_space<hbm>>) dst(%arg7 : memref<80xf32, #tpu.memory_space<vmem>>)
      tpu.yield
    }) : () -> ()
    %eq3A = arith.constant 0 : i32
    %eq3A_1 = arith.cmpi eq, %arg1, %eq3A : i32
    %convert_element_type3A = arith.extui %eq3A_1 : i1 to i32
    %cond3A = arith.constant 0 : i32
    %cond3A_2 = arith.cmpi ne, %convert_element_type3A, %cond3A : i32
    scf.if %cond3A_2 {
      "tpu.region"() ({
        %run_scoped3A = tpu.sem_alloc : memref<!tpu.dma_semaphore, #tpu.memory_space<semaphore_mem>>
        tpu.enqueue_dma source(%arg4 : memref<10000xf32, #tpu.memory_space<hbm>>) target(%arg8 : memref<10000xf32, #tpu.memory_space<vmem_shared>>) target_semaphore(%run_scoped3A : memref<!tpu.dma_semaphore, #tpu.memory_space<semaphore_mem>>)
        tpu.wait_dma2 semaphore(%run_scoped3A : memref<!tpu.dma_semaphore, #tpu.memory_space<semaphore_mem>>) src(%arg4 : memref<10000xf32, #tpu.memory_space<hbm>>) dst(%arg8 : memref<10000xf32, #tpu.memory_space<vmem_shared>>)
        tpu.yield
      }) : () -> ()
    } else {
    }
    %barrier3A = arith.constant 0 : index
    tpu.barrier barrier_id(%barrier3A)
    %scan3A = arith.constant 0 : i32
    %scan3A_3 = arith.constant 0 : i32
    %scan3A_4 = arith.constant 25 : i32
    %scan3A_5 = arith.addi %scan3A_3, %scan3A_4 : i32
    %scan3A_6 = arith.constant 1 : i32
    scf.for %scan3A_14 = %scan3A_3 to %scan3A_5 step %scan3A_6  : i32 {
      %mul3A_15 = arith.constant 5 : i32
      %mul3A_16 = arith.muli %mul3A_15, %scan3A_14 : i32
      %add3A_17 = arith.constant 0 : i32
      %add3A_18 = arith.addi %mul3A_16, %add3A_17 : i32
      %dma_start3A = arith.constant 0 : i32
      %dma_start3A_19 = tpu.memref_slice %arg6[%add3A_18, %dma_start3A] : memref<125x80xi32, #tpu.memory_space<vmem>> -> memref<1x80xi32, #tpu.memory_space<vmem>>
      %dma_start3A_20 = tpu.memref_squeeze %dma_start3A_19 : memref<1x80xi32, #tpu.memory_space<vmem>> -> memref<80xi32, #tpu.memory_space<vmem>>
      %dma_start3A_21 = arith.constant 0 : i32
      %dma_start3A_22 = tpu.memref_slice %arg8[%dma_start3A_21] : memref<10000xf32, #tpu.memory_space<vmem_shared>> -> memref<10000xf32, #tpu.memory_space<vmem_shared>>
      tpu.enqueue_indirect_dma source(%arg7 : memref<80xf32, #tpu.memory_space<vmem>>) target(%dma_start3A_22 : memref<10000xf32, #tpu.memory_space<vmem_shared>>) offsets(%dma_start3A_20 : memref<80xi32, #tpu.memory_space<vmem>>) semaphore(%arg9 : memref<!tpu.dma_semaphore, #tpu.memory_space<semaphore_mem>>) {add = true}
      %mul3A_23 = arith.constant 5 : i32
      %mul3A_24 = arith.muli %mul3A_23, %scan3A_14 : i32
      %add3A_25 = arith.constant 1 : i32
      %add3A_26 = arith.addi %mul3A_24, %add3A_25 : i32
      %dma_start3A_27 = arith.constant 0 : i32
      %dma_start3A_28 = tpu.memref_slice %arg6[%add3A_26, %dma_start3A_27] : memref<125x80xi32, #tpu.memory_space<vmem>> -> memref<1x80xi32, #tpu.memory_space<vmem>>
      %dma_start3A_29 = tpu.memref_squeeze %dma_start3A_28 : memref<1x80xi32, #tpu.memory_space<vmem>> -> memref<80xi32, #tpu.memory_space<vmem>>
      %dma_start3A_30 = arith.constant 0 : i32
      %dma_start3A_31 = tpu.memref_slice %arg8[%dma_start3A_30] : memref<10000xf32, #tpu.memory_space<vmem_shared>> -> memref<10000xf32, #tpu.memory_space<vmem_shared>>
      tpu.enqueue_indirect_dma source(%arg7 : memref<80xf32, #tpu.memory_space<vmem>>) target(%dma_start3A_31 : memref<10000xf32, #tpu.memory_space<vmem_shared>>) offsets(%dma_start3A_29 : memref<80xi32, #tpu.memory_space<vmem>>) semaphore(%arg9 : memref<!tpu.dma_semaphore, #tpu.memory_space<semaphore_mem>>) {add = true}
      %mul3A_32 = arith.constant 5 : i32
      %mul3A_33 = arith.muli %mul3A_32, %scan3A_14 : i32
      %add3A_34 = arith.constant 2 : i32
      %add3A_35 = arith.addi %mul3A_33, %add3A_34 : i32
      %dma_start3A_36 = arith.constant 0 : i32
      %dma_start3A_37 = tpu.memref_slice %arg6[%add3A_35, %dma_start3A_36] : memref<125x80xi32, #tpu.memory_space<vmem>> -> memref<1x80xi32, #tpu.memory_space<vmem>>
      %dma_start3A_38 = tpu.memref_squeeze %dma_start3A_37 : memref<1x80xi32, #tpu.memory_space<vmem>> -> memref<80xi32, #tpu.memory_space<vmem>>
      %dma_start3A_39 = arith.constant 0 : i32
      %dma_start3A_40 = tpu.memref_slice %arg8[%dma_start3A_39] : memref<10000xf32, #tpu.memory_space<vmem_shared>> -> memref<10000xf32, #tpu.memory_space<vmem_shared>>
      tpu.enqueue_indirect_dma source(%arg7 : memref<80xf32, #tpu.memory_space<vmem>>) target(%dma_start3A_40 : memref<10000xf32, #tpu.memory_space<vmem_shared>>) offsets(%dma_start3A_38 : memref<80xi32, #tpu.memory_space<vmem>>) semaphore(%arg9 : memref<!tpu.dma_semaphore, #tpu.memory_space<semaphore_mem>>) {add = true}
      %mul3A_41 = arith.constant 5 : i32
      %mul3A_42 = arith.muli %mul3A_41, %scan3A_14 : i32
      %add3A_43 = arith.constant 3 : i32
      %add3A_44 = arith.addi %mul3A_42, %add3A_43 : i32
      %dma_start3A_45 = arith.constant 0 : i32
      %dma_start3A_46 = tpu.memref_slice %arg6[%add3A_44, %dma_start3A_45] : memref<125x80xi32, #tpu.memory_space<vmem>> -> memref<1x80xi32, #tpu.memory_space<vmem>>
      %dma_start3A_47 = tpu.memref_squeeze %dma_start3A_46 : memref<1x80xi32, #tpu.memory_space<vmem>> -> memref<80xi32, #tpu.memory_space<vmem>>
      %dma_start3A_48 = arith.constant 0 : i32
      %dma_start3A_49 = tpu.memref_slice %arg8[%dma_start3A_48] : memref<10000xf32, #tpu.memory_space<vmem_shared>> -> memref<10000xf32, #tpu.memory_space<vmem_shared>>
      tpu.enqueue_indirect_dma source(%arg7 : memref<80xf32, #tpu.memory_space<vmem>>) target(%dma_start3A_49 : memref<10000xf32, #tpu.memory_space<vmem_shared>>) offsets(%dma_start3A_47 : memref<80xi32, #tpu.memory_space<vmem>>) semaphore(%arg9 : memref<!tpu.dma_semaphore, #tpu.memory_space<semaphore_mem>>) {add = true}
      %mul3A_50 = arith.constant 5 : i32
      %mul3A_51 = arith.muli %mul3A_50, %scan3A_14 : i32
      %add3A_52 = arith.constant 4 : i32
      %add3A_53 = arith.addi %mul3A_51, %add3A_52 : i32
      %dma_start3A_54 = arith.constant 0 : i32
      %dma_start3A_55 = tpu.memref_slice %arg6[%add3A_53, %dma_start3A_54] : memref<125x80xi32, #tpu.memory_space<vmem>> -> memref<1x80xi32, #tpu.memory_space<vmem>>
      %dma_start3A_56 = tpu.memref_squeeze %dma_start3A_55 : memref<1x80xi32, #tpu.memory_space<vmem>> -> memref<80xi32, #tpu.memory_space<vmem>>
      %dma_start3A_57 = arith.constant 0 : i32
      %dma_start3A_58 = tpu.memref_slice %arg8[%dma_start3A_57] : memref<10000xf32, #tpu.memory_space<vmem_shared>> -> memref<10000xf32, #tpu.memory_space<vmem_shared>>
      tpu.enqueue_indirect_dma source(%arg7 : memref<80xf32, #tpu.memory_space<vmem>>) target(%dma_start3A_58 : memref<10000xf32, #tpu.memory_space<vmem_shared>>) offsets(%dma_start3A_56 : memref<80xi32, #tpu.memory_space<vmem>>) semaphore(%arg9 : memref<!tpu.dma_semaphore, #tpu.memory_space<semaphore_mem>>) {add = true}
      %dma_wait3A = arith.constant 0 : i32
      %dma_wait3A_59 = arith.constant 0 : i32
      %dma_wait3A_60 = tpu.memref_slice %arg6[%dma_wait3A, %dma_wait3A_59] : memref<125x80xi32, #tpu.memory_space<vmem>> -> memref<1x80xi32, #tpu.memory_space<vmem>>
      %dma_wait3A_61 = tpu.memref_squeeze %dma_wait3A_60 : memref<1x80xi32, #tpu.memory_space<vmem>> -> memref<80xi32, #tpu.memory_space<vmem>>
      %dma_wait3A_62 = arith.constant 0 : i32
      %dma_wait3A_63 = tpu.memref_slice %arg8[%dma_wait3A_62] : memref<10000xf32, #tpu.memory_space<vmem_shared>> -> memref<10000xf32, #tpu.memory_space<vmem_shared>>
      tpu.wait_indirect_dma semaphore(%arg9 : memref<!tpu.dma_semaphore, #tpu.memory_space<semaphore_mem>>) src(%arg7 : memref<80xf32, #tpu.memory_space<vmem>>) dst(%dma_wait3A_63 : memref<10000xf32, #tpu.memory_space<vmem_shared>>)
      %dma_wait3A_64 = arith.constant 0 : i32
      %dma_wait3A_65 = arith.constant 0 : i32
      %dma_wait3A_66 = tpu.memref_slice %arg6[%dma_wait3A_64, %dma_wait3A_65] : memref<125x80xi32, #tpu.memory_space<vmem>> -> memref<1x80xi32, #tpu.memory_space<vmem>>
      %dma_wait3A_67 = tpu.memref_squeeze %dma_wait3A_66 : memref<1x80xi32, #tpu.memory_space<vmem>> -> memref<80xi32, #tpu.memory_space<vmem>>
      %dma_wait3A_68 = arith.constant 0 : i32
      %dma_wait3A_69 = tpu.memref_slice %arg8[%dma_wait3A_68] : memref<10000xf32, #tpu.memory_space<vmem_shared>> -> memref<10000xf32, #tpu.memory_space<vmem_shared>>
      tpu.wait_indirect_dma semaphore(%arg9 : memref<!tpu.dma_semaphore, #tpu.memory_space<semaphore_mem>>) src(%arg7 : memref<80xf32, #tpu.memory_space<vmem>>) dst(%dma_wait3A_69 : memref<10000xf32, #tpu.memory_space<vmem_shared>>)
      %dma_wait3A_70 = arith.constant 0 : i32
      %dma_wait3A_71 = arith.constant 0 : i32
      %dma_wait3A_72 = tpu.memref_slice %arg6[%dma_wait3A_70, %dma_wait3A_71] : memref<125x80xi32, #tpu.memory_space<vmem>> -> memref<1x80xi32, #tpu.memory_space<vmem>>
      %dma_wait3A_73 = tpu.memref_squeeze %dma_wait3A_72 : memref<1x80xi32, #tpu.memory_space<vmem>> -> memref<80xi32, #tpu.memory_space<vmem>>
      %dma_wait3A_74 = arith.constant 0 : i32
      %dma_wait3A_75 = tpu.memref_slice %arg8[%dma_wait3A_74] : memref<10000xf32, #tpu.memory_space<vmem_shared>> -> memref<10000xf32, #tpu.memory_space<vmem_shared>>
      tpu.wait_indirect_dma semaphore(%arg9 : memref<!tpu.dma_semaphore, #tpu.memory_space<semaphore_mem>>) src(%arg7 : memref<80xf32, #tpu.memory_space<vmem>>) dst(%dma_wait3A_75 : memref<10000xf32, #tpu.memory_space<vmem_shared>>)
      %dma_wait3A_76 = arith.constant 0 : i32
      %dma_wait3A_77 = arith.constant 0 : i32
      %dma_wait3A_78 = tpu.memref_slice %arg6[%dma_wait3A_76, %dma_wait3A_77] : memref<125x80xi32, #tpu.memory_space<vmem>> -> memref<1x80xi32, #tpu.memory_space<vmem>>
      %dma_wait3A_79 = tpu.memref_squeeze %dma_wait3A_78 : memref<1x80xi32, #tpu.memory_space<vmem>> -> memref<80xi32, #tpu.memory_space<vmem>>
      %dma_wait3A_80 = arith.constant 0 : i32
      %dma_wait3A_81 = tpu.memref_slice %arg8[%dma_wait3A_80] : memref<10000xf32, #tpu.memory_space<vmem_shared>> -> memref<10000xf32, #tpu.memory_space<vmem_shared>>
      tpu.wait_indirect_dma semaphore(%arg9 : memref<!tpu.dma_semaphore, #tpu.memory_space<semaphore_mem>>) src(%arg7 : memref<80xf32, #tpu.memory_space<vmem>>) dst(%dma_wait3A_81 : memref<10000xf32, #tpu.memory_space<vmem_shared>>)
      %dma_wait3A_82 = arith.constant 0 : i32
      %dma_wait3A_83 = arith.constant 0 : i32
      %dma_wait3A_84 = tpu.memref_slice %arg6[%dma_wait3A_82, %dma_wait3A_83] : memref<125x80xi32, #tpu.memory_space<vmem>> -> memref<1x80xi32, #tpu.memory_space<vmem>>
      %dma_wait3A_85 = tpu.memref_squeeze %dma_wait3A_84 : memref<1x80xi32, #tpu.memory_space<vmem>> -> memref<80xi32, #tpu.memory_space<vmem>>
      %dma_wait3A_86 = arith.constant 0 : i32
      %dma_wait3A_87 = tpu.memref_slice %arg8[%dma_wait3A_86] : memref<10000xf32, #tpu.memory_space<vmem_shared>> -> memref<10000xf32, #tpu.memory_space<vmem_shared>>
      tpu.wait_indirect_dma semaphore(%arg9 : memref<!tpu.dma_semaphore, #tpu.memory_space<semaphore_mem>>) src(%arg7 : memref<80xf32, #tpu.memory_space<vmem>>) dst(%dma_wait3A_87 : memref<10000xf32, #tpu.memory_space<vmem_shared>>)
    }
    %scan3A_7 = arith.constant 25 : i32
    %barrier3A_8 = arith.constant 0 : index
    tpu.barrier barrier_id(%barrier3A_8)
    %eq3A_9 = arith.constant 0 : i32
    %eq3A_10 = arith.cmpi eq, %arg1, %eq3A_9 : i32
    %convert_element_type3A_11 = arith.extui %eq3A_10 : i1 to i32
    %cond3A_12 = arith.constant 0 : i32
    %cond3A_13 = arith.cmpi ne, %convert_element_type3A_11, %cond3A_12 : i32
    scf.if %cond3A_13 {
      "tpu.region"() ({
        %run_scoped3A = tpu.sem_alloc : memref<!tpu.dma_semaphore, #tpu.memory_space<semaphore_mem>>
        %dma_start3A = arith.constant 0 : i32
        %dma_start3A_14 = tpu.memref_slice %arg5[%arg0, %dma_start3A] : memref<2x10000xf32, #tpu.memory_space<hbm>> -> memref<1x10000xf32, #tpu.memory_space<hbm>>
        %dma_start3A_15 = tpu.memref_squeeze %dma_start3A_14 : memref<1x10000xf32, #tpu.memory_space<hbm>> -> memref<10000xf32, #tpu.memory_space<hbm>>
        tpu.enqueue_dma source(%arg8 : memref<10000xf32, #tpu.memory_space<vmem_shared>>) target(%dma_start3A_15 : memref<10000xf32, #tpu.memory_space<hbm>>) target_semaphore(%run_scoped3A : memref<!tpu.dma_semaphore, #tpu.memory_space<semaphore_mem>>)
        %dma_wait3A = arith.constant 0 : i32
        %dma_wait3A_16 = tpu.memref_slice %arg5[%arg0, %dma_wait3A] : memref<2x10000xf32, #tpu.memory_space<hbm>> -> memref<1x10000xf32, #tpu.memory_space<hbm>>
        %dma_wait3A_17 = tpu.memref_squeeze %dma_wait3A_16 : memref<1x10000xf32, #tpu.memory_space<hbm>> -> memref<10000xf32, #tpu.memory_space<hbm>>
        tpu.wait_dma2 semaphore(%run_scoped3A : memref<!tpu.dma_semaphore, #tpu.memory_space<semaphore_mem>>) src(%arg8 : memref<10000xf32, #tpu.memory_space<vmem_shared>>) dst(%dma_wait3A_17 : memref<10000xf32, #tpu.memory_space<hbm>>)
        tpu.yield
      }) : () -> ()
    } else {
    }
    return
  }
}

module attributes {stable_mosaic.version = 14 : i64} {
  func.func @_tc0_body(%arg0: memref<10000x128xf32, #tpu.memory_space<vmem>>, %arg1: memref<128x128xf32, #tpu.memory_space<vmem>>, %arg2: memref<10000x128xf32, #tpu.memory_space<vmem>>) attributes {dimension_semantics = [], scalar_prefetch = 0 : i64, scratch_operands = 0 : i64, tpu.core_type = #tpu.core_type<tc>} {
    %get3A = arith.constant 0 : index
    %get3A_0 = arith.constant 0 : index
    %get3A_1 = vector.load %arg0[%get3A, %get3A_0] : memref<10000x128xf32, #tpu.memory_space<vmem>>, vector<10000x128xf32>
    %get3A_2 = arith.constant 0 : index
    %get3A_3 = arith.constant 0 : index
    %get3A_4 = vector.load %arg1[%get3A_2, %get3A_3] : memref<128x128xf32, #tpu.memory_space<vmem>>, vector<128x128xf32>
    %dot_general3A = arith.constant dense<0.000000e+00> : vector<10000x128xf32>
    %dot_general3A_5 = tpu.matmul %get3A_1, %get3A_4, %dot_general3A {dimension_numbers = #tpu.dot_dimension_numbers<[1], [0], [0], [1], [0, 0, 1, 1], [], []>, transpose_lhs_hint = false} : vector<10000x128xf32>, vector<128x128xf32>, vector<10000x128xf32> -> vector<10000x128xf32>
    %swap3A = arith.constant 0 : index
    %swap3A_6 = arith.constant 0 : index
    %swap3A_7 = vector.load %arg2[%swap3A, %swap3A_6] : memref<10000x128xf32, #tpu.memory_space<vmem>>, vector<10000x128xf32>
    tpu.vector_store %arg2[%swap3A, %swap3A_6], %dot_general3A_5 {strides = array<i32>} : memref<10000x128xf32, #tpu.memory_space<vmem>>, vector<10000x128xf32>,
    return
  }
}

module attributes {stable_mosaic.version = 14 : i64} {
  func.func @_tc1_body(%arg0: memref<10000x128xf32, #tpu.memory_space<vmem>>, %arg1: memref<2x10000x1xf32, #tpu.memory_space<vmem>>, %arg2: memref<10000x128xf32, #tpu.memory_space<vmem>>, %arg3: memref<10000x1xf32, #tpu.memory_space<vmem>>) attributes {dimension_semantics = [], scalar_prefetch = 0 : i64, scratch_operands = 0 : i64, tpu.core_type = #tpu.core_type<tc>} {
    %get3A = arith.constant 0 : index
    %get3A_0 = arith.constant 0 : index
    %get3A_1 = arith.constant 0 : index
    %get3A_2 = vector.load %arg1[%get3A, %get3A_0, %get3A_1] : memref<2x10000x1xf32, #tpu.memory_space<vmem>>, vector<2x10000x1xf32>
    %slice3A = vector.extract_strided_slice %get3A_2 {offsets = [0, 0, 0], sizes = [1, 10000, 1], strides = [1, 1, 1]} : vector<2x10000x1xf32> to vector<1x10000x1xf32>
    %squeeze3A = vector.shape_cast %slice3A : vector<1x10000x1xf32> to vector<10000x1xf32>
    %slice3A_3 = vector.extract_strided_slice %get3A_2 {offsets = [1, 0, 0], sizes = [1, 10000, 1], strides = [1, 1, 1]} : vector<2x10000x1xf32> to vector<1x10000x1xf32>
    %squeeze3A_4 = vector.shape_cast %slice3A_3 : vector<1x10000x1xf32> to vector<10000x1xf32>
    %add3A = arith.addf %squeeze3A, %squeeze3A_4 : vector<10000x1xf32>
    %add3A_5 = arith.constant 1.000000e+00 : f32
    %add3A_6 = vector.broadcast %add3A_5 : f32 to vector<10000x1xf32>
    %add3A_7 = arith.addf %add3A, %add3A_6 : vector<10000x1xf32>
    %rsqrt3A = math.rsqrt %add3A_7 : vector<10000x1xf32>
    %get3A_8 = arith.constant 0 : index
    %get3A_9 = arith.constant 0 : index
    %get3A_10 = vector.load %arg0[%get3A_8, %get3A_9] : memref<10000x128xf32, #tpu.memory_space<vmem>>, vector<10000x128xf32>
    %mul3A = vector.broadcast %rsqrt3A : vector<10000x1xf32> to vector<10000x128xf32>
    %mul3A_11 = arith.mulf %get3A_10, %mul3A : vector<10000x128xf32>
    %swap3A = arith.constant 0 : index
    %swap3A_12 = arith.constant 0 : index
    %swap3A_13 = vector.load %arg2[%swap3A, %swap3A_12] : memref<10000x128xf32, #tpu.memory_space<vmem>>, vector<10000x128xf32>
    tpu.vector_store %arg2[%swap3A, %swap3A_12], %mul3A_11 {strides = array<i32>} : memref<10000x128xf32, #tpu.memory_space<vmem>>, vector<10000x128xf32>,
    %swap3A_14 = arith.constant 0 : index
    %swap3A_15 = arith.constant 0 : index
    %swap3A_16 = vector.load %arg3[%swap3A_14, %swap3A_15] : memref<10000x1xf32, #tpu.memory_space<vmem>>, vector<10000x1xf32>
    tpu.vector_store %arg3[%swap3A_14, %swap3A_15], %rsqrt3A {strides = array<i32>} : memref<10000x1xf32, #tpu.memory_space<vmem>>, vector<10000x1xf32>,
    return
  }
}

module attributes {stable_mosaic.version = 14 : i64} {
  func.func @_tc2_body(%arg0: memref<2x10000x128xf32, #tpu.memory_space<vmem>>, %arg1: memref<10000x1xf32, #tpu.memory_space<vmem>>, %arg2: memref<1x128xf32, #tpu.memory_space<vmem>>, %arg3: memref<128x128xf32, #tpu.memory_space<vmem>>, %arg4: memref<10000x128xf32, #tpu.memory_space<vmem>>) attributes {dimension_semantics = [], scalar_prefetch = 0 : i64, scratch_operands = 0 : i64, tpu.core_type = #tpu.core_type<tc>} {
    %get3A = arith.constant 0 : index
    %get3A_0 = arith.constant 0 : index
    %get3A_1 = arith.constant 0 : index
    %get3A_2 = vector.load %arg0[%get3A, %get3A_0, %get3A_1] : memref<2x10000x128xf32, #tpu.memory_space<vmem>>, vector<2x10000x128xf32>
    %get3A_3 = arith.constant 0 : index
    %get3A_4 = arith.constant 0 : index
    %get3A_5 = vector.load %arg1[%get3A_3, %get3A_4] : memref<10000x1xf32, #tpu.memory_space<vmem>>, vector<10000x1xf32>
    %slice3A = vector.extract_strided_slice %get3A_2 {offsets = [0, 0, 0], sizes = [1, 10000, 128], strides = [1, 1, 1]} : vector<2x10000x128xf32> to vector<1x10000x128xf32>
    %squeeze3A = vector.shape_cast %slice3A : vector<1x10000x128xf32> to vector<10000x128xf32>
    %slice3A_6 = vector.extract_strided_slice %get3A_2 {offsets = [1, 0, 0], sizes = [1, 10000, 128], strides = [1, 1, 1]} : vector<2x10000x128xf32> to vector<1x10000x128xf32>
    %squeeze3A_7 = vector.shape_cast %slice3A_6 : vector<1x10000x128xf32> to vector<10000x128xf32>
    %add3A = arith.addf %squeeze3A, %squeeze3A_7 : vector<10000x128xf32>
    %mul3A = vector.broadcast %get3A_5 : vector<10000x1xf32> to vector<10000x128xf32>
    %mul3A_8 = arith.mulf %mul3A, %add3A : vector<10000x128xf32>
    %get3A_9 = arith.constant 0 : index
    %get3A_10 = arith.constant 0 : index
    %get3A_11 = vector.load %arg2[%get3A_9, %get3A_10] : memref<1x128xf32, #tpu.memory_space<vmem>>, vector<1x128xf32>
    %add3A_12 = vector.broadcast %get3A_11 : vector<1x128xf32> to vector<10000x128xf32>
    %add3A_13 = arith.addf %mul3A_8, %add3A_12 : vector<10000x128xf32>
    %max3A = arith.constant 0.000000e+00 : f32
    %max3A_14 = vector.broadcast %max3A : f32 to vector<10000x128xf32>
    %max3A_15 = arith.maximumf %add3A_13, %max3A_14 : vector<10000x128xf32>
    %get3A_16 = arith.constant 0 : index
    %get3A_17 = arith.constant 0 : index
    %get3A_18 = vector.load %arg3[%get3A_16, %get3A_17] : memref<128x128xf32, #tpu.memory_space<vmem>>, vector<128x128xf32>
    %dot_general3A = arith.constant dense<0.000000e+00> : vector<10000x128xf32>
    %dot_general3A_19 = tpu.matmul %max3A_15, %get3A_18, %dot_general3A {dimension_numbers = #tpu.dot_dimension_numbers<[1], [0], [0], [1], [0, 0, 1, 1], [], []>, transpose_lhs_hint = false} : vector<10000x128xf32>, vector<128x128xf32>, vector<10000x128xf32> -> vector<10000x128xf32>
    %mul3A_20 = vector.broadcast %get3A_5 : vector<10000x1xf32> to vector<10000x128xf32>
    %mul3A_21 = arith.mulf %mul3A_20, %dot_general3A_19 : vector<10000x128xf32>
    %swap3A = arith.constant 0 : index
    %swap3A_22 = arith.constant 0 : index
    %swap3A_23 = vector.load %arg4[%swap3A, %swap3A_22] : memref<10000x128xf32, #tpu.memory_space<vmem>>, vector<10000x128xf32>
    tpu.vector_store %arg4[%swap3A, %swap3A_22], %mul3A_21 {strides = array<i32>} : memref<10000x128xf32, #tpu.memory_space<vmem>>, vector<10000x128xf32>,
    return
  }
}

module attributes {stable_mosaic.version = 14 : i64} {
  func.func @_tc3_body(%arg0: memref<2x10000x128xf32, #tpu.memory_space<vmem>>, %arg1: memref<10000x1xf32, #tpu.memory_space<vmem>>, %arg2: memref<1x128xf32, #tpu.memory_space<vmem>>, %arg3: memref<10000x1xi32, #tpu.memory_space<vmem>>, %arg4: memref<128x10xf32, #tpu.memory_space<vmem>>, %arg5: memref<1x10xf32, #tpu.memory_space<vmem>>, %arg6: memref<128x10xf32, #tpu.memory_space<vmem>>) attributes {dimension_semantics = [], scalar_prefetch = 0 : i64, scratch_operands = 0 : i64, tpu.core_type = #tpu.core_type<tc>} {
    %get3A = arith.constant 0 : index
    %get3A_0 = arith.constant 0 : index
    %get3A_1 = arith.constant 0 : index
    %get3A_2 = vector.load %arg0[%get3A, %get3A_0, %get3A_1] : memref<2x10000x128xf32, #tpu.memory_space<vmem>>, vector<2x10000x128xf32>
    %get3A_3 = arith.constant 0 : index
    %get3A_4 = arith.constant 0 : index
    %get3A_5 = vector.load %arg1[%get3A_3, %get3A_4] : memref<10000x1xf32, #tpu.memory_space<vmem>>, vector<10000x1xf32>
    %slice3A = vector.extract_strided_slice %get3A_2 {offsets = [0, 0, 0], sizes = [1, 10000, 128], strides = [1, 1, 1]} : vector<2x10000x128xf32> to vector<1x10000x128xf32>
    %squeeze3A = vector.shape_cast %slice3A : vector<1x10000x128xf32> to vector<10000x128xf32>
    %slice3A_6 = vector.extract_strided_slice %get3A_2 {offsets = [1, 0, 0], sizes = [1, 10000, 128], strides = [1, 1, 1]} : vector<2x10000x128xf32> to vector<1x10000x128xf32>
    %squeeze3A_7 = vector.shape_cast %slice3A_6 : vector<1x10000x128xf32> to vector<10000x128xf32>
    %add3A = arith.addf %squeeze3A, %squeeze3A_7 : vector<10000x128xf32>
    %mul3A = vector.broadcast %get3A_5 : vector<10000x1xf32> to vector<10000x128xf32>
    %mul3A_8 = arith.mulf %mul3A, %add3A : vector<10000x128xf32>
    %get3A_9 = arith.constant 0 : index
    %get3A_10 = arith.constant 0 : index
    %get3A_11 = vector.load %arg2[%get3A_9, %get3A_10] : memref<1x128xf32, #tpu.memory_space<vmem>>, vector<1x128xf32>
    %add3A_12 = vector.broadcast %get3A_11 : vector<1x128xf32> to vector<10000x128xf32>
    %add3A_13 = arith.addf %mul3A_8, %add3A_12 : vector<10000x128xf32>
    %max3A = arith.constant 0.000000e+00 : f32
    %max3A_14 = vector.broadcast %max3A : f32 to vector<10000x128xf32>
    %max3A_15 = arith.maximumf %add3A_13, %max3A_14 : vector<10000x128xf32>
    %iota3A = tpu.iota {dimensions = array<i32: 1>} : vector<10000x128xi32>
    %get3A_16 = arith.constant 0 : index
    %get3A_17 = arith.constant 0 : index
    %get3A_18 = vector.load %arg3[%get3A_16, %get3A_17] : memref<10000x1xi32, #tpu.memory_space<vmem>>, vector<10000x1xi32>
    %eq3A = vector.broadcast %get3A_18 : vector<10000x1xi32> to vector<10000x128xi32>
    %eq3A_19 = arith.cmpi eq, %eq3A, %iota3A : vector<10000x128xi32>
    %convert_element_type3A = arith.extui %eq3A_19 : vector<10000x128xi1> to vector<10000x128xi32>
    %convert_element_type3A_20 = arith.sitofp %convert_element_type3A : vector<10000x128xi32> to vector<10000x128xf32>
    %dot_general3A = arith.constant dense<0.000000e+00> : vector<128x128xf32>
    %dot_general3A_21 = tpu.matmul %convert_element_type3A_20, %max3A_15, %dot_general3A {dimension_numbers = #tpu.dot_dimension_numbers<[0], [0], [1], [1], [0, 1, 1, 1], [], []>, transpose_lhs_hint = false} : vector<10000x128xf32>, vector<10000x128xf32>, vector<128x128xf32> -> vector<128x128xf32>
    %broadcast_in_dim3A = arith.constant 1.000000e+00 : f32
    %broadcast_in_dim3A_22 = vector.broadcast %broadcast_in_dim3A : f32 to vector<10000x1xf32>
    %dot_general3A_23 = arith.constant dense<0.000000e+00> : vector<128x1xf32>
    %dot_general3A_24 = tpu.matmul %convert_element_type3A_20, %broadcast_in_dim3A_22, %dot_general3A_23 {dimension_numbers = #tpu.dot_dimension_numbers<[0], [0], [1], [1], [0, 1, 1, 1], [], []>, transpose_lhs_hint = false} : vector<10000x128xf32>, vector<10000x1xf32>, vector<128x1xf32> -> vector<128x1xf32>
    %max3A_25 = arith.constant 1.000000e+00 : f32
    %max3A_26 = vector.broadcast %max3A_25 : f32 to vector<128x1xf32>
    %max3A_27 = arith.maximumf %dot_general3A_24, %max3A_26 : vector<128x1xf32>
    %div3A = vector.broadcast %max3A_27 : vector<128x1xf32> to vector<128x128xf32>
    %div3A_28 = arith.divf %dot_general3A_21, %div3A : vector<128x128xf32>
    %get3A_29 = arith.constant 0 : index
    %get3A_30 = arith.constant 0 : index
    %get3A_31 = vector.load %arg4[%get3A_29, %get3A_30] : memref<128x10xf32, #tpu.memory_space<vmem>>, vector<128x10xf32>
    %dot_general3A_32 = arith.constant dense<0.000000e+00> : vector<128x10xf32>
    %dot_general3A_33 = tpu.matmul %div3A_28, %get3A_31, %dot_general3A_32 {dimension_numbers = #tpu.dot_dimension_numbers<[1], [0], [0], [1], [0, 0, 1, 1], [], []>, transpose_lhs_hint = false} : vector<128x128xf32>, vector<128x10xf32>, vector<128x10xf32> -> vector<128x10xf32>
    %get3A_34 = arith.constant 0 : index
    %get3A_35 = arith.constant 0 : index
    %get3A_36 = vector.load %arg5[%get3A_34, %get3A_35] : memref<1x10xf32, #tpu.memory_space<vmem>>, vector<1x10xf32>
    %add3A_37 = vector.broadcast %get3A_36 : vector<1x10xf32> to vector<128x10xf32>
    %add3A_38 = arith.addf %dot_general3A_33, %add3A_37 : vector<128x10xf32>
    %swap3A = arith.constant 0 : index
    %swap3A_39 = arith.constant 0 : index
    %swap3A_40 = vector.load %arg6[%swap3A, %swap3A_39] : memref<128x10xf32, #tpu.memory_space<vmem>>, vector<128x10xf32>
    tpu.vector_store %arg6[%swap3A, %swap3A_39], %add3A_38 {strides = array<i32>} : memref<128x10xf32, #tpu.memory_space<vmem>>, vector<128x10xf32>,
    return
  }
}

</mosaic_0001>

<sc_bundles>
// kernel: kernel.12.cloned.1.call-start
scs
__scs_entry_jumppad:
0x0: {  	(pc) =	sbr.rel $0x88, $3  }
0x1: {  	(tag) =	ssettag $0x0;
	lr =	simm.s32 $0x1  }
0x2: {  	[smem:$0x3F98] =	sst lr;
	_ =	strace $0xD0000000  }
0x3: {  	_ = 	snop  }
0x4: {  	_ = 	snop  }
0x5: {  	_ = 	snop  }
0x6: {  	_ = 	snop  }
0x7: {  	_ = 	snop  }
__scs_overlays_trampoline_lowered:
0x8: {  	[smem:$0x3FA7] =	sst s0  }
0x9: {  	[smem:$0x3FA8] =	sst s1  }
0xa: {  	[smem:$0x3FA9] =	sst s2  }
0xb: {  	[smem:$0x3FAA] =	sst s3  }
0xc: {  	[smem:$0x3FAB] =	sst s4  }
0xd: {  	[smem:$0x3FAC] =	sst s5  }
0xe: {  	[smem:$0x3FAD] =	sst s6  }
0xf: {  	[smem:$0x3FAE] =	sst s7  }
0x10: {  	[smem:$0x3FAF] =	sst s8  }
0x11: {  	[smem:$0x3FB0] =	sst s9;
	s0 =	simm.s32 @!p0 $0x0  }
0x12: {  	s1 =	sld [smem:$0x3F96];
	s0 =	simm.s32 @p0 $0x1  }
0x13: {  	[smem:$0x3FB1] =	sst s0;
	s0 =	simm.s32 @!p1 $0x0  }
0x14: {  	s2 =	sld [smem:$0x3F95];
	s0 =	simm.s32 @p1 $0x1  }
0x15: {  	[smem:$0x3FB2] =	sst s0;
	s0 =	simm.s32 @!p2 $0x0  }
0x16: {  	s3 =	sld [smem:$0x3FDB];
	s0 =	simm.s32 @p2 $0x1  }
0x17: {  	s4 =	simm.s32 $0x1BF5;
	[smem:$0x3FB4] =	sst s0  }
0x18: {  	s0 =	sld [smem:$0x3F97];
	_ =	swait.ge [sflag:s4], $0x0  }
0x19: {  	s7 =	sld [smem:$0x3F98]  }
0x1a: {  	s8 =	sadd.s32 $0xFFFFE003, lr  }
0x1b: {  	s9 =	sadd.s32 $0xFFFFFEF7, lr;
	s5 =	simm.s32 $0xFFFFFFFF;
	p2 =	slt.u32 s8, $0xFFFFF086  }
0x1c: {  	p1 =	slt.u32 s9, $0xF7A;
	s5 =	simm.s32 @!p2 $0x0  }
0x1d: {  	s5 =	simm.s32 @p1 $0x1;
	p0 =	seq.s32 s7, s2  }
0x1e: {  	s7 =	smul.u32 @!p0 $0xF7A, s2;
	p2 =	seq.s32 @!p0 s5, $0x0  }
0x1f: {  	s9 =	smul.u32 $0xF7A, s1;
	s8 =	simm.s32 @!p0 $0x1BF5;
	p2 =	por !p2, p0  }
0x20: {  	[sflag:s8] =	ssyncset.s32 @!p0 $0xFFFFF086;
	s6 =	sadd.s32 @!p0 s3, s7;
	s7 =	simm.s32 @!p0 $0x108  }
0x21: {  	s3 =	sadd.s32 s3, s9;
	s6 =	sadd.s32 @!p0 $0x88, s6;
	s7 =	simm.s32 @p2 $0x1082  }
0x22: {  	[simem:s7], [sflag:s8] =	dma.local @!p0 [hbm:s6], $0xF7A  }
0x23: {  	s9 =	sor.u32 $0xD0000000, s2;
	s6 =	simm.s32 $0x108;
	_ =	swait.ge @!p0 [sflag:s8], $0x0  }
0x24: {  	s3 =	sadd.s32 $0x88, s3;
	s6 =	simm.s32 @!p1 $0x1082;
	[sflag:s4] =	ssyncset.s32 $0xFFFFF086  }
0x25: {  	[simem:s6], [sflag:s4] =	dma.local [hbm:s3], $0xF7A  }
0x26: {  	[smem:$0x3F98] =	sst s1;
	(tag) =	ssettag s2;
	_ =	strace s9  }
0x27: {  	s1 =	sld [smem:$0x3FA8]  }
0x28: {  	s2 =	sld [smem:$0x3FA9]  }
0x29: {  	s4 =	sld [smem:$0x3FAB]  }
0x2a: {  	p0 =	seq.s32 s5, $0x0;
	s5 =	sld [smem:$0x3FAC]  }
0x2b: {  	s6 =	sld [smem:$0x3FAD]  }
0x2c: {  	s7 =	sld [smem:$0x3FAE]  }
0x2d: {  	s3 =	simm.s32 $0x108;
	s8 =	sld [smem:$0x3FAF]  }
0x2e: {  	s3 =	simm.s32 @!p0 $0x1082;
	s9 =	sld [smem:$0x3FB0]  }
0x2f: {  	lr =	sadd.s32 s0, s3;
	s0 =	sld [smem:$0x3FA7]  }
0x30: {  	s3 =	sld [smem:$0x3FAA]  }
0x31: {  	[smem:$0x3FB3] =	sst s10  }
0x32: {  	s10 =	sld [smem:$0x3FB1];
	_ =	sdelay $0x3  }
0x33: {  	p0 =	seq.s32 s10, $0x1;
	s10 =	sld [smem:$0x3FB3];
	_ =	sdelay $0x3  }
0x34: {  	[smem:$0x3FB3] =	sst s10  }
0x35: {  	s10 =	sld [smem:$0x3FB2];
	_ =	sdelay $0x3  }
0x36: {  	p1 =	seq.s32 s10, $0x1;
	s10 =	sld [smem:$0x3FB3];
	_ =	sdelay $0x3  }
0x37: {  	[smem:$0x3FB3] =	sst s10  }
0x38: {  	s10 =	sld [smem:$0x3FB4]  }
0x39: {  	_ = 	snop;
	(pc) =	sbr.ind lr, $3  }
0x3a: {  	_ = 	snop  }
0x3b: {  	_ = 	snop  }
0x3c: {  	p2 =	seq.s32 s10, $0x1;
	s10 =	sld [smem:$0x3FB3]  }
0x3d: {  	_ =	shalt  }
0x3e: {  	_ =	shalt  }
0x3f: {  	_ =	shalt  }
0x40: {  	_ =	shalt  }
0x41: {  	_ =	shalt  }
0x42: {  	_ =	shalt  }
0x43: {  	_ =	shalt  }
0x44: {  	_ =	shalt  }
0x45: {  	_ =	shalt  }
0x46: {  	_ =	shalt  }
0x47: {  	_ =	shalt  }
0x48: {  	_ =	shalt  }
0x49: {  	_ =	shalt  }
0x4a: {  	_ =	shalt  }
0x4b: {  	_ =	shalt  }
0x4c: {  	_ =	shalt  }
0x4d: {  	_ =	shalt  }
0x4e: {  	_ =	shalt  }
0x4f: {  	_ =	shalt  }
0x50: {  	_ =	shalt  }
0x51: {  	_ =	shalt  }
0x52: {  	_ =	shalt  }
0x53: {  	_ =	shalt  }
0x54: {  	_ =	shalt  }
0x55: {  	_ =	shalt  }
0x56: {  	_ =	shalt  }
0x57: {  	_ =	shalt  }
0x58: {  	_ =	shalt  }
0x59: {  	_ =	shalt  }
0x5a: {  	_ =	shalt  }
0x5b: {  	_ =	shalt  }
0x5c: {  	_ =	shalt  }
0x5d: {  	_ =	shalt  }
0x5e: {  	_ =	shalt  }
0x5f: {  	_ =	shalt  }
0x60: {  	_ =	shalt  }
0x61: {  	_ =	shalt  }
0x62: {  	_ =	shalt  }
0x63: {  	_ =	shalt  }
0x64: {  	_ =	shalt  }
0x65: {  	_ =	shalt  }
0x66: {  	_ =	shalt  }
0x67: {  	_ =	shalt  }
0x68: {  	_ =	shalt  }
0x69: {  	_ =	shalt  }
0x6a: {  	_ =	shalt  }
0x6b: {  	_ =	shalt  }
0x6c: {  	_ =	shalt  }
0x6d: {  	_ =	shalt  }
0x6e: {  	_ =	shalt  }
0x6f: {  	_ =	shalt  }
0x70: {  	_ =	shalt  }
0x71: {  	_ =	shalt  }
0x72: {  	_ =	shalt  }
0x73: {  	_ =	shalt  }
0x74: {  	_ =	shalt  }
0x75: {  	_ =	shalt  }
0x76: {  	_ =	shalt  }
0x77: {  	_ =	shalt  }
0x78: {  	_ =	shalt  }
0x79: {  	_ =	shalt  }
0x7a: {  	_ =	shalt  }
0x7b: {  	_ =	shalt  }
0x7c: {  	_ =	shalt  }
0x7d: {  	_ =	shalt  }
0x7e: {  	_ =	shalt  }
0x7f: {  	_ =	shalt  }
0x80: {  	_ =	shalt  }
0x81: {  	_ =	shalt  }
0x82: {  	_ =	shalt  }
0x83: {  	_ =	shalt  }
0x84: {  	_ =	shalt  }
0x85: {  	_ =	shalt  }
0x86: {  	_ =	shalt  }
0x87: {  	_ =	shalt  }
.Lfunc_end0:
.L_simem_size_0:
called_computation.1_lowered:
.L_overlay_start_0:
0x88: {  	s2 =	sld [smem:$0x3FD9]  }
0x89: {  	s3 =	sld [smem:$0x3FFE];
	_ =	sdelay $0x1  }
0x8a: {  	s1 =	srdreg.scid  }
0x8b: {  	s0 =	sand.u32 $0x1, s1  }
0x8c: {  	s16 =	sshll.u32 s0, $0xA;
	s2 =	sadd.s32 s3, s2  }
0x8d: {  	s2 =	sadd.s32 s2, s16  }
0x8e: {  	[smem:$0x3FBF] =	sst s2  }
0x8f: {  	_ = 	snop  }
0x90: {  	(tm) =	ssettm $0x1  }
0x91: {  	s17 =	sld [smem:$0x3FFB];
	_ =	sdelay $0x3  }
0x92: {  	_ =	strace s17  }
0x93: {  	s2 =	sld [smem:$0x3FFC];
	_ =	sdelay $0x3  }
0x94: {  	_ =	strace s2  }
0x95: {  	s2 =	sld [smem:$0x3FFD];
	_ =	sdelay $0x3  }
0x96: {  	_ =	strace s2  }
0x97: {  	_ =	strace $0x8FFFFFFF  }
0x98: {  	s18 =	sld [smem:$0x3FDB];
	_ =	sdelay $0x1  }
0x99: {  	s19 =	simm.s32 $_scs_section_size  }
0x9a: {  	s4 =	simm.s32 $_size__tile_overlayer_lowered;
	s5 =	simm.s32 $_tile_overlayer_lowered  }
0x9b: {  	s22 =	simm.s32 $0x1BFF;
	s21 =	sshll.u32 s5, $0x1;
	s2 =	sadd.s32 s19, s18  }
0x9c: {  	s6 =	simm.s32 $0x0;
	s20 =	sshll.u32 s4, $0x1;
	s4 =	sadd.s32 s21, s2  }
0x9d: {  	[timem:s6], [sflag:s22] =	dma.local [hbm:s4], s20  }
0x9e: {  	_ =	swait.ge [sflag:s22], s20  }
0x9f: {  	s3 =	ssub.s32 $0x0, s20;
	[sflag:s22] =	ssyncset.done $0x0  }
0xa0: {  	[sflag:s22] =	ssyncadd.s32 s3;
	_ =	sdelay $0x1  }
0xa1: {  	s23 =	simm.s32 $0x1B8B  }
0xa2: {  	_ =	swait.ge [sflag:s23], $0x1  }
0xa3: {  	[sflag:s23] =	ssyncset.done $0x0  }
0xa4: {  	s25 =	simm.s32 $0x1B8E;
	s24 =	sld [smem:$0x3FFE];
	[sflag:s23] =	ssyncadd.s32 $0xFFFFFFFF  }
0xa5: {  	s26 =	simm.s32 $execute0_lowered;
	[smem:$0x3FD2] =	sst s25  }
0xa6: {  	s4 =	sshll.u32 s26, $0x1;
	_ =	strace $0x80000049;
	[dreg:$0x1] =	wrdreg $0xFFFFFFFF  }
0xa7: {  	s28 =	simm.s32 $_size_execute0_lowered;
	s2 =	sadd.s32 s2, s4;
	[dreg:$0x0] =	wrdreg $0x0  }
0xa8: {  	s4 =	sshll.u32 s28, $0x1;
	[dreg:$0x2] =	wrdreg s2  }
0xa9: {  	[dreg:$0x3] =	wrdreg s4  }
0xaa: {  	[dreg:$0x4] =	wrdreg $0xC0  }
0xab: {  	_ =	task [dreg:s6], $0x5FFFF  }
0xac: {  	[dreg:$0x1] =	wrdreg $0xFFFFFFFF  }
0xad: {  	[dreg:$0x0] =	wrdreg $0x60  }
0xae: {  	[dreg:$0x2] =	wrdreg s24  }
0xaf: {  	[dreg:$0x3] =	wrdreg $0xC0000  }
0xb0: {  	[dreg:$0x4] =	wrdreg $0x9  }
0xb1: {  	_ =	task.clear_ibuf [dreg:s6], $0x5FFFF;
	_ =	strace $0x90000049  }
0xb2: {  	s29 =	simm.s32 $0x9;
	_ =	strace $0x8000004B  }
0xb3: {  	_ =	swait.ge [sflag:s29], $0x1  }
0xb4: {  	[sflag:s29] =	ssyncadd.s32 $0xFFFFFFFF  }
0xb5: {  	_ =	strace $0x9000004B  }
0xb6: {  	_ =	sfence  }
0xb7: {  	s30 =	sld [smem:$0x0];
	_ =	sdelay $0x2  }
0xb8: {  	s31 =	sshll.u32 s1, $0xD;
	s1 =	sshrl.u32 s1, $0x2  }
0xb9: {  	s3 =	sand.u32 $0x4000, s31;
	s1 =	sadd.s32 s1, s30  }
0xba: {  	s0 =	sor.u32 s3, s0;
	s1 =	sshll.u32 s1, $0x11  }
0xbb: {  	s0 =	sor.u32 s1, s0  }
0xbc: {  	s0 =	sadd.s32 $0x8F2B, s0  }
0xbd: {  	[sflag:s0] =	ssyncadd.remote.s32 $0x1  }
0xbe: {  	_ =	sfence.sel $0xFFFF  }
0xbf: {  	[dreg:$0x0] =	wrdreg $0xFFFFFFFF;
	(pc) =	sbr.abs _section_cstart, $3  }
0xc0: {  	[dreg:$0x1] =	wrdreg $0xFFFFFFFF  }
0xc1: {  	_ =	task.clear_ibuf [dreg:s6], $0x2FFFF;
	_ =	strace $0x9FFFFFFF  }
0xc2: {  	(tm) =	ssettm $0x7FFFFFFF  }
0xc3: {  	_ =	shalt  }
tec
execute0_lowered:
.L_overlay_start_1:
0x0: {  	(tag) =	ssettag $0x1  }
0x1: {  	s0 =	srdreg.scid;
	s10 =	stileid.u32  }
0x2: {  	s1 =	sand.u32 $0x1, s0;
	s4 =	smul.u32 $0x5000, s10  }
0x3: {  	s3 =	smul.u32 $0x50000, s1  }
0x4: {  	s2 =	rddreg [dreg:$0x1]  }
0x5: {  	s0 =	rddreg [dreg:$0x0];
	s4 =	sadd.s32 s4, s3;
	s3 =	simm.s32 $0x0  }
0x6: {  	s17 =	simm.s32 $0x80;
	[smem:$0x7FF] =	sst s3  }
0x7: {  	s18 =	simm.s32 $0x100;
	_ =	strace $0x8000004A;
	[dreg:$0x5] =	wrdreg s17  }
0x8: {  	s19 =	simm.s32 $0x180;
	[dreg:$0x6] =	wrdreg s18  }
0x9: {  	s20 =	simm.s32 $0x200;
	[dreg:$0x7] =	wrdreg s19  }
0xa: {  	s21 =	simm.s32 $0x1080;
	[dreg:$0x8] =	wrdreg s20  }
0xb: {  	s22 =	simm.s32 $0x280;
	[dreg:$0x9] =	wrdreg s21  }
0xc: {  	s23 =	simm.s32 $0x1100;
	[dreg:$0xa] =	wrdreg s22  }
0xd: {  	s24 =	simm.s32 $0x300;
	[dreg:$0xb] =	wrdreg s23  }
0xe: {  	s25 =	simm.s32 $0x1180;
	s8 =	ssub.s32 $0x2, s1;
	[dreg:$0xc] =	wrdreg s24  }
0xf: {  	s26 =	simm.s32 $0x380;
	s9 =	sshrl.u32 s8, $0x1;
	[dreg:$0xd] =	wrdreg s25  }
0x10: {  	s8 =	ssub.s32 s8, s9;
	s9 =	simm.s32 $0x1200;
	[dreg:$0xe] =	wrdreg s26  }
0x11: {  	s13 =	simm.s32 $0x400;
	[dreg:$0xf] =	wrdreg s9  }
0x12: {  	s14 =	simm.s32 $0x1280;
	s11 =	smul.u32 $0x2700, s10;
	[dreg:$0x10] =	wrdreg s13  }
0x13: {  	s16 =	simm.s32 $0x480;
	[dreg:$0x11] =	wrdreg s14  }
0x14: {  	s12 =	smul.u32 $0x4E000, s10;
	s7 =	sadd.s32 s11, s0;
	[dreg:$0x12] =	wrdreg s16  }
0x15: {  	s7 =	sadd.s32 $0x62600, s7;
	[smem:$0x7E3] =	sst s11  }
0x16: {  	s15 =	sshrl.u32 s12, $0x2;
	s12 =	simm.s32 $0x1580;
	[smem:$0x7E6] =	sst s7  }
0x17: {  	s17 =	simm.s32 $0x1300;
	[dreg:$0x1d] =	wrdreg s12  }
0x18: {  	s19 =	simm.s32 $0x500;
	[dreg:$0x13] =	wrdreg s17  }
0x19: {  	s21 =	sadd.s32 $0x5FD00, s0;
	[dreg:$0x14] =	wrdreg s19  }
0x1a: {  	s6 =	smul.u32 $0x27100, s1;
	s20 =	simm.s32 $0x1380;
	[smem:$0x7E5] =	sst s21  }
0x1b: {  	s22 =	simm.s32 $0x580;
	[dreg:$0x15] =	wrdreg s20  }
0x1c: {  	s6 =	sadd.s32 s6, s0;
	s23 =	simm.s32 $0x1400;
	[dreg:$0x16] =	wrdreg s22  }
0x1d: {  	s28 =	simm.s32 $0x1;
	s25 =	sadd.s32 $0x89800, s6;
	[dreg:$0x17] =	wrdreg s23  }
0x1e: {  	s29 =	simm.s32 $0x5;
	s24 =	simm.s32 $0x600;
	[smem:$0x7E8] =	sst s25  }
0x1f: {  	s30 =	simm.s32 $0x2;
	s6 =	smax.u32 s8, $0x1;
	[dreg:$0x18] =	wrdreg s24  }
0x20: {  	s31 =	simm.s32 $0x6;
	s26 =	simm.s32 $0x1480;
	[smem:$0x7E9] =	sst s6  }
0x21: {  	p3 =	seq.s32 s1, $0x1;
	s7 =	simm.s32 $0x680;
	[dreg:$0x19] =	wrdreg s26  }
0x22: {  	p1 =	seq.s32 @p3 s10, $0xF;
	s8 =	simm.s32 $0x1500;
	[dreg:$0x1a] =	wrdreg s7  }
0x23: {  	p4 =	seq.s32 @!p3 s10, $0xF;
	s13 =	simm.s32 $0x780;
	[dreg:$0x1b] =	wrdreg s8  }
0x24: {  	p0 =	por !p1, !p3;
	s14 =	simm.s32 $0x1600;
	[dreg:$0x1e] =	wrdreg s13  }
0x25: {  	s4 =	sshrl.u32 s4, $0x3;
	s16 =	simm.s32 $0x1680;
	[dreg:$0x1f] =	wrdreg s14  }
0x26: {  	s4 =	sadd.s32 s4, s0;
	s9 =	sadd.s32 $0x124800, s2;
	[smem:$0x7EE] =	sst s16  }
0x27: {  	p1 =	por p1, !p3;
	s5 =	sadd.s32 $0x13400, s4;
	[smem:$0x7F0] =	sst s9  }
0x28: {  	p2 =	por !p4, p3;
	s4 =	sadd.s32 $0x27400, s4;
	[dreg:$0x3] =	wrdreg s5  }
0x29: {  	p3 =	por p4, p3;
	s1 =	sshrl.u32 @!p0 s9, $0x3;
	[dreg:$0x4] =	wrdreg s4  }
0x2a: {  	p4 =	seq.s32 s10, $0xF;
	s17 =	simm.s32 $0x880;
	[smem:$0x7EA] =	sst s1  }
0x2b: {  	s12 =	simm.s32 $0x0;
	s19 =	simm.s32 $0x900;
	[smem:$0x7EF] =	sst s17  }
0x2c: {  	s20 =	simm.s32 $0x1780;
	s21 =	simm.s32 $0x980;
	[smem:$0x7F3] =	sst s19  }
0x2d: {  	s22 =	simm.s32 $0x1800;
	s23 =	simm.s32 $0xA00;
	[smem:$0x7F4] =	sst s20  }
0x2e: {  	s24 =	simm.s32 $0x1880;
	s25 =	simm.s32 $0xA80;
	[smem:$0x7F6] =	sst s21  }
0x2f: {  	s26 =	simm.s32 $0x1900;
	s7 =	simm.s32 $0x4;
	[smem:$0x7F9] =	sst s22  }
0x30: {  	s13 =	simm.s32 $0xB80;
	s14 =	simm.s32 $0x1A00;
	[smem:$0x7FA] =	sst s23  }
0x31: {  	s16 =	simm.s32 $0x1B00;
	s4 =	sadd.s32 $0x3B400, s0;
	[smem:$0x7FB] =	sst s24  }
0x32: {  	s5 =	sadd.s32 s15, s2;
	s0 =	sadd.s32 $0x86F00, s0;
	[smem:$0x7FC] =	sst s25  }
0x33: {  	s1 =	sshll.u32 @!p1 s10, $0x6;
	s15 =	simm.s32 $0x800;
	[smem:$0x7FD] =	sst s26  }
0x34: {  	s20 =	simm.s32 $0x9;
	s21 =	simm.s32 $0x1000;
	[smem:$0x7E7] =	sst s0  }
0x35: {  	s22 =	simm.s32 $0x50;
	s23 =	simm.s32 $0x2000;
	[smem:$0x7ED] =	sst s15  }
0x36: {  	s24 =	simm.s32 $0x4800;
	s18 =	sadd.s32 s4, s11;
	[smem:$0x7F7] =	sst s5  }
0x37: {  	s25 =	simm.s32 $0x7000;
	s11 =	simm.s32 $0x700;
	[smem:$0x7E4] =	sst s18  }
0x38: {  	s26 =	simm.s32 $0x9800;
	s1 =	sor.u32 @!p1 $0x1C09, s1;
	[dreg:$0x1c] =	wrdreg s11  }
0x39: {  	s17 =	simm.s32 $0x1B80;
	[smem:$0x7EB] =	sst s1;
	s1 =	sshrl.u32 @!p1 s5, $0x3  }
0x3a: {  	s0 =	simm.s32 $0x7;
	s18 =	simm.s32 $0x1700;
	[smem:$0x7EC] =	sst s1  }
0x3b: {  	s15 =	simm.s32 $0xC00;
	s1 =	sshrl.u32 @!p2 s9, $0x3;
	[smem:$0x7F2] =	sst s18  }
0x3c: {  	s11 =	simm.s32 $0x1980;
	[smem:$0x7F1] =	sst s1;
	s1 =	sshll.u32 @!p3 s10, $0x6  }
0x3d: {  	s9 =	simm.s32 $0x8;
	s18 =	simm.s32 $0x1C00;
	s1 =	sor.u32 @!p3 $0x1C09, s1  }
0x3e: {  	s10 =	simm.s32 $0xB00;
	[smem:$0x7F5] =	sst s1;
	s1 =	sshrl.u32 @!p3 s5, $0x3  }
0x3f: {  	s5 =	simm.s32 $0x1A80;
	[smem:$0x7F8] =	sst s1;
	s1 =	simm.s32 $0x3  }
.LBB2_1:
0x40: {  	[smem:$0x7E2] =	sst s12  }
0x41: {  	s8 =	sld [smem:$0x7E7]  }
0x42: {  	s12 =	sld [smem:$0x7EA];
	_ =	sdelay $0x1  }
0x43: {  	s6 =	simm.s32 @!p0 $0x1FC9  }
0x44: {  	[spmem:s12], [sflag:s6] =	dma.local @!p0 [hbm:s8], $0x2800  }
0x45: {  	s6 =	simm.s32 @!p0 $0x9  }
0x46: {  	_ =	swait.ge @!p0 [sflag:s6], $0x2800  }
0x47: {  	s8 =	sld [smem:$0x7EB]  }
0x48: {  	[sflag:s6] =	ssyncset.done @!p0 $0x0;
	s12 =	sld [smem:$0x7EC]  }
0x49: {  	[sflag:s6] =	ssyncadd.s32 @!p0 $0xFFFFD800;
	s6 =	sld [smem:$0x7E6];
	_ =	sdelay $0x2  }
0x4a: {  	[spmem:s12], [sflag:s8] =	dma.local @!p1 [hbm:s6], $0x2700  }
0x4b: {  	s6 =	simm.s32 @!p1 $0x9  }
0x4c: {  	_ =	swait.ge @!p1 [sflag:s6], $0x2700  }
0x4d: {  	s8 =	sld [smem:$0x7E5]  }
0x4e: {  	s12 =	sld [smem:$0x7F1]  }
0x4f: {  	[sflag:s6] =	ssyncset.done @!p1 $0x0  }
0x50: {  	[sflag:s6] =	ssyncadd.s32 @!p1 $0xFFFFD900;
	s6 =	simm.s32 @!p2 $0x1FC9  }
0x51: {  	[spmem:s12], [sflag:s6] =	dma.local @!p2 [hbm:s8], $0x2800  }
0x52: {  	s6 =	simm.s32 @!p2 $0x9  }
0x53: {  	_ =	swait.ge @!p2 [sflag:s6], $0x2800  }
0x54: {  	s8 =	sld [smem:$0x7F5]  }
0x55: {  	[sflag:s6] =	ssyncset.done @!p2 $0x0;
	s12 =	sld [smem:$0x7F8]  }
0x56: {  	[sflag:s6] =	ssyncadd.s32 @!p2 $0xFFFFD800;
	s6 =	sld [smem:$0x7E4];
	_ =	sdelay $0x2  }
0x57: {  	[spmem:s12], [sflag:s8] =	dma.local @!p3 [hbm:s6], $0x2700  }
0x58: {  	s6 =	simm.s32 @!p3 $0x9  }
0x59: {  	_ =	swait.ge @!p3 [sflag:s6], $0x2700  }
0x5a: {  	[sflag:s6] =	ssyncset.done @!p3 $0x0  }
0x5b: {  	[sflag:s6] =	ssyncadd.s32 @!p3 $0xFFFFD900  }
0x5c: {  	[bflag:$0x0] =	sbarrier.arrive $0xFFFF  }
0x5d: {  	s12 =	rddreg [dreg:$0x4]  }
0x5e: {  	s6 =	sadd.s32 $0x0, s12  }
0x5f: {  	[tilespmem:s3], [sflag:$0x9] =	stream.linear.gather [hbm4b:s6+s3], $0xC80, $0x38;
	[tilespmem:$0x1F880] =	vst v63  }
0x60: {  	_ =	swait.ge [sflag:s20], $0xC80  }
0x61: {  	s19 =	rddreg [dreg:$0x3];
	[sflag:s20] =	ssyncset.done $0x0  }
0x62: {  	[sflag:s20] =	ssyncadd.s32 $0xFFFFF380;
	s6 =	sadd.s32 $0x0, s19  }
0x63: {  	[tilespmem:s21], [sflag:$0x9] =	stream.linear.gather [hbm4b:s6+s3], $0xC80, $0x38;
	[tilespmem:$0x1F880] =	vst v63  }
0x64: {  	_ =	swait.ge [sflag:s20], $0xC80  }
0x65: {  	[sflag:s20] =	ssyncset.done $0x0  }
0x66: {  	[sflag:s20] =	ssyncadd.s32 $0xFFFFF380  }
0x67: {  	[tilespmem:s23], [sflag:$0x1] =	stream.indirect.gather [hbm4b:s4+s22], $0x80, s3, s22, $0xb8;
	[tilespmem:$0x1F880] =	vst v63  }
0x68: {  	s8 =	rddreg [dreg:$0x5]  }
0x69: {  	[tilespmem:s24], [sflag:$0x2] =	stream.indirect.gather [hbm4b:s4+s22], $0x80, s8, s22, $0xb8;
	[tilespmem:$0x1F880] =	vst v63  }
0x6a: {  	s12 =	rddreg [dreg:$0x6]  }
0x6b: {  	[tilespmem:s25], [sflag:$0x3] =	stream.indirect.gather [hbm4b:s4+s22], $0x80, s12, s22, $0xb8;
	[tilespmem:$0x1F880] =	vst v63  }
0x6c: {  	s19 =	rddreg [dreg:$0x7]  }
0x6d: {  	[tilespmem:s26], [sflag:$0x4] =	stream.indirect.gather [hbm4b:s4+s22], $0x80, s19, s22, $0xb8;
	[tilespmem:$0x1F880] =	vst v63  }
0x6e: {  	_ =	swait.ge [sflag:s28], $0x2800  }
0x6f: {  	[sflag:s28] =	ssyncset.done $0x0  }
0x70: {  	[sflag:s28] =	ssyncadd.s32 $0xFFFFD800  }
0x71: {  	[spmem:s2] =	stream.indirect.scatter.add.f32 [tilespmem:s23], [sflag:$0x5], $0x80, s21, s22, $0xb8;
	[tilespmem:$0x1F880] =	vst v63  }
0x72: {  	_ =	swait.ge [sflag:s29], $0x2800  }
0x73: {  	[sflag:s29] =	ssyncset.done $0x0  }
0x74: {  	s8 =	rddreg [dreg:$0x8];
	[sflag:s29] =	ssyncadd.s32 $0xFFFFD800  }
0x75: {  	[tilespmem:s23], [sflag:$0x1] =	stream.indirect.gather [hbm4b:s4+s22], $0x80, s8, s22, $0xb8;
	[tilespmem:$0x1F880] =	vst v63  }
0x76: {  	_ =	swait.ge [sflag:s30], $0x2800  }
0x77: {  	[sflag:s30] =	ssyncset.done $0x0  }
0x78: {  	s12 =	rddreg [dreg:$0x9];
	[sflag:s30] =	ssyncadd.s32 $0xFFFFD800  }
0x79: {  	[spmem:s2] =	stream.indirect.scatter.add.f32 [tilespmem:s24], [sflag:$0x6], $0x80, s12, s22, $0xb8;
	[tilespmem:$0x1F880] =	vst v63  }
0x7a: {  	_ =	swait.ge [sflag:s31], $0x2800  }
0x7b: {  	[sflag:s31] =	ssyncset.done $0x0  }
0x7c: {  	s19 =	rddreg [dreg:$0xa];
	[sflag:s31] =	ssyncadd.s32 $0xFFFFD800  }
0x7d: {  	[tilespmem:s24], [sflag:$0x2] =	stream.indirect.gather [hbm4b:s4+s22], $0x80, s19, s22, $0xb8;
	[tilespmem:$0x1F880] =	vst v63  }
0x7e: {  	_ =	swait.ge [sflag:s1], $0x2800  }
0x7f: {  	[sflag:s1] =	ssyncset.done $0x0  }
0x80: {  	s8 =	rddreg [dreg:$0xb];
	[sflag:s1] =	ssyncadd.s32 $0xFFFFD800  }
0x81: {  	[spmem:s2] =	stream.indirect.scatter.add.f32 [tilespmem:s25], [sflag:$0x7], $0x80, s8, s22, $0xb8;
	[tilespmem:$0x1F880] =	vst v63  }
0x82: {  	_ =	swait.ge [sflag:s0], $0x2800  }
0x83: {  	[sflag:s0] =	ssyncset.done $0x0  }
0x84: {  	s12 =	rddreg [dreg:$0xc];
	[sflag:s0] =	ssyncadd.s32 $0xFFFFD800  }
0x85: {  	[tilespmem:s25], [sflag:$0x3] =	stream.indirect.gather [hbm4b:s4+s22], $0x80, s12, s22, $0xb8;
	[tilespmem:$0x1F880] =	vst v63  }
0x86: {  	_ =	swait.ge [sflag:s7], $0x2800  }
0x87: {  	[sflag:s7] =	ssyncset.done $0x0  }
0x88: {  	s19 =	rddreg [dreg:$0xd];
	[sflag:s7] =	ssyncadd.s32 $0xFFFFD800  }
0x89: {  	[spmem:s2] =	stream.indirect.scatter.add.f32 [tilespmem:s26], [sflag:$0x8], $0x80, s19, s22, $0xb8;
	[tilespmem:$0x1F880] =	vst v63  }
0x8a: {  	_ =	swait.ge [sflag:s9], $0x2800  }
0x8b: {  	[sflag:s9] =	ssyncset.done $0x0  }
0x8c: {  	s8 =	rddreg [dreg:$0xe];
	[sflag:s9] =	ssyncadd.s32 $0xFFFFD800  }
0x8d: {  	[tilespmem:s26], [sflag:$0x4] =	stream.indirect.gather [hbm4b:s4+s22], $0x80, s8, s22, $0xb8;
	[tilespmem:$0x1F880] =	vst v63  }
0x8e: {  	_ =	swait.ge [sflag:s28], $0x2800  }
0x8f: {  	[sflag:s28] =	ssyncset.done $0x0  }
0x90: {  	s12 =	rddreg [dreg:$0xf];
	[sflag:s28] =	ssyncadd.s32 $0xFFFFD800  }
0x91: {  	[spmem:s2] =	stream.indirect.scatter.add.f32 [tilespmem:s23], [sflag:$0x5], $0x80, s12, s22, $0xb8;
	[tilespmem:$0x1F880] =	vst v63  }
0x92: {  	_ =	swait.ge [sflag:s29], $0x2800  }
0x93: {  	[sflag:s29] =	ssyncset.done $0x0  }
0x94: {  	s19 =	rddreg [dreg:$0x10];
	[sflag:s29] =	ssyncadd.s32 $0xFFFFD800  }
0x95: {  	[tilespmem:s23], [sflag:$0x1] =	stream.indirect.gather [hbm4b:s4+s22], $0x80, s19, s22, $0xb8;
	[tilespmem:$0x1F880] =	vst v63  }
0x96: {  	_ =	swait.ge [sflag:s30], $0x2800  }
0x97: {  	[sflag:s30] =	ssyncset.done $0x0  }
0x98: {  	s8 =	rddreg [dreg:$0x11];
	[sflag:s30] =	ssyncadd.s32 $0xFFFFD800  }
0x99: {  	[spmem:s2] =	stream.indirect.scatter.add.f32 [tilespmem:s24], [sflag:$0x6], $0x80, s8, s22, $0xb8;
	[tilespmem:$0x1F880] =	vst v63  }
0x9a: {  	_ =	swait.ge [sflag:s31], $0x2800  }
0x9b: {  	[sflag:s31] =	ssyncset.done $0x0  }
0x9c: {  	s12 =	rddreg [dreg:$0x12];
	[sflag:s31] =	ssyncadd.s32 $0xFFFFD800  }
0x9d: {  	[tilespmem:s24], [sflag:$0x2] =	stream.indirect.gather [hbm4b:s4+s22], $0x80, s12, s22, $0xb8;
	[tilespmem:$0x1F880] =	vst v63  }
0x9e: {  	_ =	swait.ge [sflag:s1], $0x2800  }
0x9f: {  	[sflag:s1] =	ssyncset.done $0x0  }
0xa0: {  	s19 =	rddreg [dreg:$0x13];
	[sflag:s1] =	ssyncadd.s32 $0xFFFFD800  }
0xa1: {  	[spmem:s2] =	stream.indirect.scatter.add.f32 [tilespmem:s25], [sflag:$0x7], $0x80, s19, s22, $0xb8;
	[tilespmem:$0x1F880] =	vst v63  }
0xa2: {  	_ =	swait.ge [sflag:s0], $0x2800  }
0xa3: {  	[sflag:s0] =	ssyncset.done $0x0  }
0xa4: {  	s8 =	rddreg [dreg:$0x14];
	[sflag:s0] =	ssyncadd.s32 $0xFFFFD800  }
0xa5: {  	[tilespmem:s25], [sflag:$0x3] =	stream.indirect.gather [hbm4b:s4+s22], $0x80, s8, s22, $0xb8;
	[tilespmem:$0x1F880] =	vst v63  }
0xa6: {  	_ =	swait.ge [sflag:s7], $0x2800  }
0xa7: {  	[sflag:s7] =	ssyncset.done $0x0  }
0xa8: {  	s12 =	rddreg [dreg:$0x15];
	[sflag:s7] =	ssyncadd.s32 $0xFFFFD800  }
0xa9: {  	[spmem:s2] =	stream.indirect.scatter.add.f32 [tilespmem:s26], [sflag:$0x8], $0x80, s12, s22, $0xb8;
	[tilespmem:$0x1F880] =	vst v63  }
0xaa: {  	_ =	swait.ge [sflag:s9], $0x2800  }
0xab: {  	[sflag:s9] =	ssyncset.done $0x0  }
0xac: {  	s19 =	rddreg [dreg:$0x16];
	[sflag:s9] =	ssyncadd.s32 $0xFFFFD800  }
0xad: {  	[tilespmem:s26], [sflag:$0x4] =	stream.indirect.gather [hbm4b:s4+s22], $0x80, s19, s22, $0xb8;
	[tilespmem:$0x1F880] =	vst v63  }
0xae: {  	_ =	swait.ge [sflag:s28], $0x2800  }
0xaf: {  	[sflag:s28] =	ssyncset.done $0x0  }
0xb0: {  	s8 =	rddreg [dreg:$0x17];
	[sflag:s28] =	ssyncadd.s32 $0xFFFFD800  }
0xb1: {  	[spmem:s2] =	stream.indirect.scatter.add.f32 [tilespmem:s23], [sflag:$0x5], $0x80, s8, s22, $0xb8;
	[tilespmem:$0x1F880] =	vst v63  }
0xb2: {  	_ =	swait.ge [sflag:s29], $0x2800  }
0xb3: {  	[sflag:s29] =	ssyncset.done $0x0  }
0xb4: {  	s12 =	rddreg [dreg:$0x18];
	[sflag:s29] =	ssyncadd.s32 $0xFFFFD800  }
0xb5: {  	[tilespmem:s23], [sflag:$0x1] =	stream.indirect.gather [hbm4b:s4+s22], $0x80, s12, s22, $0xb8;
	[tilespmem:$0x1F880] =	vst v63  }
0xb6: {  	_ =	swait.ge [sflag:s30], $0x2800  }
0xb7: {  	[sflag:s30] =	ssyncset.done $0x0  }
0xb8: {  	s19 =	rddreg [dreg:$0x19];
	[sflag:s30] =	ssyncadd.s32 $0xFFFFD800  }
0xb9: {  	[spmem:s2] =	stream.indirect.scatter.add.f32 [tilespmem:s24], [sflag:$0x6], $0x80, s19, s22, $0xb8;
	[tilespmem:$0x1F880] =	vst v63  }
0xba: {  	_ =	swait.ge [sflag:s31], $0x2800  }
0xbb: {  	[sflag:s31] =	ssyncset.done $0x0  }
0xbc: {  	s8 =	rddreg [dreg:$0x1a];
	[sflag:s31] =	ssyncadd.s32 $0xFFFFD800  }
0xbd: {  	[tilespmem:s24], [sflag:$0x2] =	stream.indirect.gather [hbm4b:s4+s22], $0x80, s8, s22, $0xb8;
	[tilespmem:$0x1F880] =	vst v63  }
0xbe: {  	_ =	swait.ge [sflag:s1], $0x2800  }
0xbf: {  	[sflag:s1] =	ssyncset.done $0x0  }
0xc0: {  	s12 =	rddreg [dreg:$0x1b];
	[sflag:s1] =	ssyncadd.s32 $0xFFFFD800  }
0xc1: {  	[spmem:s2] =	stream.indirect.scatter.add.f32 [tilespmem:s25], [sflag:$0x7], $0x80, s12, s22, $0xb8;
	[tilespmem:$0x1F880] =	vst v63  }
0xc2: {  	_ =	swait.ge [sflag:s0], $0x2800  }
0xc3: {  	[sflag:s0] =	ssyncset.done $0x0  }
0xc4: {  	s19 =	rddreg [dreg:$0x1c];
	[sflag:s0] =	ssyncadd.s32 $0xFFFFD800  }
0xc5: {  	[tilespmem:s25], [sflag:$0x3] =	stream.indirect.gather [hbm4b:s4+s22], $0x80, s19, s22, $0xb8;
	[tilespmem:$0x1F880] =	vst v63  }
0xc6: {  	_ =	swait.ge [sflag:s7], $0x2800  }
0xc7: {  	[sflag:s7] =	ssyncset.done $0x0  }
0xc8: {  	s8 =	rddreg [dreg:$0x1d];
	[sflag:s7] =	ssyncadd.s32 $0xFFFFD800  }
0xc9: {  	[spmem:s2] =	stream.indirect.scatter.add.f32 [tilespmem:s26], [sflag:$0x8], $0x80, s8, s22, $0xb8;
	[tilespmem:$0x1F880] =	vst v63  }
0xca: {  	_ =	swait.ge [sflag:s9], $0x2800  }
0xcb: {  	[sflag:s9] =	ssyncset.done $0x0  }
0xcc: {  	s12 =	rddreg [dreg:$0x1e];
	[sflag:s9] =	ssyncadd.s32 $0xFFFFD800  }
0xcd: {  	[tilespmem:s26], [sflag:$0x4] =	stream.indirect.gather [hbm4b:s4+s22], $0x80, s12, s22, $0xb8;
	[tilespmem:$0x1F880] =	vst v63  }
0xce: {  	_ =	swait.ge [sflag:s28], $0x2800  }
0xcf: {  	[sflag:s28] =	ssyncset.done $0x0  }
0xd0: {  	s19 =	rddreg [dreg:$0x1f];
	[sflag:s28] =	ssyncadd.s32 $0xFFFFD800  }
0xd1: {  	[spmem:s2] =	stream.indirect.scatter.add.f32 [tilespmem:s23], [sflag:$0x5], $0x80, s19, s22, $0xb8;
	[tilespmem:$0x1F880] =	vst v63  }
0xd2: {  	_ =	swait.ge [sflag:s29], $0x2800  }
0xd3: {  	s8 =	sld [smem:$0x7ED]  }
0xd4: {  	[sflag:s29] =	ssyncset.done $0x0  }
0xd5: {  	[sflag:s29] =	ssyncadd.s32 $0xFFFFD800  }
0xd6: {  	[tilespmem:s23], [sflag:$0x1] =	stream.indirect.gather [hbm4b:s4+s22], $0x80, s8, s22, $0xb8;
	[tilespmem:$0x1F880] =	vst v63  }
0xd7: {  	_ =	swait.ge [sflag:s30], $0x2800  }
0xd8: {  	s12 =	sld [smem:$0x7EE]  }
0xd9: {  	[sflag:s30] =	ssyncset.done $0x0  }
0xda: {  	[sflag:s30] =	ssyncadd.s32 $0xFFFFD800  }
0xdb: {  	[spmem:s2] =	stream.indirect.scatter.add.f32 [tilespmem:s24], [sflag:$0x6], $0x80, s12, s22, $0xb8;
	[tilespmem:$0x1F880] =	vst v63  }
0xdc: {  	_ =	swait.ge [sflag:s31], $0x2800  }
0xdd: {  	s19 =	sld [smem:$0x7EF]  }
0xde: {  	[sflag:s31] =	ssyncset.done $0x0  }
0xdf: {  	[sflag:s31] =	ssyncadd.s32 $0xFFFFD800  }
0xe0: {  	[tilespmem:s24], [sflag:$0x2] =	stream.indirect.gather [hbm4b:s4+s22], $0x80, s19, s22, $0xb8;
	[tilespmem:$0x1F880] =	vst v63  }
0xe1: {  	_ =	swait.ge [sflag:s1], $0x2800  }
0xe2: {  	s8 =	sld [smem:$0x7F2]  }
0xe3: {  	[sflag:s1] =	ssyncset.done $0x0  }
0xe4: {  	[sflag:s1] =	ssyncadd.s32 $0xFFFFD800  }
0xe5: {  	[spmem:s2] =	stream.indirect.scatter.add.f32 [tilespmem:s25], [sflag:$0x7], $0x80, s8, s22, $0xb8;
	[tilespmem:$0x1F880] =	vst v63  }
0xe6: {  	_ =	swait.ge [sflag:s0], $0x2800  }
0xe7: {  	s12 =	sld [smem:$0x7F3]  }
0xe8: {  	[sflag:s0] =	ssyncset.done $0x0  }
0xe9: {  	[sflag:s0] =	ssyncadd.s32 $0xFFFFD800  }
0xea: {  	[tilespmem:s25], [sflag:$0x3] =	stream.indirect.gather [hbm4b:s4+s22], $0x80, s12, s22, $0xb8;
	[tilespmem:$0x1F880] =	vst v63  }
0xeb: {  	_ =	swait.ge [sflag:s7], $0x2800  }
0xec: {  	s19 =	sld [smem:$0x7F4]  }
0xed: {  	[sflag:s7] =	ssyncset.done $0x0  }
0xee: {  	[sflag:s7] =	ssyncadd.s32 $0xFFFFD800  }
0xef: {  	[spmem:s2] =	stream.indirect.scatter.add.f32 [tilespmem:s26], [sflag:$0x8], $0x80, s19, s22, $0xb8;
	[tilespmem:$0x1F880] =	vst v63  }
0xf0: {  	_ =	swait.ge [sflag:s9], $0x2800  }
0xf1: {  	s8 =	sld [smem:$0x7F6]  }
0xf2: {  	[sflag:s9] =	ssyncset.done $0x0  }
0xf3: {  	[sflag:s9] =	ssyncadd.s32 $0xFFFFD800  }
0xf4: {  	[tilespmem:s26], [sflag:$0x4] =	stream.indirect.gather [hbm4b:s4+s22], $0x80, s8, s22, $0xb8;
	[tilespmem:$0x1F880] =	vst v63  }
0xf5: {  	_ =	swait.ge [sflag:s28], $0x2800  }
0xf6: {  	s12 =	sld [smem:$0x7F9]  }
0xf7: {  	[sflag:s28] =	ssyncset.done $0x0  }
0xf8: {  	[sflag:s28] =	ssyncadd.s32 $0xFFFFD800  }
0xf9: {  	[spmem:s2] =	stream.indirect.scatter.add.f32 [tilespmem:s23], [sflag:$0x5], $0x80, s12, s22, $0xb8;
	[tilespmem:$0x1F880] =	vst v63  }
0xfa: {  	_ =	swait.ge [sflag:s29], $0x2800  }
0xfb: {  	s19 =	sld [smem:$0x7FA]  }
0xfc: {  	[sflag:s29] =	ssyncset.done $0x0  }
0xfd: {  	[sflag:s29] =	ssyncadd.s32 $0xFFFFD800  }
0xfe: {  	[tilespmem:s23], [sflag:$0x1] =	stream.indirect.gather [hbm4b:s4+s22], $0x80, s19, s22, $0xb8;
	[tilespmem:$0x1F880] =	vst v63  }
0xff: {  	_ =	swait.ge [sflag:s30], $0x2800  }
0x100: {  	s8 =	sld [smem:$0x7FB]  }
0x101: {  	[sflag:s30] =	ssyncset.done $0x0  }
0x102: {  	[sflag:s30] =	ssyncadd.s32 $0xFFFFD800  }
0x103: {  	[spmem:s2] =	stream.indirect.scatter.add.f32 [tilespmem:s24], [sflag:$0x6], $0x80, s8, s22, $0xb8;
	[tilespmem:$0x1F880] =	vst v63  }
0x104: {  	_ =	swait.ge [sflag:s31], $0x2800  }
0x105: {  	s12 =	sld [smem:$0x7FC]  }
0x106: {  	[sflag:s31] =	ssyncset.done $0x0  }
0x107: {  	[sflag:s31] =	ssyncadd.s32 $0xFFFFD800  }
0x108: {  	[tilespmem:s24], [sflag:$0x2] =	stream.indirect.gather [hbm4b:s4+s22], $0x80, s12, s22, $0xb8;
	[tilespmem:$0x1F880] =	vst v63  }
0x109: {  	_ =	swait.ge [sflag:s1], $0x2800  }
0x10a: {  	s19 =	sld [smem:$0x7FD]  }
0x10b: {  	[sflag:s1] =	ssyncset.done $0x0  }
0x10c: {  	[sflag:s1] =	ssyncadd.s32 $0xFFFFD800  }
0x10d: {  	[spmem:s2] =	stream.indirect.scatter.add.f32 [tilespmem:s25], [sflag:$0x7], $0x80, s19, s22, $0xb8;
	[tilespmem:$0x1F880] =	vst v63  }
0x10e: {  	_ =	swait.ge [sflag:s0], $0x2800  }
0x10f: {  	[sflag:s0] =	ssyncset.done $0x0  }
0x110: {  	[sflag:s0] =	ssyncadd.s32 $0xFFFFD800  }
0x111: {  	[tilespmem:s25], [sflag:$0x3] =	stream.indirect.gather [hbm4b:s4+s22], $0x80, s10, s22, $0xb8;
	[tilespmem:$0x1F880] =	vst v63  }
0x112: {  	_ =	swait.ge [sflag:s7], $0x2800  }
0x113: {  	[sflag:s7] =	ssyncset.done $0x0  }
0x114: {  	[sflag:s7] =	ssyncadd.s32 $0xFFFFD800  }
0x115: {  	[spmem:s2] =	stream.indirect.scatter.add.f32 [tilespmem:s26], [sflag:$0x8], $0x80, s11, s22, $0xb8;
	[tilespmem:$0x1F880] =	vst v63  }
0x116: {  	_ =	swait.ge [sflag:s9], $0x2800  }
0x117: {  	[sflag:s9] =	ssyncset.done $0x0  }
0x118: {  	[sflag:s9] =	ssyncadd.s32 $0xFFFFD800  }
0x119: {  	[tilespmem:s26], [sflag:$0x4] =	stream.indirect.gather [hbm4b:s4+s22], $0x80, s13, s22, $0xb8;
	[tilespmem:$0x1F880] =	vst v63  }
0x11a: {  	_ =	swait.ge [sflag:s28], $0x2800  }
0x11b: {  	[sflag:s28] =	ssyncset.done $0x0  }
0x11c: {  	[sflag:s28] =	ssyncadd.s32 $0xFFFFD800  }
0x11d: {  	[spmem:s2] =	stream.indirect.scatter.add.f32 [tilespmem:s23], [sflag:$0x5], $0x80, s14, s22, $0xb8;
	[tilespmem:$0x1F880] =	vst v63  }
0x11e: {  	_ =	swait.ge [sflag:s29], $0x2800  }
0x11f: {  	[sflag:s29] =	ssyncset.done $0x0  }
0x120: {  	[sflag:s29] =	ssyncadd.s32 $0xFFFFD800  }
0x121: {  	[tilespmem:s23], [sflag:$0x1] =	stream.indirect.gather [hbm4b:s4+s22], $0x80, s15, s22, $0xb8;
	[tilespmem:$0x1F880] =	vst v63  }
0x122: {  	_ =	swait.ge [sflag:s30], $0x2800  }
0x123: {  	[sflag:s30] =	ssyncset.done $0x0  }
0x124: {  	[sflag:s30] =	ssyncadd.s32 $0xFFFFD800  }
0x125: {  	[spmem:s2] =	stream.indirect.scatter.add.f32 [tilespmem:s24], [sflag:$0x6], $0x80, s5, s22, $0xb8;
	[tilespmem:$0x1F880] =	vst v63  }
0x126: {  	_ =	swait.ge [sflag:s1], $0x2800  }
0x127: {  	[sflag:s1] =	ssyncset.done $0x0  }
0x128: {  	[sflag:s1] =	ssyncadd.s32 $0xFFFFD800  }
0x129: {  	[spmem:s2] =	stream.indirect.scatter.add.f32 [tilespmem:s25], [sflag:$0x7], $0x80, s16, s22, $0xb8;
	[tilespmem:$0x1F880] =	vst v63  }
0x12a: {  	_ =	swait.ge [sflag:s7], $0x2800  }
0x12b: {  	[sflag:s7] =	ssyncset.done $0x0  }
0x12c: {  	[sflag:s7] =	ssyncadd.s32 $0xFFFFD800  }
0x12d: {  	[spmem:s2] =	stream.indirect.scatter.add.f32 [tilespmem:s26], [sflag:$0x8], $0x80, s17, s22, $0xb8;
	[tilespmem:$0x1F880] =	vst v63  }
0x12e: {  	_ =	swait.ge [sflag:s28], $0x2800  }
0x12f: {  	[sflag:s28] =	ssyncset.done $0x0  }
0x130: {  	[sflag:s28] =	ssyncadd.s32 $0xFFFFD800  }
0x131: {  	[spmem:s2] =	stream.indirect.scatter.add.f32 [tilespmem:s23], [sflag:$0x5], $0x80, s18, s22, $0xb8;
	[tilespmem:$0x1F880] =	vst v63  }
0x132: {  	_ =	swait.ge [sflag:s29], $0x2800  }
0x133: {  	[sflag:s29] =	ssyncset.done $0x0  }
0x134: {  	[sflag:s29] =	ssyncadd.s32 $0xFFFFD800  }
0x135: {  	_ =	swait.ge [sflag:s31], $0x2800  }
0x136: {  	[sflag:s31] =	ssyncset.done $0x0  }
0x137: {  	[sflag:s31] =	ssyncadd.s32 $0xFFFFD800  }
0x138: {  	_ =	swait.ge [sflag:s0], $0x2800  }
0x139: {  	[sflag:s0] =	ssyncset.done $0x0  }
0x13a: {  	[sflag:s0] =	ssyncadd.s32 $0xFFFFD800  }
0x13b: {  	s6 =	simm.s32 $0x200;
	_ =	swait.ge [sflag:s9], $0x2800  }
0x13c: {  	s8 =	simm.s32 $0x400;
	s12 =	rddreg [dreg:$0x4];
	[sflag:s9] =	ssyncset.done $0x0  }
.LBB2_2:
0x13d: {  	[sflag:s9] =	ssyncadd.s32 $0xFFFFD800;
	s12 =	sadd.s32 s6, s12  }
0x13e: {  	[tilespmem:s3], [sflag:$0x9] =	stream.linear.gather [hbm4b:s12+s3], $0xC80, $0x38;
	[tilespmem:$0x1F880] =	vst v63  }
0x13f: {  	_ =	swait.ge [sflag:s20], $0xC80  }
0x140: {  	s12 =	rddreg [dreg:$0x3];
	[sflag:s20] =	ssyncset.done $0x0  }
0x141: {  	[sflag:s20] =	ssyncadd.s32 $0xFFFFF380;
	s12 =	sadd.s32 s6, s12  }
0x142: {  	[tilespmem:s21], [sflag:$0x9] =	stream.linear.gather [hbm4b:s12+s3], $0xC80, $0x38;
	[tilespmem:$0x1F880] =	vst v63  }
0x143: {  	_ =	swait.ge [sflag:s20], $0xC80  }
0x144: {  	[sflag:s20] =	ssyncset.done $0x0  }
0x145: {  	[sflag:s20] =	ssyncadd.s32 $0xFFFFF380  }
0x146: {  	[tilespmem:s23], [sflag:$0x1] =	stream.indirect.gather [hbm4b:s4+s22], $0x80, s3, s22, $0xb8;
	[tilespmem:$0x1F880] =	vst v63  }
0x147: {  	s19 =	smov.u32 s8;
	s12 =	rddreg [dreg:$0x5]  }
0x148: {  	[tilespmem:s24], [sflag:$0x2] =	stream.indirect.gather [hbm4b:s4+s22], $0x80, s12, s22, $0xb8;
	[tilespmem:$0x1F880] =	vst v63  }
0x149: {  	s6 =	smov.u32 s19;
	s19 =	rddreg [dreg:$0x6]  }
0x14a: {  	[tilespmem:s25], [sflag:$0x3] =	stream.indirect.gather [hbm4b:s4+s22], $0x80, s19, s22, $0xb8;
	[tilespmem:$0x1F880] =	vst v63  }
0x14b: {  	s12 =	rddreg [dreg:$0x7]  }
0x14c: {  	[tilespmem:s26], [sflag:$0x4] =	stream.indirect.gather [hbm4b:s4+s22], $0x80, s12, s22, $0xb8;
	[tilespmem:$0x1F880] =	vst v63  }
0x14d: {  	_ =	swait.ge [sflag:s28], $0x2800  }
0x14e: {  	[sflag:s28] =	ssyncset.done $0x0  }
0x14f: {  	[sflag:s28] =	ssyncadd.s32 $0xFFFFD800  }
0x150: {  	[spmem:s2] =	stream.indirect.scatter.add.f32 [tilespmem:s23], [sflag:$0x5], $0x80, s21, s22, $0xb8;
	[tilespmem:$0x1F880] =	vst v63  }
0x151: {  	_ =	swait.ge [sflag:s29], $0x2800  }
0x152: {  	[sflag:s29] =	ssyncset.done $0x0  }
0x153: {  	s19 =	rddreg [dreg:$0x8];
	[sflag:s29] =	ssyncadd.s32 $0xFFFFD800  }
0x154: {  	[tilespmem:s23], [sflag:$0x1] =	stream.indirect.gather [hbm4b:s4+s22], $0x80, s19, s22, $0xb8;
	[tilespmem:$0x1F880] =	vst v63  }
0x155: {  	_ =	swait.ge [sflag:s30], $0x2800  }
0x156: {  	[sflag:s30] =	ssyncset.done $0x0  }
0x157: {  	s19 =	rddreg [dreg:$0x9];
	[sflag:s30] =	ssyncadd.s32 $0xFFFFD800  }
0x158: {  	[spmem:s2] =	stream.indirect.scatter.add.f32 [tilespmem:s24], [sflag:$0x6], $0x80, s19, s22, $0xb8;
	[tilespmem:$0x1F880] =	vst v63  }
0x159: {  	_ =	swait.ge [sflag:s31], $0x2800  }
0x15a: {  	[sflag:s31] =	ssyncset.done $0x0  }
0x15b: {  	s19 =	rddreg [dreg:$0xa];
	[sflag:s31] =	ssyncadd.s32 $0xFFFFD800  }
0x15c: {  	[tilespmem:s24], [sflag:$0x2] =	stream.indirect.gather [hbm4b:s4+s22], $0x80, s19, s22, $0xb8;
	[tilespmem:$0x1F880] =	vst v63  }
0x15d: {  	_ =	swait.ge [sflag:s1], $0x2800  }
0x15e: {  	[sflag:s1] =	ssyncset.done $0x0  }
0x15f: {  	s19 =	rddreg [dreg:$0xb];
	[sflag:s1] =	ssyncadd.s32 $0xFFFFD800  }
0x160: {  	[spmem:s2] =	stream.indirect.scatter.add.f32 [tilespmem:s25], [sflag:$0x7], $0x80, s19, s22, $0xb8;
	[tilespmem:$0x1F880] =	vst v63  }
0x161: {  	_ =	swait.ge [sflag:s0], $0x2800  }
0x162: {  	[sflag:s0] =	ssyncset.done $0x0  }
0x163: {  	s19 =	rddreg [dreg:$0xc];
	[sflag:s0] =	ssyncadd.s32 $0xFFFFD800  }
0x164: {  	[tilespmem:s25], [sflag:$0x3] =	stream.indirect.gather [hbm4b:s4+s22], $0x80, s19, s22, $0xb8;
	[tilespmem:$0x1F880] =	vst v63  }
0x165: {  	_ =	swait.ge [sflag:s7], $0x2800  }
0x166: {  	[sflag:s7] =	ssyncset.done $0x0  }
0x167: {  	s19 =	rddreg [dreg:$0xd];
	[sflag:s7] =	ssyncadd.s32 $0xFFFFD800  }
0x168: {  	[spmem:s2] =	stream.indirect.scatter.add.f32 [tilespmem:s26], [sflag:$0x8], $0x80, s19, s22, $0xb8;
	[tilespmem:$0x1F880] =	vst v63  }
0x169: {  	_ =	swait.ge [sflag:s9], $0x2800  }
0x16a: {  	[sflag:s9] =	ssyncset.done $0x0  }
0x16b: {  	s19 =	rddreg [dreg:$0xe];
	[sflag:s9] =	ssyncadd.s32 $0xFFFFD800  }
0x16c: {  	[tilespmem:s26], [sflag:$0x4] =	stream.indirect.gather [hbm4b:s4+s22], $0x80, s19, s22, $0xb8;
	[tilespmem:$0x1F880] =	vst v63  }
0x16d: {  	_ =	swait.ge [sflag:s28], $0x2800  }
0x16e: {  	[sflag:s28] =	ssyncset.done $0x0  }
0x16f: {  	s19 =	rddreg [dreg:$0xf];
	[sflag:s28] =	ssyncadd.s32 $0xFFFFD800  }
0x170: {  	[spmem:s2] =	stream.indirect.scatter.add.f32 [tilespmem:s23], [sflag:$0x5], $0x80, s19, s22, $0xb8;
	[tilespmem:$0x1F880] =	vst v63  }
0x171: {  	_ =	swait.ge [sflag:s29], $0x2800  }
0x172: {  	[sflag:s29] =	ssyncset.done $0x0  }
0x173: {  	s19 =	rddreg [dreg:$0x10];
	[sflag:s29] =	ssyncadd.s32 $0xFFFFD800  }
0x174: {  	[tilespmem:s23], [sflag:$0x1] =	stream.indirect.gather [hbm4b:s4+s22], $0x80, s19, s22, $0xb8;
	[tilespmem:$0x1F880] =	vst v63  }
0x175: {  	_ =	swait.ge [sflag:s30], $0x2800  }
0x176: {  	[sflag:s30] =	ssyncset.done $0x0  }
0x177: {  	s19 =	rddreg [dreg:$0x11];
	[sflag:s30] =	ssyncadd.s32 $0xFFFFD800  }
0x178: {  	[spmem:s2] =	stream.indirect.scatter.add.f32 [tilespmem:s24], [sflag:$0x6], $0x80, s19, s22, $0xb8;
	[tilespmem:$0x1F880] =	vst v63  }
0x179: {  	_ =	swait.ge [sflag:s31], $0x2800  }
0x17a: {  	[sflag:s31] =	ssyncset.done $0x0  }
0x17b: {  	s19 =	rddreg [dreg:$0x12];
	[sflag:s31] =	ssyncadd.s32 $0xFFFFD800  }
0x17c: {  	[tilespmem:s24], [sflag:$0x2] =	stream.indirect.gather [hbm4b:s4+s22], $0x80, s19, s22, $0xb8;
	[tilespmem:$0x1F880] =	vst v63  }
0x17d: {  	_ =	swait.ge [sflag:s1], $0x2800  }
0x17e: {  	[sflag:s1] =	ssyncset.done $0x0  }
0x17f: {  	s19 =	rddreg [dreg:$0x13];
	[sflag:s1] =	ssyncadd.s32 $0xFFFFD800  }
0x180: {  	[spmem:s2] =	stream.indirect.scatter.add.f32 [tilespmem:s25], [sflag:$0x7], $0x80, s19, s22, $0xb8;
	[tilespmem:$0x1F880] =	vst v63  }
0x181: {  	_ =	swait.ge [sflag:s0], $0x2800  }
0x182: {  	[sflag:s0] =	ssyncset.done $0x0  }
0x183: {  	s19 =	rddreg [dreg:$0x14];
	[sflag:s0] =	ssyncadd.s32 $0xFFFFD800  }
0x184: {  	[tilespmem:s25], [sflag:$0x3] =	stream.indirect.gather [hbm4b:s4+s22], $0x80, s19, s22, $0xb8;
	[tilespmem:$0x1F880] =	vst v63  }
0x185: {  	_ =	swait.ge [sflag:s7], $0x2800  }
0x186: {  	[sflag:s7] =	ssyncset.done $0x0  }
0x187: {  	s19 =	rddreg [dreg:$0x15];
	[sflag:s7] =	ssyncadd.s32 $0xFFFFD800  }
0x188: {  	[spmem:s2] =	stream.indirect.scatter.add.f32 [tilespmem:s26], [sflag:$0x8], $0x80, s19, s22, $0xb8;
	[tilespmem:$0x1F880] =	vst v63  }
0x189: {  	_ =	swait.ge [sflag:s9], $0x2800  }
0x18a: {  	[sflag:s9] =	ssyncset.done $0x0  }
0x18b: {  	s19 =	rddreg [dreg:$0x16];
	[sflag:s9] =	ssyncadd.s32 $0xFFFFD800  }
0x18c: {  	[tilespmem:s26], [sflag:$0x4] =	stream.indirect.gather [hbm4b:s4+s22], $0x80, s19, s22, $0xb8;
	[tilespmem:$0x1F880] =	vst v63  }
0x18d: {  	_ =	swait.ge [sflag:s28], $0x2800  }
0x18e: {  	[sflag:s28] =	ssyncset.done $0x0  }
0x18f: {  	s19 =	rddreg [dreg:$0x17];
	[sflag:s28] =	ssyncadd.s32 $0xFFFFD800  }
0x190: {  	[spmem:s2] =	stream.indirect.scatter.add.f32 [tilespmem:s23], [sflag:$0x5], $0x80, s19, s22, $0xb8;
	[tilespmem:$0x1F880] =	vst v63  }
0x191: {  	_ =	swait.ge [sflag:s29], $0x2800  }
0x192: {  	[sflag:s29] =	ssyncset.done $0x0  }
0x193: {  	s19 =	rddreg [dreg:$0x18];
	[sflag:s29] =	ssyncadd.s32 $0xFFFFD800  }
0x194: {  	[tilespmem:s23], [sflag:$0x1] =	stream.indirect.gather [hbm4b:s4+s22], $0x80, s19, s22, $0xb8;
	[tilespmem:$0x1F880] =	vst v63  }
0x195: {  	_ =	swait.ge [sflag:s30], $0x2800  }
0x196: {  	[sflag:s30] =	ssyncset.done $0x0  }
0x197: {  	s19 =	rddreg [dreg:$0x19];
	[sflag:s30] =	ssyncadd.s32 $0xFFFFD800  }
0x198: {  	[spmem:s2] =	stream.indirect.scatter.add.f32 [tilespmem:s24], [sflag:$0x6], $0x80, s19, s22, $0xb8;
	[tilespmem:$0x1F880] =	vst v63  }
0x199: {  	_ =	swait.ge [sflag:s31], $0x2800  }
0x19a: {  	[sflag:s31] =	ssyncset.done $0x0  }
0x19b: {  	s19 =	rddreg [dreg:$0x1a];
	[sflag:s31] =	ssyncadd.s32 $0xFFFFD800  }
0x19c: {  	[tilespmem:s24], [sflag:$0x2] =	stream.indirect.gather [hbm4b:s4+s22], $0x80, s19, s22, $0xb8;
	[tilespmem:$0x1F880] =	vst v63  }
0x19d: {  	_ =	swait.ge [sflag:s1], $0x2800  }
0x19e: {  	[sflag:s1] =	ssyncset.done $0x0  }
0x19f: {  	s19 =	rddreg [dreg:$0x1b];
	[sflag:s1] =	ssyncadd.s32 $0xFFFFD800  }
0x1a0: {  	[spmem:s2] =	stream.indirect.scatter.add.f32 [tilespmem:s25], [sflag:$0x7], $0x80, s19, s22, $0xb8;
	[tilespmem:$0x1F880] =	vst v63  }
0x1a1: {  	_ =	swait.ge [sflag:s0], $0x2800  }
0x1a2: {  	[sflag:s0] =	ssyncset.done $0x0  }
0x1a3: {  	s19 =	rddreg [dreg:$0x1c];
	[sflag:s0] =	ssyncadd.s32 $0xFFFFD800  }
0x1a4: {  	[tilespmem:s25], [sflag:$0x3] =	stream.indirect.gather [hbm4b:s4+s22], $0x80, s19, s22, $0xb8;
	[tilespmem:$0x1F880] =	vst v63  }
0x1a5: {  	_ =	swait.ge [sflag:s7], $0x2800  }
0x1a6: {  	[sflag:s7] =	ssyncset.done $0x0  }
0x1a7: {  	s19 =	rddreg [dreg:$0x1d];
	[sflag:s7] =	ssyncadd.s32 $0xFFFFD800  }
0x1a8: {  	[spmem:s2] =	stream.indirect.scatter.add.f32 [tilespmem:s26], [sflag:$0x8], $0x80, s19, s22, $0xb8;
	[tilespmem:$0x1F880] =	vst v63  }
0x1a9: {  	_ =	swait.ge [sflag:s9], $0x2800  }
0x1aa: {  	[sflag:s9] =	ssyncset.done $0x0  }
0x1ab: {  	s19 =	rddreg [dreg:$0x1e];
	[sflag:s9] =	ssyncadd.s32 $0xFFFFD800  }
0x1ac: {  	[tilespmem:s26], [sflag:$0x4] =	stream.indirect.gather [hbm4b:s4+s22], $0x80, s19, s22, $0xb8;
	[tilespmem:$0x1F880] =	vst v63  }
0x1ad: {  	_ =	swait.ge [sflag:s28], $0x2800  }
0x1ae: {  	[sflag:s28] =	ssyncset.done $0x0  }
0x1af: {  	s19 =	rddreg [dreg:$0x1f];
	[sflag:s28] =	ssyncadd.s32 $0xFFFFD800  }
0x1b0: {  	[spmem:s2] =	stream.indirect.scatter.add.f32 [tilespmem:s23], [sflag:$0x5], $0x80, s19, s22, $0xb8;
	[tilespmem:$0x1F880] =	vst v63  }
0x1b1: {  	_ =	swait.ge [sflag:s29], $0x2800  }
0x1b2: {  	s19 =	sld [smem:$0x7ED]  }
0x1b3: {  	[sflag:s29] =	ssyncset.done $0x0  }
0x1b4: {  	[sflag:s29] =	ssyncadd.s32 $0xFFFFD800  }
0x1b5: {  	[tilespmem:s23], [sflag:$0x1] =	stream.indirect.gather [hbm4b:s4+s22], $0x80, s19, s22, $0xb8;
	[tilespmem:$0x1F880] =	vst v63  }
0x1b6: {  	_ =	swait.ge [sflag:s30], $0x2800  }
0x1b7: {  	s19 =	sld [smem:$0x7EE]  }
0x1b8: {  	[sflag:s30] =	ssyncset.done $0x0  }
0x1b9: {  	[sflag:s30] =	ssyncadd.s32 $0xFFFFD800  }
0x1ba: {  	[spmem:s2] =	stream.indirect.scatter.add.f32 [tilespmem:s24], [sflag:$0x6], $0x80, s19, s22, $0xb8;
	[tilespmem:$0x1F880] =	vst v63  }
0x1bb: {  	_ =	swait.ge [sflag:s31], $0x2800  }
0x1bc: {  	s19 =	sld [smem:$0x7EF]  }
0x1bd: {  	[sflag:s31] =	ssyncset.done $0x0  }
0x1be: {  	[sflag:s31] =	ssyncadd.s32 $0xFFFFD800  }
0x1bf: {  	[tilespmem:s24], [sflag:$0x2] =	stream.indirect.gather [hbm4b:s4+s22], $0x80, s19, s22, $0xb8;
	[tilespmem:$0x1F880] =	vst v63  }
0x1c0: {  	_ =	swait.ge [sflag:s1], $0x2800  }
0x1c1: {  	s19 =	sld [smem:$0x7F2]  }
0x1c2: {  	[sflag:s1] =	ssyncset.done $0x0  }
0x1c3: {  	[sflag:s1] =	ssyncadd.s32 $0xFFFFD800  }
0x1c4: {  	[spmem:s2] =	stream.indirect.scatter.add.f32 [tilespmem:s25], [sflag:$0x7], $0x80, s19, s22, $0xb8;
	[tilespmem:$0x1F880] =	vst v63  }
0x1c5: {  	_ =	swait.ge [sflag:s0], $0x2800  }
0x1c6: {  	s19 =	sld [smem:$0x7F3]  }
0x1c7: {  	[sflag:s0] =	ssyncset.done $0x0  }
0x1c8: {  	[sflag:s0] =	ssyncadd.s32 $0xFFFFD800  }
0x1c9: {  	[tilespmem:s25], [sflag:$0x3] =	stream.indirect.gather [hbm4b:s4+s22], $0x80, s19, s22, $0xb8;
	[tilespmem:$0x1F880] =	vst v63  }
0x1ca: {  	_ =	swait.ge [sflag:s7], $0x2800  }
0x1cb: {  	s19 =	sld [smem:$0x7F4]  }
0x1cc: {  	[sflag:s7] =	ssyncset.done $0x0  }
0x1cd: {  	[sflag:s7] =	ssyncadd.s32 $0xFFFFD800  }
0x1ce: {  	[spmem:s2] =	stream.indirect.scatter.add.f32 [tilespmem:s26], [sflag:$0x8], $0x80, s19, s22, $0xb8;
	[tilespmem:$0x1F880] =	vst v63  }
0x1cf: {  	_ =	swait.ge [sflag:s9], $0x2800  }
0x1d0: {  	s19 =	sld [smem:$0x7F6]  }
0x1d1: {  	[sflag:s9] =	ssyncset.done $0x0  }
0x1d2: {  	[sflag:s9] =	ssyncadd.s32 $0xFFFFD800  }
0x1d3: {  	[tilespmem:s26], [sflag:$0x4] =	stream.indirect.gather [hbm4b:s4+s22], $0x80, s19, s22, $0xb8;
	[tilespmem:$0x1F880] =	vst v63  }
0x1d4: {  	_ =	swait.ge [sflag:s28], $0x2800  }
0x1d5: {  	s19 =	sld [smem:$0x7F9]  }
0x1d6: {  	[sflag:s28] =	ssyncset.done $0x0  }
0x1d7: {  	[sflag:s28] =	ssyncadd.s32 $0xFFFFD800  }
0x1d8: {  	[spmem:s2] =	stream.indirect.scatter.add.f32 [tilespmem:s23], [sflag:$0x5], $0x80, s19, s22, $0xb8;
	[tilespmem:$0x1F880] =	vst v63  }
0x1d9: {  	_ =	swait.ge [sflag:s29], $0x2800  }
0x1da: {  	s19 =	sld [smem:$0x7FA]  }
0x1db: {  	[sflag:s29] =	ssyncset.done $0x0  }
0x1dc: {  	[sflag:s29] =	ssyncadd.s32 $0xFFFFD800  }
0x1dd: {  	[tilespmem:s23], [sflag:$0x1] =	stream.indirect.gather [hbm4b:s4+s22], $0x80, s19, s22, $0xb8;
	[tilespmem:$0x1F880] =	vst v63  }
0x1de: {  	_ =	swait.ge [sflag:s30], $0x2800  }
0x1df: {  	s19 =	sld [smem:$0x7FB]  }
0x1e0: {  	[sflag:s30] =	ssyncset.done $0x0  }
0x1e1: {  	[sflag:s30] =	ssyncadd.s32 $0xFFFFD800  }
0x1e2: {  	[spmem:s2] =	stream.indirect.scatter.add.f32 [tilespmem:s24], [sflag:$0x6], $0x80, s19, s22, $0xb8;
	[tilespmem:$0x1F880] =	vst v63  }
0x1e3: {  	_ =	swait.ge [sflag:s31], $0x2800  }
0x1e4: {  	s19 =	sld [smem:$0x7FC]  }
0x1e5: {  	[sflag:s31] =	ssyncset.done $0x0  }
0x1e6: {  	[sflag:s31] =	ssyncadd.s32 $0xFFFFD800  }
0x1e7: {  	[tilespmem:s24], [sflag:$0x2] =	stream.indirect.gather [hbm4b:s4+s22], $0x80, s19, s22, $0xb8;
	[tilespmem:$0x1F880] =	vst v63  }
0x1e8: {  	_ =	swait.ge [sflag:s1], $0x2800  }
0x1e9: {  	s19 =	sld [smem:$0x7FD]  }
0x1ea: {  	[sflag:s1] =	ssyncset.done $0x0  }
0x1eb: {  	[sflag:s1] =	ssyncadd.s32 $0xFFFFD800  }
0x1ec: {  	[spmem:s2] =	stream.indirect.scatter.add.f32 [tilespmem:s25], [sflag:$0x7], $0x80, s19, s22, $0xb8;
	[tilespmem:$0x1F880] =	vst v63  }
0x1ed: {  	_ =	swait.ge [sflag:s0], $0x2800  }
0x1ee: {  	[sflag:s0] =	ssyncset.done $0x0  }
0x1ef: {  	[sflag:s0] =	ssyncadd.s32 $0xFFFFD800  }
0x1f0: {  	[tilespmem:s25], [sflag:$0x3] =	stream.indirect.gather [hbm4b:s4+s22], $0x80, s10, s22, $0xb8;
	[tilespmem:$0x1F880] =	vst v63  }
0x1f1: {  	_ =	swait.ge [sflag:s7], $0x2800  }
0x1f2: {  	[sflag:s7] =	ssyncset.done $0x0  }
0x1f3: {  	[sflag:s7] =	ssyncadd.s32 $0xFFFFD800  }
0x1f4: {  	[spmem:s2] =	stream.indirect.scatter.add.f32 [tilespmem:s26], [sflag:$0x8], $0x80, s11, s22, $0xb8;
	[tilespmem:$0x1F880] =	vst v63  }
0x1f5: {  	_ =	swait.ge [sflag:s9], $0x2800  }
0x1f6: {  	[sflag:s9] =	ssyncset.done $0x0  }
0x1f7: {  	[sflag:s9] =	ssyncadd.s32 $0xFFFFD800  }
0x1f8: {  	[tilespmem:s26], [sflag:$0x4] =	stream.indirect.gather [hbm4b:s4+s22], $0x80, s13, s22, $0xb8;
	[tilespmem:$0x1F880] =	vst v63  }
0x1f9: {  	_ =	swait.ge [sflag:s28], $0x2800  }
0x1fa: {  	[sflag:s28] =	ssyncset.done $0x0  }
0x1fb: {  	[sflag:s28] =	ssyncadd.s32 $0xFFFFD800  }
0x1fc: {  	[spmem:s2] =	stream.indirect.scatter.add.f32 [tilespmem:s23], [sflag:$0x5], $0x80, s14, s22, $0xb8;
	[tilespmem:$0x1F880] =	vst v63  }
0x1fd: {  	_ =	swait.ge [sflag:s29], $0x2800  }
0x1fe: {  	[sflag:s29] =	ssyncset.done $0x0  }
0x1ff: {  	[sflag:s29] =	ssyncadd.s32 $0xFFFFD800  }
0x200: {  	[tilespmem:s23], [sflag:$0x1] =	stream.indirect.gather [hbm4b:s4+s22], $0x80, s15, s22, $0xb8;
	[tilespmem:$0x1F880] =	vst v63  }
0x201: {  	_ =	swait.ge [sflag:s30], $0x2800  }
0x202: {  	[sflag:s30] =	ssyncset.done $0x0  }
0x203: {  	[sflag:s30] =	ssyncadd.s32 $0xFFFFD800  }
0x204: {  	[spmem:s2] =	stream.indirect.scatter.add.f32 [tilespmem:s24], [sflag:$0x6], $0x80, s5, s22, $0xb8;
	[tilespmem:$0x1F880] =	vst v63  }
0x205: {  	_ =	swait.ge [sflag:s1], $0x2800  }
0x206: {  	[sflag:s1] =	ssyncset.done $0x0  }
0x207: {  	[sflag:s1] =	ssyncadd.s32 $0xFFFFD800  }
0x208: {  	[spmem:s2] =	stream.indirect.scatter.add.f32 [tilespmem:s25], [sflag:$0x7], $0x80, s16, s22, $0xb8;
	[tilespmem:$0x1F880] =	vst v63  }
0x209: {  	_ =	swait.ge [sflag:s7], $0x2800  }
0x20a: {  	[sflag:s7] =	ssyncset.done $0x0  }
0x20b: {  	[sflag:s7] =	ssyncadd.s32 $0xFFFFD800  }
0x20c: {  	[spmem:s2] =	stream.indirect.scatter.add.f32 [tilespmem:s26], [sflag:$0x8], $0x80, s17, s22, $0xb8;
	[tilespmem:$0x1F880] =	vst v63  }
0x20d: {  	_ =	swait.ge [sflag:s28], $0x2800  }
0x20e: {  	[sflag:s28] =	ssyncset.done $0x0  }
0x20f: {  	[sflag:s28] =	ssyncadd.s32 $0xFFFFD800  }
0x210: {  	[spmem:s2] =	stream.indirect.scatter.add.f32 [tilespmem:s23], [sflag:$0x5], $0x80, s18, s22, $0xb8;
	[tilespmem:$0x1F880] =	vst v63  }
0x211: {  	_ =	swait.ge [sflag:s29], $0x2800  }
0x212: {  	[sflag:s29] =	ssyncset.done $0x0  }
0x213: {  	[sflag:s29] =	ssyncadd.s32 $0xFFFFD800  }
0x214: {  	_ =	swait.ge [sflag:s31], $0x2800  }
0x215: {  	[sflag:s31] =	ssyncset.done $0x0  }
0x216: {  	p5 =	sne.s32 s8, $0x800;
	[sflag:s31] =	ssyncadd.s32 $0xFFFFD800  }
.Ltmp0:
0x217: {  	_ =	swait.ge [sflag:s0], $0x2800;
	(pc) =	sbr.rel @p5 .LBB2_2-.Ltmp0, $4  }
0x218: {  	[sflag:s0] =	ssyncset.done $0x0  }
0x219: {  	[sflag:s0] =	ssyncadd.s32 $0xFFFFD800  }
0x21a: {  	_ =	swait.ge [sflag:s9], $0x2800  }
0x21b: {  	s8 =	sadd.s32 $0x200, s8;
	s12 =	rddreg [dreg:$0x4];
	[sflag:s9] =	ssyncset.done $0x0  }
0x21c: {  	[sflag:s9] =	ssyncadd.s32 $0xFFFFD800;
	s8 =	sadd.s32 s6, s12  }
0x21d: {  	[tilespmem:s3], [sflag:$0x9] =	stream.linear.gather [hbm4b:s8+s3], $0xC80, $0x38;
	[tilespmem:$0x1F880] =	vst v63  }
0x21e: {  	_ =	swait.ge [sflag:s20], $0xC80  }
0x21f: {  	s12 =	rddreg [dreg:$0x3];
	[sflag:s20] =	ssyncset.done $0x0  }
0x220: {  	[sflag:s20] =	ssyncadd.s32 $0xFFFFF380;
	s19 =	sadd.s32 s6, s12  }
0x221: {  	[tilespmem:s21], [sflag:$0x9] =	stream.linear.gather [hbm4b:s19+s3], $0xC80, $0x38;
	[tilespmem:$0x1F880] =	vst v63  }
0x222: {  	_ =	swait.ge [sflag:s20], $0xC80  }
0x223: {  	[sflag:s20] =	ssyncset.done $0x0  }
0x224: {  	[sflag:s20] =	ssyncadd.s32 $0xFFFFF380  }
0x225: {  	[tilespmem:s23], [sflag:$0x1] =	stream.indirect.gather [hbm4b:s4+s22], $0x80, s3, s22, $0xb8;
	[tilespmem:$0x1F880] =	vst v63  }
0x226: {  	s8 =	rddreg [dreg:$0x5]  }
0x227: {  	[tilespmem:s24], [sflag:$0x2] =	stream.indirect.gather [hbm4b:s4+s22], $0x80, s8, s22, $0xb8;
	[tilespmem:$0x1F880] =	vst v63  }
0x228: {  	s12 =	rddreg [dreg:$0x6]  }
0x229: {  	[tilespmem:s25], [sflag:$0x3] =	stream.indirect.gather [hbm4b:s4+s22], $0x80, s12, s22, $0xb8;
	[tilespmem:$0x1F880] =	vst v63  }
0x22a: {  	s19 =	rddreg [dreg:$0x7]  }
0x22b: {  	[tilespmem:s26], [sflag:$0x4] =	stream.indirect.gather [hbm4b:s4+s22], $0x80, s19, s22, $0xb8;
	[tilespmem:$0x1F880] =	vst v63  }
0x22c: {  	_ =	swait.ge [sflag:s28], $0x2800  }
0x22d: {  	[sflag:s28] =	ssyncset.done $0x0  }
0x22e: {  	[sflag:s28] =	ssyncadd.s32 $0xFFFFD800  }
0x22f: {  	[spmem:s2] =	stream.indirect.scatter.add.f32 [tilespmem:s23], [sflag:$0x5], $0x80, s21, s22, $0xb8;
	[tilespmem:$0x1F880] =	vst v63  }
0x230: {  	_ =	swait.ge [sflag:s29], $0x2800  }
0x231: {  	[sflag:s29] =	ssyncset.done $0x0  }
0x232: {  	s8 =	rddreg [dreg:$0x8];
	[sflag:s29] =	ssyncadd.s32 $0xFFFFD800  }
0x233: {  	[tilespmem:s23], [sflag:$0x1] =	stream.indirect.gather [hbm4b:s4+s22], $0x80, s8, s22, $0xb8;
	[tilespmem:$0x1F880] =	vst v63  }
0x234: {  	_ =	swait.ge [sflag:s30], $0x2800  }
0x235: {  	[sflag:s30] =	ssyncset.done $0x0  }
0x236: {  	s12 =	rddreg [dreg:$0x9];
	[sflag:s30] =	ssyncadd.s32 $0xFFFFD800  }
0x237: {  	[spmem:s2] =	stream.indirect.scatter.add.f32 [tilespmem:s24], [sflag:$0x6], $0x80, s12, s22, $0xb8;
	[tilespmem:$0x1F880] =	vst v63  }
0x238: {  	_ =	swait.ge [sflag:s31], $0x2800  }
0x239: {  	[sflag:s31] =	ssyncset.done $0x0  }
0x23a: {  	s19 =	rddreg [dreg:$0xa];
	[sflag:s31] =	ssyncadd.s32 $0xFFFFD800  }
0x23b: {  	[tilespmem:s24], [sflag:$0x2] =	stream.indirect.gather [hbm4b:s4+s22], $0x80, s19, s22, $0xb8;
	[tilespmem:$0x1F880] =	vst v63  }
0x23c: {  	_ =	swait.ge [sflag:s1], $0x2800  }
0x23d: {  	[sflag:s1] =	ssyncset.done $0x0  }
0x23e: {  	s8 =	rddreg [dreg:$0xb];
	[sflag:s1] =	ssyncadd.s32 $0xFFFFD800  }
0x23f: {  	[spmem:s2] =	stream.indirect.scatter.add.f32 [tilespmem:s25], [sflag:$0x7], $0x80, s8, s22, $0xb8;
	[tilespmem:$0x1F880] =	vst v63  }
0x240: {  	_ =	swait.ge [sflag:s0], $0x2800  }
0x241: {  	[sflag:s0] =	ssyncset.done $0x0  }
0x242: {  	s12 =	rddreg [dreg:$0xc];
	[sflag:s0] =	ssyncadd.s32 $0xFFFFD800  }
0x243: {  	[tilespmem:s25], [sflag:$0x3] =	stream.indirect.gather [hbm4b:s4+s22], $0x80, s12, s22, $0xb8;
	[tilespmem:$0x1F880] =	vst v63  }
0x244: {  	_ =	swait.ge [sflag:s7], $0x2800  }
0x245: {  	[sflag:s7] =	ssyncset.done $0x0  }
0x246: {  	s19 =	rddreg [dreg:$0xd];
	[sflag:s7] =	ssyncadd.s32 $0xFFFFD800  }
0x247: {  	[spmem:s2] =	stream.indirect.scatter.add.f32 [tilespmem:s26], [sflag:$0x8], $0x80, s19, s22, $0xb8;
	[tilespmem:$0x1F880] =	vst v63  }
0x248: {  	_ =	swait.ge [sflag:s9], $0x2800  }
0x249: {  	[sflag:s9] =	ssyncset.done $0x0  }
0x24a: {  	s8 =	rddreg [dreg:$0xe];
	[sflag:s9] =	ssyncadd.s32 $0xFFFFD800  }
0x24b: {  	[tilespmem:s26], [sflag:$0x4] =	stream.indirect.gather [hbm4b:s4+s22], $0x80, s8, s22, $0xb8;
	[tilespmem:$0x1F880] =	vst v63  }
0x24c: {  	_ =	swait.ge [sflag:s28], $0x2800  }
0x24d: {  	[sflag:s28] =	ssyncset.done $0x0  }
0x24e: {  	s12 =	rddreg [dreg:$0xf];
	[sflag:s28] =	ssyncadd.s32 $0xFFFFD800  }
0x24f: {  	[spmem:s2] =	stream.indirect.scatter.add.f32 [tilespmem:s23], [sflag:$0x5], $0x80, s12, s22, $0xb8;
	[tilespmem:$0x1F880] =	vst v63  }
0x250: {  	_ =	swait.ge [sflag:s29], $0x2800  }
0x251: {  	[sflag:s29] =	ssyncset.done $0x0  }
0x252: {  	s19 =	rddreg [dreg:$0x10];
	[sflag:s29] =	ssyncadd.s32 $0xFFFFD800  }
0x253: {  	[tilespmem:s23], [sflag:$0x1] =	stream.indirect.gather [hbm4b:s4+s22], $0x80, s19, s22, $0xb8;
	[tilespmem:$0x1F880] =	vst v63  }
0x254: {  	_ =	swait.ge [sflag:s30], $0x2800  }
0x255: {  	[sflag:s30] =	ssyncset.done $0x0  }
0x256: {  	s8 =	rddreg [dreg:$0x11];
	[sflag:s30] =	ssyncadd.s32 $0xFFFFD800  }
0x257: {  	[spmem:s2] =	stream.indirect.scatter.add.f32 [tilespmem:s24], [sflag:$0x6], $0x80, s8, s22, $0xb8;
	[tilespmem:$0x1F880] =	vst v63  }
0x258: {  	_ =	swait.ge [sflag:s31], $0x2800  }
0x259: {  	[sflag:s31] =	ssyncset.done $0x0  }
0x25a: {  	s12 =	rddreg [dreg:$0x12];
	[sflag:s31] =	ssyncadd.s32 $0xFFFFD800  }
0x25b: {  	[tilespmem:s24], [sflag:$0x2] =	stream.indirect.gather [hbm4b:s4+s22], $0x80, s12, s22, $0xb8;
	[tilespmem:$0x1F880] =	vst v63  }
0x25c: {  	_ =	swait.ge [sflag:s1], $0x2800  }
0x25d: {  	[sflag:s1] =	ssyncset.done $0x0  }
0x25e: {  	s19 =	rddreg [dreg:$0x13];
	[sflag:s1] =	ssyncadd.s32 $0xFFFFD800  }
0x25f: {  	[spmem:s2] =	stream.indirect.scatter.add.f32 [tilespmem:s25], [sflag:$0x7], $0x80, s19, s22, $0xb8;
	[tilespmem:$0x1F880] =	vst v63  }
0x260: {  	_ =	swait.ge [sflag:s0], $0x2800  }
0x261: {  	[sflag:s0] =	ssyncset.done $0x0  }
0x262: {  	s8 =	rddreg [dreg:$0x14];
	[sflag:s0] =	ssyncadd.s32 $0xFFFFD800  }
0x263: {  	[tilespmem:s25], [sflag:$0x3] =	stream.indirect.gather [hbm4b:s4+s22], $0x80, s8, s22, $0xb8;
	[tilespmem:$0x1F880] =	vst v63  }
0x264: {  	_ =	swait.ge [sflag:s7], $0x2800  }
0x265: {  	[sflag:s7] =	ssyncset.done $0x0  }
0x266: {  	s12 =	rddreg [dreg:$0x15];
	[sflag:s7] =	ssyncadd.s32 $0xFFFFD800  }
0x267: {  	[spmem:s2] =	stream.indirect.scatter.add.f32 [tilespmem:s26], [sflag:$0x8], $0x80, s12, s22, $0xb8;
	[tilespmem:$0x1F880] =	vst v63  }
0x268: {  	_ =	swait.ge [sflag:s9], $0x2800  }
0x269: {  	[sflag:s9] =	ssyncset.done $0x0  }
0x26a: {  	s19 =	rddreg [dreg:$0x16];
	[sflag:s9] =	ssyncadd.s32 $0xFFFFD800  }
0x26b: {  	[tilespmem:s26], [sflag:$0x4] =	stream.indirect.gather [hbm4b:s4+s22], $0x80, s19, s22, $0xb8;
	[tilespmem:$0x1F880] =	vst v63  }
0x26c: {  	_ =	swait.ge [sflag:s28], $0x2800  }
0x26d: {  	[sflag:s28] =	ssyncset.done $0x0  }
0x26e: {  	s8 =	rddreg [dreg:$0x17];
	[sflag:s28] =	ssyncadd.s32 $0xFFFFD800  }
0x26f: {  	[spmem:s2] =	stream.indirect.scatter.add.f32 [tilespmem:s23], [sflag:$0x5], $0x80, s8, s22, $0xb8;
	[tilespmem:$0x1F880] =	vst v63  }
0x270: {  	_ =	swait.ge [sflag:s29], $0x2800  }
0x271: {  	[sflag:s29] =	ssyncset.done $0x0  }
0x272: {  	s12 =	rddreg [dreg:$0x18];
	[sflag:s29] =	ssyncadd.s32 $0xFFFFD800  }
0x273: {  	[tilespmem:s23], [sflag:$0x1] =	stream.indirect.gather [hbm4b:s4+s22], $0x80, s12, s22, $0xb8;
	[tilespmem:$0x1F880] =	vst v63  }
0x274: {  	_ =	swait.ge [sflag:s30], $0x2800  }
0x275: {  	[sflag:s30] =	ssyncset.done $0x0  }
0x276: {  	s19 =	rddreg [dreg:$0x19];
	[sflag:s30] =	ssyncadd.s32 $0xFFFFD800  }
0x277: {  	[spmem:s2] =	stream.indirect.scatter.add.f32 [tilespmem:s24], [sflag:$0x6], $0x80, s19, s22, $0xb8;
	[tilespmem:$0x1F880] =	vst v63  }
0x278: {  	_ =	swait.ge [sflag:s31], $0x2800  }
0x279: {  	[sflag:s31] =	ssyncset.done $0x0  }
0x27a: {  	s8 =	rddreg [dreg:$0x1a];
	[sflag:s31] =	ssyncadd.s32 $0xFFFFD800  }
0x27b: {  	[tilespmem:s24], [sflag:$0x2] =	stream.indirect.gather [hbm4b:s4+s22], $0x80, s8, s22, $0xb8;
	[tilespmem:$0x1F880] =	vst v63  }
0x27c: {  	_ =	swait.ge [sflag:s1], $0x2800  }
0x27d: {  	[sflag:s1] =	ssyncset.done $0x0  }
0x27e: {  	s12 =	rddreg [dreg:$0x1b];
	[sflag:s1] =	ssyncadd.s32 $0xFFFFD800  }
0x27f: {  	[spmem:s2] =	stream.indirect.scatter.add.f32 [tilespmem:s25], [sflag:$0x7], $0x80, s12, s22, $0xb8;
	[tilespmem:$0x1F880] =	vst v63  }
0x280: {  	_ =	swait.ge [sflag:s0], $0x2800  }
0x281: {  	[sflag:s0] =	ssyncset.done $0x0  }
0x282: {  	s19 =	rddreg [dreg:$0x1c];
	[sflag:s0] =	ssyncadd.s32 $0xFFFFD800  }
0x283: {  	[tilespmem:s25], [sflag:$0x3] =	stream.indirect.gather [hbm4b:s4+s22], $0x80, s19, s22, $0xb8;
	[tilespmem:$0x1F880] =	vst v63  }
0x284: {  	_ =	swait.ge [sflag:s7], $0x2800  }
0x285: {  	[sflag:s7] =	ssyncset.done $0x0  }
0x286: {  	s8 =	rddreg [dreg:$0x1d];
	[sflag:s7] =	ssyncadd.s32 $0xFFFFD800  }
0x287: {  	[spmem:s2] =	stream.indirect.scatter.add.f32 [tilespmem:s26], [sflag:$0x8], $0x80, s8, s22, $0xb8;
	[tilespmem:$0x1F880] =	vst v63  }
0x288: {  	_ =	swait.ge [sflag:s9], $0x2800  }
0x289: {  	[sflag:s9] =	ssyncset.done $0x0  }
0x28a: {  	s12 =	rddreg [dreg:$0x1e];
	[sflag:s9] =	ssyncadd.s32 $0xFFFFD800  }
0x28b: {  	[tilespmem:s26], [sflag:$0x4] =	stream.indirect.gather [hbm4b:s4+s22], $0x80, s12, s22, $0xb8;
	[tilespmem:$0x1F880] =	vst v63  }
0x28c: {  	_ =	swait.ge [sflag:s28], $0x2800  }
0x28d: {  	[sflag:s28] =	ssyncset.done $0x0  }
0x28e: {  	s19 =	rddreg [dreg:$0x1f];
	[sflag:s28] =	ssyncadd.s32 $0xFFFFD800  }
0x28f: {  	[spmem:s2] =	stream.indirect.scatter.add.f32 [tilespmem:s23], [sflag:$0x5], $0x80, s19, s22, $0xb8;
	[tilespmem:$0x1F880] =	vst v63  }
0x290: {  	_ =	swait.ge [sflag:s29], $0x2800  }
0x291: {  	s8 =	sld [smem:$0x7ED]  }
0x292: {  	[sflag:s29] =	ssyncset.done $0x0  }
0x293: {  	[sflag:s29] =	ssyncadd.s32 $0xFFFFD800  }
0x294: {  	[tilespmem:s23], [sflag:$0x1] =	stream.indirect.gather [hbm4b:s4+s22], $0x80, s8, s22, $0xb8;
	[tilespmem:$0x1F880] =	vst v63  }
0x295: {  	_ =	swait.ge [sflag:s30], $0x2800  }
0x296: {  	s12 =	sld [smem:$0x7EE]  }
0x297: {  	[sflag:s30] =	ssyncset.done $0x0  }
0x298: {  	[sflag:s30] =	ssyncadd.s32 $0xFFFFD800  }
0x299: {  	[spmem:s2] =	stream.indirect.scatter.add.f32 [tilespmem:s24], [sflag:$0x6], $0x80, s12, s22, $0xb8;
	[tilespmem:$0x1F880] =	vst v63  }
0x29a: {  	_ =	swait.ge [sflag:s31], $0x2800  }
0x29b: {  	s19 =	sld [smem:$0x7EF]  }
0x29c: {  	[sflag:s31] =	ssyncset.done $0x0  }
0x29d: {  	[sflag:s31] =	ssyncadd.s32 $0xFFFFD800  }
0x29e: {  	[tilespmem:s24], [sflag:$0x2] =	stream.indirect.gather [hbm4b:s4+s22], $0x80, s19, s22, $0xb8;
	[tilespmem:$0x1F880] =	vst v63  }
0x29f: {  	_ =	swait.ge [sflag:s1], $0x2800  }
0x2a0: {  	s8 =	sld [smem:$0x7F2]  }
0x2a1: {  	[sflag:s1] =	ssyncset.done $0x0  }
0x2a2: {  	[sflag:s1] =	ssyncadd.s32 $0xFFFFD800  }
0x2a3: {  	[spmem:s2] =	stream.indirect.scatter.add.f32 [tilespmem:s25], [sflag:$0x7], $0x80, s8, s22, $0xb8;
	[tilespmem:$0x1F880] =	vst v63  }
0x2a4: {  	_ =	swait.ge [sflag:s0], $0x2800  }
0x2a5: {  	s12 =	sld [smem:$0x7F3]  }
0x2a6: {  	[sflag:s0] =	ssyncset.done $0x0  }
0x2a7: {  	[sflag:s0] =	ssyncadd.s32 $0xFFFFD800  }
0x2a8: {  	[tilespmem:s25], [sflag:$0x3] =	stream.indirect.gather [hbm4b:s4+s22], $0x80, s12, s22, $0xb8;
	[tilespmem:$0x1F880] =	vst v63  }
0x2a9: {  	_ =	swait.ge [sflag:s7], $0x2800  }
0x2aa: {  	s19 =	sld [smem:$0x7F4]  }
0x2ab: {  	[sflag:s7] =	ssyncset.done $0x0  }
0x2ac: {  	[sflag:s7] =	ssyncadd.s32 $0xFFFFD800  }
0x2ad: {  	[spmem:s2] =	stream.indirect.scatter.add.f32 [tilespmem:s26], [sflag:$0x8], $0x80, s19, s22, $0xb8;
	[tilespmem:$0x1F880] =	vst v63  }
0x2ae: {  	_ =	swait.ge [sflag:s9], $0x2800  }
0x2af: {  	s8 =	sld [smem:$0x7F6]  }
0x2b0: {  	[sflag:s9] =	ssyncset.done $0x0  }
0x2b1: {  	[sflag:s9] =	ssyncadd.s32 $0xFFFFD800  }
0x2b2: {  	[tilespmem:s26], [sflag:$0x4] =	stream.indirect.gather [hbm4b:s4+s22], $0x80, s8, s22, $0xb8;
	[tilespmem:$0x1F880] =	vst v63  }
0x2b3: {  	_ =	swait.ge [sflag:s28], $0x2800  }
0x2b4: {  	s12 =	sld [smem:$0x7F9]  }
0x2b5: {  	[sflag:s28] =	ssyncset.done $0x0  }
0x2b6: {  	[sflag:s28] =	ssyncadd.s32 $0xFFFFD800  }
0x2b7: {  	[spmem:s2] =	stream.indirect.scatter.add.f32 [tilespmem:s23], [sflag:$0x5], $0x80, s12, s22, $0xb8;
	[tilespmem:$0x1F880] =	vst v63  }
0x2b8: {  	_ =	swait.ge [sflag:s29], $0x2800  }
0x2b9: {  	s19 =	sld [smem:$0x7FA]  }
0x2ba: {  	[sflag:s29] =	ssyncset.done $0x0  }
0x2bb: {  	[sflag:s29] =	ssyncadd.s32 $0xFFFFD800  }
0x2bc: {  	[tilespmem:s23], [sflag:$0x1] =	stream.indirect.gather [hbm4b:s4+s22], $0x80, s19, s22, $0xb8;
	[tilespmem:$0x1F880] =	vst v63  }
0x2bd: {  	_ =	swait.ge [sflag:s30], $0x2800  }
0x2be: {  	s8 =	sld [smem:$0x7FB]  }
0x2bf: {  	[sflag:s30] =	ssyncset.done $0x0  }
0x2c0: {  	[sflag:s30] =	ssyncadd.s32 $0xFFFFD800  }
0x2c1: {  	[spmem:s2] =	stream.indirect.scatter.add.f32 [tilespmem:s24], [sflag:$0x6], $0x80, s8, s22, $0xb8;
	[tilespmem:$0x1F880] =	vst v63  }
0x2c2: {  	_ =	swait.ge [sflag:s31], $0x2800  }
0x2c3: {  	s12 =	sld [smem:$0x7FC]  }
0x2c4: {  	[sflag:s31] =	ssyncset.done $0x0  }
0x2c5: {  	[sflag:s31] =	ssyncadd.s32 $0xFFFFD800  }
0x2c6: {  	[tilespmem:s24], [sflag:$0x2] =	stream.indirect.gather [hbm4b:s4+s22], $0x80, s12, s22, $0xb8;
	[tilespmem:$0x1F880] =	vst v63  }
0x2c7: {  	_ =	swait.ge [sflag:s1], $0x2800  }
0x2c8: {  	s19 =	sld [smem:$0x7FD]  }
0x2c9: {  	[sflag:s1] =	ssyncset.done $0x0  }
0x2ca: {  	[sflag:s1] =	ssyncadd.s32 $0xFFFFD800  }
0x2cb: {  	[spmem:s2] =	stream.indirect.scatter.add.f32 [tilespmem:s25], [sflag:$0x7], $0x80, s19, s22, $0xb8;
	[tilespmem:$0x1F880] =	vst v63  }
0x2cc: {  	_ =	swait.ge [sflag:s0], $0x2800  }
0x2cd: {  	[sflag:s0] =	ssyncset.done $0x0  }
0x2ce: {  	[sflag:s0] =	ssyncadd.s32 $0xFFFFD800  }
0x2cf: {  	[tilespmem:s25], [sflag:$0x3] =	stream.indirect.gather [hbm4b:s4+s22], $0x80, s10, s22, $0xb8;
	[tilespmem:$0x1F880] =	vst v63  }
0x2d0: {  	_ =	swait.ge [sflag:s7], $0x2800  }
0x2d1: {  	[sflag:s7] =	ssyncset.done $0x0  }
0x2d2: {  	[sflag:s7] =	ssyncadd.s32 $0xFFFFD800  }
0x2d3: {  	[spmem:s2] =	stream.indirect.scatter.add.f32 [tilespmem:s26], [sflag:$0x8], $0x80, s11, s22, $0xb8;
	[tilespmem:$0x1F880] =	vst v63  }
0x2d4: {  	_ =	swait.ge [sflag:s9], $0x2800  }
0x2d5: {  	[sflag:s9] =	ssyncset.done $0x0  }
0x2d6: {  	[sflag:s9] =	ssyncadd.s32 $0xFFFFD800  }
0x2d7: {  	[tilespmem:s26], [sflag:$0x4] =	stream.indirect.gather [hbm4b:s4+s22], $0x80, s13, s22, $0xb8;
	[tilespmem:$0x1F880] =	vst v63  }
0x2d8: {  	_ =	swait.ge [sflag:s28], $0x2800  }
0x2d9: {  	[sflag:s28] =	ssyncset.done $0x0  }
0x2da: {  	[sflag:s28] =	ssyncadd.s32 $0xFFFFD800  }
0x2db: {  	[spmem:s2] =	stream.indirect.scatter.add.f32 [tilespmem:s23], [sflag:$0x5], $0x80, s14, s22, $0xb8;
	[tilespmem:$0x1F880] =	vst v63  }
0x2dc: {  	_ =	swait.ge [sflag:s29], $0x2800  }
0x2dd: {  	[sflag:s29] =	ssyncset.done $0x0  }
0x2de: {  	[sflag:s29] =	ssyncadd.s32 $0xFFFFD800  }
0x2df: {  	[tilespmem:s23], [sflag:$0x1] =	stream.indirect.gather [hbm4b:s4+s22], $0x80, s15, s22, $0xb8;
	[tilespmem:$0x1F880] =	vst v63  }
0x2e0: {  	_ =	swait.ge [sflag:s30], $0x2800  }
0x2e1: {  	[sflag:s30] =	ssyncset.done $0x0  }
0x2e2: {  	[sflag:s30] =	ssyncadd.s32 $0xFFFFD800  }
0x2e3: {  	[spmem:s2] =	stream.indirect.scatter.add.f32 [tilespmem:s24], [sflag:$0x6], $0x80, s5, s22, $0xb8;
	[tilespmem:$0x1F880] =	vst v63  }
0x2e4: {  	_ =	swait.ge [sflag:s1], $0x2800  }
0x2e5: {  	[sflag:s1] =	ssyncset.done $0x0  }
0x2e6: {  	[sflag:s1] =	ssyncadd.s32 $0xFFFFD800  }
0x2e7: {  	[spmem:s2] =	stream.indirect.scatter.add.f32 [tilespmem:s25], [sflag:$0x7], $0x80, s16, s22, $0xb8;
	[tilespmem:$0x1F880] =	vst v63  }
0x2e8: {  	_ =	swait.ge [sflag:s7], $0x2800  }
0x2e9: {  	[sflag:s7] =	ssyncset.done $0x0  }
0x2ea: {  	[sflag:s7] =	ssyncadd.s32 $0xFFFFD800  }
0x2eb: {  	[spmem:s2] =	stream.indirect.scatter.add.f32 [tilespmem:s26], [sflag:$0x8], $0x80, s17, s22, $0xb8;
	[tilespmem:$0x1F880] =	vst v63  }
0x2ec: {  	_ =	swait.ge [sflag:s28], $0x2800  }
0x2ed: {  	[sflag:s28] =	ssyncset.done $0x0  }
0x2ee: {  	[sflag:s28] =	ssyncadd.s32 $0xFFFFD800  }
0x2ef: {  	[spmem:s2] =	stream.indirect.scatter.add.f32 [tilespmem:s23], [sflag:$0x5], $0x80, s18, s22, $0xb8;
	[tilespmem:$0x1F880] =	vst v63  }
0x2f0: {  	_ =	swait.ge [sflag:s29], $0x2800  }
0x2f1: {  	[sflag:s29] =	ssyncset.done $0x0  }
0x2f2: {  	[sflag:s29] =	ssyncadd.s32 $0xFFFFD800  }
0x2f3: {  	_ =	swait.ge [sflag:s31], $0x2800  }
0x2f4: {  	[sflag:s31] =	ssyncset.done $0x0  }
0x2f5: {  	[sflag:s31] =	ssyncadd.s32 $0xFFFFD800  }
0x2f6: {  	_ =	swait.ge [sflag:s0], $0x2800  }
0x2f7: {  	[sflag:s0] =	ssyncset.done $0x0  }
0x2f8: {  	[sflag:s0] =	ssyncadd.s32 $0xFFFFD800  }
0x2f9: {  	_ =	swait.ge [sflag:s9], $0x2800  }
0x2fa: {  	[sflag:s9] =	ssyncset.done $0x0  }
0x2fb: {  	[sflag:s9] =	ssyncadd.s32 $0xFFFFD800  }
0x2fc: {  	[bflag:$0x0] =	sbarrier.arrive $0xFFFF  }
0x2fd: {  	s19 =	sld [smem:$0x7E8]  }
0x2fe: {  	s8 =	sld [smem:$0x7F0];
	_ =	sdelay $0x2  }
0x2ff: {  	s12 =	simm.s32 @p4 $0x1FC9;
	s6 =	sadd.s32 @p4 $0x24900, s19;
	s8 =	sshrl.u32 @p4 s8, $0x3  }
0x300: {  	[hbm:s6], [sflag:s12] =	dma.local @p4 [spmem:s8], $0x2800  }
0x301: {  	s6 =	simm.s32 @p4 $0x9  }
0x302: {  	_ =	swait.ge @p4 [sflag:s6], $0x2800  }
0x303: {  	s8 =	sld [smem:$0x7E3]  }
0x304: {  	[sflag:s6] =	ssyncset.done @p4 $0x0;
	s12 =	sld [smem:$0x7F7]  }
0x305: {  	[sflag:s6] =	ssyncadd.s32 @p4 $0xFFFFD800;
	s6 =	stileid.u32  }
0x306: {  	s6 =	sshll.u32 @!p4 s6, $0x6  }
0x307: {  	s8 =	sadd.s32 @!p4 s8, s19;
	s6 =	sor.u32 @!p4 $0x1C09, s6;
	s12 =	sshrl.u32 @!p4 s12, $0x3  }
0x308: {  	[hbm:s8], [sflag:s6] =	dma.local @!p4 [spmem:s12], $0x2700  }
0x309: {  	s6 =	simm.s32 @!p4 $0x9  }
0x30a: {  	_ =	swait.ge @!p4 [sflag:s6], $0x2700  }
0x30b: {  	s8 =	sld [smem:$0x7E2]  }
0x30c: {  	s19 =	sld [smem:$0x7E9];
	_ =	sdelay $0x1  }
0x30d: {  	s12 =	sadd.s32 $0x1, s8  }
0x30e: {  	p5 =	sne.s32 s12, s19  }
.Ltmp1:
0x30f: {  	_ = 	snop;
	(pc) =	sbr.rel @p5 .LBB2_1-.Ltmp1, $3  }
0x310: {  	_ =	sdelay $0x1  }
0x311: {  	[sflag:s6] =	ssyncset.done @!p4 $0x0  }
0x312: {  	[sflag:s6] =	ssyncadd.s32 @!p4 $0xFFFFD900  }
0x313: {  	_ =	sfence.sel $0x180000  }
0x314: {  	[bflag:$0x0] =	sbarrier.arrive $0xFFFF  }
0x315: {  	_ =	strace $0x9000004A  }
0x316: {  	s0 =	stileid.u32;
	[bflag:$0x2] =	sbarrier.arrive $0xFFFF  }
0x317: {  	p0 =	sne.s32 s0, $0x0;
	s0 =	rddreg [dreg:$0x2]  }
0x318: {  	s0 =	sadd.s32 @!p0 $0x100000, s0  }
0x319: {  	[sflag:s0] =	ssyncadd.tile.s32 @!p0 $0x1;
	_ =	shalt  }
.Lfunc_end2:
_tile_overlayer_lowered:
.L_overlay_start_2:
0x31a: {  	(tag) =	ssettag $0x2  }
0x31b: {  	s0 =	rddreg [dreg:$0x0];
	s2 =	stileid.u32  }
0x31c: {  	s1 =	rddreg [dreg:$0x1];
	p0 =	sne.s32 s2, $0x0  }
0x31d: {  	s3 =	rddreg [dreg:$0x2];
	[bflag:$0x3] =	sbarrier.arrive $0xFFFF;
	s2 =	simm.s32 @!p0 $0x1C09  }
0x31e: {  	[timem:s3], [sflag:s2] =	dma.local @!p0 [hbm:s0], s1  }
0x31f: {  	s0 =	simm.s32 @!p0 $0x9  }
0x320: {  	_ =	swait.ge @!p0 [sflag:s0], s1  }
0x321: {  	s1 =	ssub.s32 @!p0 $0x0, s1;
	[sflag:s0] =	ssyncset.done @!p0 $0x0  }
0x322: {  	[sflag:s0] =	ssyncadd.s32 @!p0 s1  }
0x323: {  	[bflag:$0x3] =	sbarrier.arrive $0xFFFF  }
0x324: {  	_ =	shalt  }

// kernel: kernel.15.cloned.1.call-start
scs
__scs_entry_jumppad:
0x0: {  	(pc) =	sbr.rel $0x88, $3  }
0x1: {  	(tag) =	ssettag $0x0;
	lr =	simm.s32 $0x1  }
0x2: {  	[smem:$0x3F98] =	sst lr;
	_ =	strace $0xD0000000  }
0x3: {  	_ = 	snop  }
0x4: {  	_ = 	snop  }
0x5: {  	_ = 	snop  }
0x6: {  	_ = 	snop  }
0x7: {  	_ = 	snop  }
__scs_overlays_trampoline_lowered:
0x8: {  	[smem:$0x3FA7] =	sst s0  }
0x9: {  	[smem:$0x3FA8] =	sst s1  }
0xa: {  	[smem:$0x3FA9] =	sst s2  }
0xb: {  	[smem:$0x3FAA] =	sst s3  }
0xc: {  	[smem:$0x3FAB] =	sst s4  }
0xd: {  	[smem:$0x3FAC] =	sst s5  }
0xe: {  	[smem:$0x3FAD] =	sst s6  }
0xf: {  	[smem:$0x3FAE] =	sst s7  }
0x10: {  	[smem:$0x3FAF] =	sst s8  }
0x11: {  	[smem:$0x3FB0] =	sst s9;
	s0 =	simm.s32 @!p0 $0x0  }
0x12: {  	s1 =	sld [smem:$0x3F96];
	s0 =	simm.s32 @p0 $0x1  }
0x13: {  	[smem:$0x3FB1] =	sst s0;
	s0 =	simm.s32 @!p1 $0x0  }
0x14: {  	s2 =	sld [smem:$0x3F95];
	s0 =	simm.s32 @p1 $0x1  }
0x15: {  	[smem:$0x3FB2] =	sst s0;
	s0 =	simm.s32 @!p2 $0x0  }
0x16: {  	s3 =	sld [smem:$0x3FDB];
	s0 =	simm.s32 @p2 $0x1  }
0x17: {  	s4 =	simm.s32 $0x1BF5;
	[smem:$0x3FB4] =	sst s0  }
0x18: {  	s0 =	sld [smem:$0x3F97];
	_ =	swait.ge [sflag:s4], $0x0  }
0x19: {  	s7 =	sld [smem:$0x3F98]  }
0x1a: {  	s8 =	sadd.s32 $0xFFFFE003, lr  }
0x1b: {  	s9 =	sadd.s32 $0xFFFFFEF7, lr;
	s5 =	simm.s32 $0xFFFFFFFF;
	p2 =	slt.u32 s8, $0xFFFFF086  }
0x1c: {  	p1 =	slt.u32 s9, $0xF7A;
	s5 =	simm.s32 @!p2 $0x0  }
0x1d: {  	s5 =	simm.s32 @p1 $0x1;
	p0 =	seq.s32 s7, s2  }
0x1e: {  	s7 =	smul.u32 @!p0 $0xF7A, s2;
	p2 =	seq.s32 @!p0 s5, $0x0  }
0x1f: {  	s9 =	smul.u32 $0xF7A, s1;
	s8 =	simm.s32 @!p0 $0x1BF5;
	p2 =	por !p2, p0  }
0x20: {  	[sflag:s8] =	ssyncset.s32 @!p0 $0xFFFFF086;
	s6 =	sadd.s32 @!p0 s3, s7;
	s7 =	simm.s32 @!p0 $0x108  }
0x21: {  	s3 =	sadd.s32 s3, s9;
	s6 =	sadd.s32 @!p0 $0x88, s6;
	s7 =	simm.s32 @p2 $0x1082  }
0x22: {  	[simem:s7], [sflag:s8] =	dma.local @!p0 [hbm:s6], $0xF7A  }
0x23: {  	s9 =	sor.u32 $0xD0000000, s2;
	s6 =	simm.s32 $0x108;
	_ =	swait.ge @!p0 [sflag:s8], $0x0  }
0x24: {  	s3 =	sadd.s32 $0x88, s3;
	s6 =	simm.s32 @!p1 $0x1082;
	[sflag:s4] =	ssyncset.s32 $0xFFFFF086  }
0x25: {  	[simem:s6], [sflag:s4] =	dma.local [hbm:s3], $0xF7A  }
0x26: {  	[smem:$0x3F98] =	sst s1;
	(tag) =	ssettag s2;
	_ =	strace s9  }
0x27: {  	s1 =	sld [smem:$0x3FA8]  }
0x28: {  	s2 =	sld [smem:$0x3FA9]  }
0x29: {  	s4 =	sld [smem:$0x3FAB]  }
0x2a: {  	p0 =	seq.s32 s5, $0x0;
	s5 =	sld [smem:$0x3FAC]  }
0x2b: {  	s6 =	sld [smem:$0x3FAD]  }
0x2c: {  	s7 =	sld [smem:$0x3FAE]  }
0x2d: {  	s3 =	simm.s32 $0x108;
	s8 =	sld [smem:$0x3FAF]  }
0x2e: {  	s3 =	simm.s32 @!p0 $0x1082;
	s9 =	sld [smem:$0x3FB0]  }
0x2f: {  	lr =	sadd.s32 s0, s3;
	s0 =	sld [smem:$0x3FA7]  }
0x30: {  	s3 =	sld [smem:$0x3FAA]  }
0x31: {  	[smem:$0x3FB3] =	sst s10  }
0x32: {  	s10 =	sld [smem:$0x3FB1];
	_ =	sdelay $0x3  }
0x33: {  	p0 =	seq.s32 s10, $0x1;
	s10 =	sld [smem:$0x3FB3];
	_ =	sdelay $0x3  }
0x34: {  	[smem:$0x3FB3] =	sst s10  }
0x35: {  	s10 =	sld [smem:$0x3FB2];
	_ =	sdelay $0x3  }
0x36: {  	p1 =	seq.s32 s10, $0x1;
	s10 =	sld [smem:$0x3FB3];
	_ =	sdelay $0x3  }
0x37: {  	[smem:$0x3FB3] =	sst s10  }
0x38: {  	s10 =	sld [smem:$0x3FB4]  }
0x39: {  	_ = 	snop;
	(pc) =	sbr.ind lr, $3  }
0x3a: {  	_ = 	snop  }
0x3b: {  	_ = 	snop  }
0x3c: {  	p2 =	seq.s32 s10, $0x1;
	s10 =	sld [smem:$0x3FB3]  }
0x3d: {  	_ =	shalt  }
0x3e: {  	_ =	shalt  }
0x3f: {  	_ =	shalt  }
0x40: {  	_ =	shalt  }
0x41: {  	_ =	shalt  }
0x42: {  	_ =	shalt  }
0x43: {  	_ =	shalt  }
0x44: {  	_ =	shalt  }
0x45: {  	_ =	shalt  }
0x46: {  	_ =	shalt  }
0x47: {  	_ =	shalt  }
0x48: {  	_ =	shalt  }
0x49: {  	_ =	shalt  }
0x4a: {  	_ =	shalt  }
0x4b: {  	_ =	shalt  }
0x4c: {  	_ =	shalt  }
0x4d: {  	_ =	shalt  }
0x4e: {  	_ =	shalt  }
0x4f: {  	_ =	shalt  }
0x50: {  	_ =	shalt  }
0x51: {  	_ =	shalt  }
0x52: {  	_ =	shalt  }
0x53: {  	_ =	shalt  }
0x54: {  	_ =	shalt  }
0x55: {  	_ =	shalt  }
0x56: {  	_ =	shalt  }
0x57: {  	_ =	shalt  }
0x58: {  	_ =	shalt  }
0x59: {  	_ =	shalt  }
0x5a: {  	_ =	shalt  }
0x5b: {  	_ =	shalt  }
0x5c: {  	_ =	shalt  }
0x5d: {  	_ =	shalt  }
0x5e: {  	_ =	shalt  }
0x5f: {  	_ =	shalt  }
0x60: {  	_ =	shalt  }
0x61: {  	_ =	shalt  }
0x62: {  	_ =	shalt  }
0x63: {  	_ =	shalt  }
0x64: {  	_ =	shalt  }
0x65: {  	_ =	shalt  }
0x66: {  	_ =	shalt  }
0x67: {  	_ =	shalt  }
0x68: {  	_ =	shalt  }
0x69: {  	_ =	shalt  }
0x6a: {  	_ =	shalt  }
0x6b: {  	_ =	shalt  }
0x6c: {  	_ =	shalt  }
0x6d: {  	_ =	shalt  }
0x6e: {  	_ =	shalt  }
0x6f: {  	_ =	shalt  }
0x70: {  	_ =	shalt  }
0x71: {  	_ =	shalt  }
0x72: {  	_ =	shalt  }
0x73: {  	_ =	shalt  }
0x74: {  	_ =	shalt  }
0x75: {  	_ =	shalt  }
0x76: {  	_ =	shalt  }
0x77: {  	_ =	shalt  }
0x78: {  	_ =	shalt  }
0x79: {  	_ =	shalt  }
0x7a: {  	_ =	shalt  }
0x7b: {  	_ =	shalt  }
0x7c: {  	_ =	shalt  }
0x7d: {  	_ =	shalt  }
0x7e: {  	_ =	shalt  }
0x7f: {  	_ =	shalt  }
0x80: {  	_ =	shalt  }
0x81: {  	_ =	shalt  }
0x82: {  	_ =	shalt  }
0x83: {  	_ =	shalt  }
0x84: {  	_ =	shalt  }
0x85: {  	_ =	shalt  }
0x86: {  	_ =	shalt  }
0x87: {  	_ =	shalt  }
.Lfunc_end0:
.L_simem_size_0:
called_computation.2_lowered:
.L_overlay_start_0:
0x88: {  	s2 =	sld [smem:$0x3FD9]  }
0x89: {  	s3 =	sld [smem:$0x3FFE];
	_ =	sdelay $0x1  }
0x8a: {  	s1 =	srdreg.scid  }
0x8b: {  	s0 =	sand.u32 $0x1, s1  }
0x8c: {  	s16 =	sshll.u32 s0, $0xA;
	s2 =	sadd.s32 s3, s2  }
0x8d: {  	s2 =	sadd.s32 s2, s16  }
0x8e: {  	[smem:$0x3FBF] =	sst s2  }
0x8f: {  	_ = 	snop  }
0x90: {  	(tm) =	ssettm $0x1  }
0x91: {  	s17 =	sld [smem:$0x3FFB];
	_ =	sdelay $0x3  }
0x92: {  	_ =	strace s17  }
0x93: {  	s2 =	sld [smem:$0x3FFC];
	_ =	sdelay $0x3  }
0x94: {  	_ =	strace s2  }
0x95: {  	s2 =	sld [smem:$0x3FFD];
	_ =	sdelay $0x3  }
0x96: {  	_ =	strace s2  }
0x97: {  	_ =	strace $0x8FFFFFFF  }
0x98: {  	s18 =	sld [smem:$0x3FDB];
	_ =	sdelay $0x1  }
0x99: {  	s19 =	simm.s32 $_scs_section_size  }
0x9a: {  	s4 =	simm.s32 $_size__tile_overlayer_lowered;
	s5 =	simm.s32 $_tile_overlayer_lowered  }
0x9b: {  	s22 =	simm.s32 $0x1BFF;
	s21 =	sshll.u32 s5, $0x1;
	s2 =	sadd.s32 s19, s18  }
0x9c: {  	s6 =	simm.s32 $0x0;
	s20 =	sshll.u32 s4, $0x1;
	s4 =	sadd.s32 s21, s2  }
0x9d: {  	[timem:s6], [sflag:s22] =	dma.local [hbm:s4], s20  }
0x9e: {  	_ =	swait.ge [sflag:s22], s20  }
0x9f: {  	s3 =	ssub.s32 $0x0, s20;
	[sflag:s22] =	ssyncset.done $0x0  }
0xa0: {  	[sflag:s22] =	ssyncadd.s32 s3;
	_ =	sdelay $0x1  }
0xa1: {  	s23 =	simm.s32 $0x1B8B  }
0xa2: {  	_ =	swait.ge [sflag:s23], $0x1  }
0xa3: {  	[sflag:s23] =	ssyncset.done $0x0  }
0xa4: {  	s25 =	simm.s32 $0x1B8E;
	s24 =	sld [smem:$0x3FFE];
	[sflag:s23] =	ssyncadd.s32 $0xFFFFFFFF  }
0xa5: {  	s26 =	simm.s32 $execute0_lowered;
	[smem:$0x3FD2] =	sst s25  }
0xa6: {  	s4 =	sshll.u32 s26, $0x1;
	_ =	strace $0x8000004C;
	[dreg:$0x1] =	wrdreg $0xFFFFFFFF  }
0xa7: {  	s28 =	simm.s32 $_size_execute0_lowered;
	s2 =	sadd.s32 s2, s4;
	[dreg:$0x0] =	wrdreg $0x0  }
0xa8: {  	s4 =	sshll.u32 s28, $0x1;
	[dreg:$0x2] =	wrdreg s2  }
0xa9: {  	[dreg:$0x3] =	wrdreg s4  }
0xaa: {  	[dreg:$0x4] =	wrdreg $0xC0  }
0xab: {  	_ =	task [dreg:s6], $0x5FFFF  }
0xac: {  	[dreg:$0x1] =	wrdreg $0xFFFFFFFF  }
0xad: {  	[dreg:$0x0] =	wrdreg $0x60  }
0xae: {  	[dreg:$0x2] =	wrdreg s24  }
0xaf: {  	[dreg:$0x3] =	wrdreg $0xC0000  }
0xb0: {  	[dreg:$0x4] =	wrdreg $0x9  }
0xb1: {  	_ =	task.clear_ibuf [dreg:s6], $0x5FFFF;
	_ =	strace $0x9000004C  }
0xb2: {  	s29 =	simm.s32 $0x9;
	_ =	strace $0x8000004E  }
0xb3: {  	_ =	swait.ge [sflag:s29], $0x1  }
0xb4: {  	[sflag:s29] =	ssyncadd.s32 $0xFFFFFFFF  }
0xb5: {  	_ =	strace $0x9000004E  }
0xb6: {  	_ =	sfence  }
0xb7: {  	s30 =	sld [smem:$0x0];
	_ =	sdelay $0x2  }
0xb8: {  	s31 =	sshll.u32 s1, $0xD;
	s1 =	sshrl.u32 s1, $0x2  }
0xb9: {  	s3 =	sand.u32 $0x4000, s31;
	s1 =	sadd.s32 s1, s30  }
0xba: {  	s0 =	sor.u32 s3, s0;
	s1 =	sshll.u32 s1, $0x11  }
0xbb: {  	s0 =	sor.u32 s1, s0  }
0xbc: {  	s0 =	sadd.s32 $0x8F2B, s0  }
0xbd: {  	[sflag:s0] =	ssyncadd.remote.s32 $0x1  }
0xbe: {  	_ =	sfence.sel $0xFFFF  }
0xbf: {  	[dreg:$0x0] =	wrdreg $0xFFFFFFFF;
	(pc) =	sbr.abs _section_cstart, $3  }
0xc0: {  	[dreg:$0x1] =	wrdreg $0xFFFFFFFF  }
0xc1: {  	_ =	task.clear_ibuf [dreg:s6], $0x2FFFF;
	_ =	strace $0x9FFFFFFF  }
0xc2: {  	(tm) =	ssettm $0x7FFFFFFF  }
0xc3: {  	_ =	shalt  }
tec
execute0_lowered:
.L_overlay_start_1:
0x0: {  	(tag) =	ssettag $0x1  }
0x1: {  	s0 =	srdreg.scid;
	s10 =	stileid.u32  }
0x2: {  	s1 =	sand.u32 $0x1, s0;
	s4 =	smul.u32 $0x5000, s10  }
0x3: {  	s3 =	smul.u32 $0x50000, s1  }
0x4: {  	s2 =	rddreg [dreg:$0x1]  }
0x5: {  	s0 =	rddreg [dreg:$0x0];
	s4 =	sadd.s32 s4, s3;
	s3 =	simm.s32 $0x0  }
0x6: {  	s17 =	simm.s32 $0x80;
	[smem:$0x7FF] =	sst s3  }
0x7: {  	s18 =	simm.s32 $0x100;
	_ =	strace $0x8000004D;
	[dreg:$0x5] =	wrdreg s17  }
0x8: {  	s19 =	simm.s32 $0x180;
	[dreg:$0x6] =	wrdreg s18  }
0x9: {  	s20 =	simm.s32 $0x200;
	[dreg:$0x7] =	wrdreg s19  }
0xa: {  	s21 =	simm.s32 $0x1080;
	[dreg:$0x8] =	wrdreg s20  }
0xb: {  	s22 =	simm.s32 $0x280;
	[dreg:$0x9] =	wrdreg s21  }
0xc: {  	s23 =	simm.s32 $0x1100;
	[dreg:$0xa] =	wrdreg s22  }
0xd: {  	s24 =	simm.s32 $0x300;
	[dreg:$0xb] =	wrdreg s23  }
0xe: {  	s25 =	simm.s32 $0x1180;
	s8 =	ssub.s32 $0x2, s1;
	[dreg:$0xc] =	wrdreg s24  }
0xf: {  	s26 =	simm.s32 $0x380;
	s9 =	sshrl.u32 s8, $0x1;
	[dreg:$0xd] =	wrdreg s25  }
0x10: {  	s8 =	ssub.s32 s8, s9;
	s9 =	simm.s32 $0x1200;
	[dreg:$0xe] =	wrdreg s26  }
0x11: {  	s13 =	simm.s32 $0x400;
	[dreg:$0xf] =	wrdreg s9  }
0x12: {  	s14 =	simm.s32 $0x1280;
	s11 =	smul.u32 $0x2700, s10;
	[dreg:$0x10] =	wrdreg s13  }
0x13: {  	s16 =	simm.s32 $0x480;
	[dreg:$0x11] =	wrdreg s14  }
0x14: {  	s12 =	smul.u32 $0x4E000, s10;
	s7 =	sadd.s32 s11, s0;
	[dreg:$0x12] =	wrdreg s16  }
0x15: {  	s7 =	sadd.s32 $0x62600, s7;
	[smem:$0x7E3] =	sst s11  }
0x16: {  	s15 =	sshrl.u32 s12, $0x2;
	s12 =	simm.s32 $0x1580;
	[smem:$0x7E6] =	sst s7  }
0x17: {  	s17 =	simm.s32 $0x1300;
	[dreg:$0x1d] =	wrdreg s12  }
0x18: {  	s19 =	simm.s32 $0x500;
	[dreg:$0x13] =	wrdreg s17  }
0x19: {  	s21 =	sadd.s32 $0x5FD00, s0;
	[dreg:$0x14] =	wrdreg s19  }
0x1a: {  	s6 =	smul.u32 $0x27100, s1;
	s20 =	simm.s32 $0x1380;
	[smem:$0x7E5] =	sst s21  }
0x1b: {  	s22 =	simm.s32 $0x580;
	[dreg:$0x15] =	wrdreg s20  }
0x1c: {  	s6 =	sadd.s32 s6, s0;
	s23 =	simm.s32 $0x1400;
	[dreg:$0x16] =	wrdreg s22  }
0x1d: {  	s28 =	simm.s32 $0x1;
	s25 =	sadd.s32 $0x89800, s6;
	[dreg:$0x17] =	wrdreg s23  }
0x1e: {  	s29 =	simm.s32 $0x5;
	s24 =	simm.s32 $0x600;
	[smem:$0x7E8] =	sst s25  }
0x1f: {  	s30 =	simm.s32 $0x2;
	s6 =	smax.u32 s8, $0x1;
	[dreg:$0x18] =	wrdreg s24  }
0x20: {  	s31 =	simm.s32 $0x6;
	s26 =	simm.s32 $0x1480;
	[smem:$0x7E9] =	sst s6  }
0x21: {  	p3 =	seq.s32 s1, $0x1;
	s7 =	simm.s32 $0x680;
	[dreg:$0x19] =	wrdreg s26  }
0x22: {  	p1 =	seq.s32 @p3 s10, $0xF;
	s8 =	simm.s32 $0x1500;
	[dreg:$0x1a] =	wrdreg s7  }
0x23: {  	p4 =	seq.s32 @!p3 s10, $0xF;
	s13 =	simm.s32 $0x780;
	[dreg:$0x1b] =	wrdreg s8  }
0x24: {  	p0 =	por !p1, !p3;
	s14 =	simm.s32 $0x1600;
	[dreg:$0x1e] =	wrdreg s13  }
0x25: {  	s4 =	sshrl.u32 s4, $0x3;
	s16 =	simm.s32 $0x1680;
	[dreg:$0x1f] =	wrdreg s14  }
0x26: {  	s4 =	sadd.s32 s4, s0;
	s9 =	sadd.s32 $0x124800, s2;
	[smem:$0x7EE] =	sst s16  }
0x27: {  	p1 =	por p1, !p3;
	s5 =	sadd.s32 $0x13400, s4;
	[smem:$0x7F0] =	sst s9  }
0x28: {  	p2 =	por !p4, p3;
	s4 =	sadd.s32 $0x27400, s4;
	[dreg:$0x3] =	wrdreg s5  }
0x29: {  	p3 =	por p4, p3;
	s1 =	sshrl.u32 @!p0 s9, $0x3;
	[dreg:$0x4] =	wrdreg s4  }
0x2a: {  	p4 =	seq.s32 s10, $0xF;
	s17 =	simm.s32 $0x880;
	[smem:$0x7EA] =	sst s1  }
0x2b: {  	s12 =	simm.s32 $0x0;
	s19 =	simm.s32 $0x900;
	[smem:$0x7EF] =	sst s17  }
0x2c: {  	s20 =	simm.s32 $0x1780;
	s21 =	simm.s32 $0x980;
	[smem:$0x7F3] =	sst s19  }
0x2d: {  	s22 =	simm.s32 $0x1800;
	s23 =	simm.s32 $0xA00;
	[smem:$0x7F4] =	sst s20  }
0x2e: {  	s24 =	simm.s32 $0x1880;
	s25 =	simm.s32 $0xA80;
	[smem:$0x7F6] =	sst s21  }
0x2f: {  	s26 =	simm.s32 $0x1900;
	s7 =	simm.s32 $0x4;
	[smem:$0x7F9] =	sst s22  }
0x30: {  	s13 =	simm.s32 $0xB80;
	s14 =	simm.s32 $0x1A00;
	[smem:$0x7FA] =	sst s23  }
0x31: {  	s16 =	simm.s32 $0x1B00;
	s4 =	sadd.s32 $0x3B400, s0;
	[smem:$0x7FB] =	sst s24  }
0x32: {  	s5 =	sadd.s32 s15, s2;
	s0 =	sadd.s32 $0x86F00, s0;
	[smem:$0x7FC] =	sst s25  }
0x33: {  	s1 =	sshll.u32 @!p1 s10, $0x6;
	s15 =	simm.s32 $0x800;
	[smem:$0x7FD] =	sst s26  }
0x34: {  	s20 =	simm.s32 $0x9;
	s21 =	simm.s32 $0x1000;
	[smem:$0x7E7] =	sst s0  }
0x35: {  	s22 =	simm.s32 $0x50;
	s23 =	simm.s32 $0x2000;
	[smem:$0x7ED] =	sst s15  }
0x36: {  	s24 =	simm.s32 $0x4800;
	s18 =	sadd.s32 s4, s11;
	[smem:$0x7F7] =	sst s5  }
0x37: {  	s25 =	simm.s32 $0x7000;
	s11 =	simm.s32 $0x700;
	[smem:$0x7E4] =	sst s18  }
0x38: {  	s26 =	simm.s32 $0x9800;
	s1 =	sor.u32 @!p1 $0x1C09, s1;
	[dreg:$0x1c] =	wrdreg s11  }
0x39: {  	s17 =	simm.s32 $0x1B80;
	[smem:$0x7EB] =	sst s1;
	s1 =	sshrl.u32 @!p1 s5, $0x3  }
0x3a: {  	s0 =	simm.s32 $0x7;
	s18 =	simm.s32 $0x1700;
	[smem:$0x7EC] =	sst s1  }
0x3b: {  	s15 =	simm.s32 $0xC00;
	s1 =	sshrl.u32 @!p2 s9, $0x3;
	[smem:$0x7F2] =	sst s18  }
0x3c: {  	s11 =	simm.s32 $0x1980;
	[smem:$0x7F1] =	sst s1;
	s1 =	sshll.u32 @!p3 s10, $0x6  }
0x3d: {  	s9 =	simm.s32 $0x8;
	s18 =	simm.s32 $0x1C00;
	s1 =	sor.u32 @!p3 $0x1C09, s1  }
0x3e: {  	s10 =	simm.s32 $0xB00;
	[smem:$0x7F5] =	sst s1;
	s1 =	sshrl.u32 @!p3 s5, $0x3  }
0x3f: {  	s5 =	simm.s32 $0x1A80;
	[smem:$0x7F8] =	sst s1;
	s1 =	simm.s32 $0x3  }
.LBB2_1:
0x40: {  	[smem:$0x7E2] =	sst s12  }
0x41: {  	s8 =	sld [smem:$0x7E7]  }
0x42: {  	s12 =	sld [smem:$0x7EA];
	_ =	sdelay $0x1  }
0x43: {  	s6 =	simm.s32 @!p0 $0x1FC9  }
0x44: {  	[spmem:s12], [sflag:s6] =	dma.local @!p0 [hbm:s8], $0x2800  }
0x45: {  	s6 =	simm.s32 @!p0 $0x9  }
0x46: {  	_ =	swait.ge @!p0 [sflag:s6], $0x2800  }
0x47: {  	s8 =	sld [smem:$0x7EB]  }
0x48: {  	[sflag:s6] =	ssyncset.done @!p0 $0x0;
	s12 =	sld [smem:$0x7EC]  }
0x49: {  	[sflag:s6] =	ssyncadd.s32 @!p0 $0xFFFFD800;
	s6 =	sld [smem:$0x7E6];
	_ =	sdelay $0x2  }
0x4a: {  	[spmem:s12], [sflag:s8] =	dma.local @!p1 [hbm:s6], $0x2700  }
0x4b: {  	s6 =	simm.s32 @!p1 $0x9  }
0x4c: {  	_ =	swait.ge @!p1 [sflag:s6], $0x2700  }
0x4d: {  	s8 =	sld [smem:$0x7E5]  }
0x4e: {  	s12 =	sld [smem:$0x7F1]  }
0x4f: {  	[sflag:s6] =	ssyncset.done @!p1 $0x0  }
0x50: {  	[sflag:s6] =	ssyncadd.s32 @!p1 $0xFFFFD900;
	s6 =	simm.s32 @!p2 $0x1FC9  }
0x51: {  	[spmem:s12], [sflag:s6] =	dma.local @!p2 [hbm:s8], $0x2800  }
0x52: {  	s6 =	simm.s32 @!p2 $0x9  }
0x53: {  	_ =	swait.ge @!p2 [sflag:s6], $0x2800  }
0x54: {  	s8 =	sld [smem:$0x7F5]  }
0x55: {  	[sflag:s6] =	ssyncset.done @!p2 $0x0;
	s12 =	sld [smem:$0x7F8]  }
0x56: {  	[sflag:s6] =	ssyncadd.s32 @!p2 $0xFFFFD800;
	s6 =	sld [smem:$0x7E4];
	_ =	sdelay $0x2  }
0x57: {  	[spmem:s12], [sflag:s8] =	dma.local @!p3 [hbm:s6], $0x2700  }
0x58: {  	s6 =	simm.s32 @!p3 $0x9  }
0x59: {  	_ =	swait.ge @!p3 [sflag:s6], $0x2700  }
0x5a: {  	[sflag:s6] =	ssyncset.done @!p3 $0x0  }
0x5b: {  	[sflag:s6] =	ssyncadd.s32 @!p3 $0xFFFFD900  }
0x5c: {  	[bflag:$0x0] =	sbarrier.arrive $0xFFFF  }
0x5d: {  	s12 =	rddreg [dreg:$0x4]  }
0x5e: {  	s6 =	sadd.s32 $0x0, s12  }
0x5f: {  	[tilespmem:s3], [sflag:$0x9] =	stream.linear.gather [hbm4b:s6+s3], $0xC80, $0x38;
	[tilespmem:$0x1F880] =	vst v63  }
0x60: {  	_ =	swait.ge [sflag:s20], $0xC80  }
0x61: {  	s19 =	rddreg [dreg:$0x3];
	[sflag:s20] =	ssyncset.done $0x0  }
0x62: {  	[sflag:s20] =	ssyncadd.s32 $0xFFFFF380;
	s6 =	sadd.s32 $0x0, s19  }
0x63: {  	[tilespmem:s21], [sflag:$0x9] =	stream.linear.gather [hbm4b:s6+s3], $0xC80, $0x38;
	[tilespmem:$0x1F880] =	vst v63  }
0x64: {  	_ =	swait.ge [sflag:s20], $0xC80  }
0x65: {  	[sflag:s20] =	ssyncset.done $0x0  }
0x66: {  	[sflag:s20] =	ssyncadd.s32 $0xFFFFF380  }
0x67: {  	[tilespmem:s23], [sflag:$0x1] =	stream.indirect.gather [hbm4b:s4+s22], $0x80, s3, s22, $0xb8;
	[tilespmem:$0x1F880] =	vst v63  }
0x68: {  	s8 =	rddreg [dreg:$0x5]  }
0x69: {  	[tilespmem:s24], [sflag:$0x2] =	stream.indirect.gather [hbm4b:s4+s22], $0x80, s8, s22, $0xb8;
	[tilespmem:$0x1F880] =	vst v63  }
0x6a: {  	s12 =	rddreg [dreg:$0x6]  }
0x6b: {  	[tilespmem:s25], [sflag:$0x3] =	stream.indirect.gather [hbm4b:s4+s22], $0x80, s12, s22, $0xb8;
	[tilespmem:$0x1F880] =	vst v63  }
0x6c: {  	s19 =	rddreg [dreg:$0x7]  }
0x6d: {  	[tilespmem:s26], [sflag:$0x4] =	stream.indirect.gather [hbm4b:s4+s22], $0x80, s19, s22, $0xb8;
	[tilespmem:$0x1F880] =	vst v63  }
0x6e: {  	_ =	swait.ge [sflag:s28], $0x2800  }
0x6f: {  	[sflag:s28] =	ssyncset.done $0x0  }
0x70: {  	[sflag:s28] =	ssyncadd.s32 $0xFFFFD800  }
0x71: {  	[spmem:s2] =	stream.indirect.scatter.add.f32 [tilespmem:s23], [sflag:$0x5], $0x80, s21, s22, $0xb8;
	[tilespmem:$0x1F880] =	vst v63  }
0x72: {  	_ =	swait.ge [sflag:s29], $0x2800  }
0x73: {  	[sflag:s29] =	ssyncset.done $0x0  }
0x74: {  	s8 =	rddreg [dreg:$0x8];
	[sflag:s29] =	ssyncadd.s32 $0xFFFFD800  }
0x75: {  	[tilespmem:s23], [sflag:$0x1] =	stream.indirect.gather [hbm4b:s4+s22], $0x80, s8, s22, $0xb8;
	[tilespmem:$0x1F880] =	vst v63  }
0x76: {  	_ =	swait.ge [sflag:s30], $0x2800  }
0x77: {  	[sflag:s30] =	ssyncset.done $0x0  }
0x78: {  	s12 =	rddreg [dreg:$0x9];
	[sflag:s30] =	ssyncadd.s32 $0xFFFFD800  }
0x79: {  	[spmem:s2] =	stream.indirect.scatter.add.f32 [tilespmem:s24], [sflag:$0x6], $0x80, s12, s22, $0xb8;
	[tilespmem:$0x1F880] =	vst v63  }
0x7a: {  	_ =	swait.ge [sflag:s31], $0x2800  }
0x7b: {  	[sflag:s31] =	ssyncset.done $0x0  }
0x7c: {  	s19 =	rddreg [dreg:$0xa];
	[sflag:s31] =	ssyncadd.s32 $0xFFFFD800  }
0x7d: {  	[tilespmem:s24], [sflag:$0x2] =	stream.indirect.gather [hbm4b:s4+s22], $0x80, s19, s22, $0xb8;
	[tilespmem:$0x1F880] =	vst v63  }
0x7e: {  	_ =	swait.ge [sflag:s1], $0x2800  }
0x7f: {  	[sflag:s1] =	ssyncset.done $0x0  }
0x80: {  	s8 =	rddreg [dreg:$0xb];
	[sflag:s1] =	ssyncadd.s32 $0xFFFFD800  }
0x81: {  	[spmem:s2] =	stream.indirect.scatter.add.f32 [tilespmem:s25], [sflag:$0x7], $0x80, s8, s22, $0xb8;
	[tilespmem:$0x1F880] =	vst v63  }
0x82: {  	_ =	swait.ge [sflag:s0], $0x2800  }
0x83: {  	[sflag:s0] =	ssyncset.done $0x0  }
0x84: {  	s12 =	rddreg [dreg:$0xc];
	[sflag:s0] =	ssyncadd.s32 $0xFFFFD800  }
0x85: {  	[tilespmem:s25], [sflag:$0x3] =	stream.indirect.gather [hbm4b:s4+s22], $0x80, s12, s22, $0xb8;
	[tilespmem:$0x1F880] =	vst v63  }
0x86: {  	_ =	swait.ge [sflag:s7], $0x2800  }
0x87: {  	[sflag:s7] =	ssyncset.done $0x0  }
0x88: {  	s19 =	rddreg [dreg:$0xd];
	[sflag:s7] =	ssyncadd.s32 $0xFFFFD800  }
0x89: {  	[spmem:s2] =	stream.indirect.scatter.add.f32 [tilespmem:s26], [sflag:$0x8], $0x80, s19, s22, $0xb8;
	[tilespmem:$0x1F880] =	vst v63  }
0x8a: {  	_ =	swait.ge [sflag:s9], $0x2800  }
0x8b: {  	[sflag:s9] =	ssyncset.done $0x0  }
0x8c: {  	s8 =	rddreg [dreg:$0xe];
	[sflag:s9] =	ssyncadd.s32 $0xFFFFD800  }
0x8d: {  	[tilespmem:s26], [sflag:$0x4] =	stream.indirect.gather [hbm4b:s4+s22], $0x80, s8, s22, $0xb8;
	[tilespmem:$0x1F880] =	vst v63  }
0x8e: {  	_ =	swait.ge [sflag:s28], $0x2800  }
0x8f: {  	[sflag:s28] =	ssyncset.done $0x0  }
0x90: {  	s12 =	rddreg [dreg:$0xf];
	[sflag:s28] =	ssyncadd.s32 $0xFFFFD800  }
0x91: {  	[spmem:s2] =	stream.indirect.scatter.add.f32 [tilespmem:s23], [sflag:$0x5], $0x80, s12, s22, $0xb8;
	[tilespmem:$0x1F880] =	vst v63  }
0x92: {  	_ =	swait.ge [sflag:s29], $0x2800  }
0x93: {  	[sflag:s29] =	ssyncset.done $0x0  }
0x94: {  	s19 =	rddreg [dreg:$0x10];
	[sflag:s29] =	ssyncadd.s32 $0xFFFFD800  }
0x95: {  	[tilespmem:s23], [sflag:$0x1] =	stream.indirect.gather [hbm4b:s4+s22], $0x80, s19, s22, $0xb8;
	[tilespmem:$0x1F880] =	vst v63  }
0x96: {  	_ =	swait.ge [sflag:s30], $0x2800  }
0x97: {  	[sflag:s30] =	ssyncset.done $0x0  }
0x98: {  	s8 =	rddreg [dreg:$0x11];
	[sflag:s30] =	ssyncadd.s32 $0xFFFFD800  }
0x99: {  	[spmem:s2] =	stream.indirect.scatter.add.f32 [tilespmem:s24], [sflag:$0x6], $0x80, s8, s22, $0xb8;
	[tilespmem:$0x1F880] =	vst v63  }
0x9a: {  	_ =	swait.ge [sflag:s31], $0x2800  }
0x9b: {  	[sflag:s31] =	ssyncset.done $0x0  }
0x9c: {  	s12 =	rddreg [dreg:$0x12];
	[sflag:s31] =	ssyncadd.s32 $0xFFFFD800  }
0x9d: {  	[tilespmem:s24], [sflag:$0x2] =	stream.indirect.gather [hbm4b:s4+s22], $0x80, s12, s22, $0xb8;
	[tilespmem:$0x1F880] =	vst v63  }
0x9e: {  	_ =	swait.ge [sflag:s1], $0x2800  }
0x9f: {  	[sflag:s1] =	ssyncset.done $0x0  }
0xa0: {  	s19 =	rddreg [dreg:$0x13];
	[sflag:s1] =	ssyncadd.s32 $0xFFFFD800  }
0xa1: {  	[spmem:s2] =	stream.indirect.scatter.add.f32 [tilespmem:s25], [sflag:$0x7], $0x80, s19, s22, $0xb8;
	[tilespmem:$0x1F880] =	vst v63  }
0xa2: {  	_ =	swait.ge [sflag:s0], $0x2800  }
0xa3: {  	[sflag:s0] =	ssyncset.done $0x0  }
0xa4: {  	s8 =	rddreg [dreg:$0x14];
	[sflag:s0] =	ssyncadd.s32 $0xFFFFD800  }
0xa5: {  	[tilespmem:s25], [sflag:$0x3] =	stream.indirect.gather [hbm4b:s4+s22], $0x80, s8, s22, $0xb8;
	[tilespmem:$0x1F880] =	vst v63  }
0xa6: {  	_ =	swait.ge [sflag:s7], $0x2800  }
0xa7: {  	[sflag:s7] =	ssyncset.done $0x0  }
0xa8: {  	s12 =	rddreg [dreg:$0x15];
	[sflag:s7] =	ssyncadd.s32 $0xFFFFD800  }
0xa9: {  	[spmem:s2] =	stream.indirect.scatter.add.f32 [tilespmem:s26], [sflag:$0x8], $0x80, s12, s22, $0xb8;
	[tilespmem:$0x1F880] =	vst v63  }
0xaa: {  	_ =	swait.ge [sflag:s9], $0x2800  }
0xab: {  	[sflag:s9] =	ssyncset.done $0x0  }
0xac: {  	s19 =	rddreg [dreg:$0x16];
	[sflag:s9] =	ssyncadd.s32 $0xFFFFD800  }
0xad: {  	[tilespmem:s26], [sflag:$0x4] =	stream.indirect.gather [hbm4b:s4+s22], $0x80, s19, s22, $0xb8;
	[tilespmem:$0x1F880] =	vst v63  }
0xae: {  	_ =	swait.ge [sflag:s28], $0x2800  }
0xaf: {  	[sflag:s28] =	ssyncset.done $0x0  }
0xb0: {  	s8 =	rddreg [dreg:$0x17];
	[sflag:s28] =	ssyncadd.s32 $0xFFFFD800  }
0xb1: {  	[spmem:s2] =	stream.indirect.scatter.add.f32 [tilespmem:s23], [sflag:$0x5], $0x80, s8, s22, $0xb8;
	[tilespmem:$0x1F880] =	vst v63  }
0xb2: {  	_ =	swait.ge [sflag:s29], $0x2800  }
0xb3: {  	[sflag:s29] =	ssyncset.done $0x0  }
0xb4: {  	s12 =	rddreg [dreg:$0x18];
	[sflag:s29] =	ssyncadd.s32 $0xFFFFD800  }
0xb5: {  	[tilespmem:s23], [sflag:$0x1] =	stream.indirect.gather [hbm4b:s4+s22], $0x80, s12, s22, $0xb8;
	[tilespmem:$0x1F880] =	vst v63  }
0xb6: {  	_ =	swait.ge [sflag:s30], $0x2800  }
0xb7: {  	[sflag:s30] =	ssyncset.done $0x0  }
0xb8: {  	s19 =	rddreg [dreg:$0x19];
	[sflag:s30] =	ssyncadd.s32 $0xFFFFD800  }
0xb9: {  	[spmem:s2] =	stream.indirect.scatter.add.f32 [tilespmem:s24], [sflag:$0x6], $0x80, s19, s22, $0xb8;
	[tilespmem:$0x1F880] =	vst v63  }
0xba: {  	_ =	swait.ge [sflag:s31], $0x2800  }
0xbb: {  	[sflag:s31] =	ssyncset.done $0x0  }
0xbc: {  	s8 =	rddreg [dreg:$0x1a];
	[sflag:s31] =	ssyncadd.s32 $0xFFFFD800  }
0xbd: {  	[tilespmem:s24], [sflag:$0x2] =	stream.indirect.gather [hbm4b:s4+s22], $0x80, s8, s22, $0xb8;
	[tilespmem:$0x1F880] =	vst v63  }
0xbe: {  	_ =	swait.ge [sflag:s1], $0x2800  }
0xbf: {  	[sflag:s1] =	ssyncset.done $0x0  }
0xc0: {  	s12 =	rddreg [dreg:$0x1b];
	[sflag:s1] =	ssyncadd.s32 $0xFFFFD800  }
0xc1: {  	[spmem:s2] =	stream.indirect.scatter.add.f32 [tilespmem:s25], [sflag:$0x7], $0x80, s12, s22, $0xb8;
	[tilespmem:$0x1F880] =	vst v63  }
0xc2: {  	_ =	swait.ge [sflag:s0], $0x2800  }
0xc3: {  	[sflag:s0] =	ssyncset.done $0x0  }
0xc4: {  	s19 =	rddreg [dreg:$0x1c];
	[sflag:s0] =	ssyncadd.s32 $0xFFFFD800  }
0xc5: {  	[tilespmem:s25], [sflag:$0x3] =	stream.indirect.gather [hbm4b:s4+s22], $0x80, s19, s22, $0xb8;
	[tilespmem:$0x1F880] =	vst v63  }
0xc6: {  	_ =	swait.ge [sflag:s7], $0x2800  }
0xc7: {  	[sflag:s7] =	ssyncset.done $0x0  }
0xc8: {  	s8 =	rddreg [dreg:$0x1d];
	[sflag:s7] =	ssyncadd.s32 $0xFFFFD800  }
0xc9: {  	[spmem:s2] =	stream.indirect.scatter.add.f32 [tilespmem:s26], [sflag:$0x8], $0x80, s8, s22, $0xb8;
	[tilespmem:$0x1F880] =	vst v63  }
0xca: {  	_ =	swait.ge [sflag:s9], $0x2800  }
0xcb: {  	[sflag:s9] =	ssyncset.done $0x0  }
0xcc: {  	s12 =	rddreg [dreg:$0x1e];
	[sflag:s9] =	ssyncadd.s32 $0xFFFFD800  }
0xcd: {  	[tilespmem:s26], [sflag:$0x4] =	stream.indirect.gather [hbm4b:s4+s22], $0x80, s12, s22, $0xb8;
	[tilespmem:$0x1F880] =	vst v63  }
0xce: {  	_ =	swait.ge [sflag:s28], $0x2800  }
0xcf: {  	[sflag:s28] =	ssyncset.done $0x0  }
0xd0: {  	s19 =	rddreg [dreg:$0x1f];
	[sflag:s28] =	ssyncadd.s32 $0xFFFFD800  }
0xd1: {  	[spmem:s2] =	stream.indirect.scatter.add.f32 [tilespmem:s23], [sflag:$0x5], $0x80, s19, s22, $0xb8;
	[tilespmem:$0x1F880] =	vst v63  }
0xd2: {  	_ =	swait.ge [sflag:s29], $0x2800  }
0xd3: {  	s8 =	sld [smem:$0x7ED]  }
0xd4: {  	[sflag:s29] =	ssyncset.done $0x0  }
0xd5: {  	[sflag:s29] =	ssyncadd.s32 $0xFFFFD800  }
0xd6: {  	[tilespmem:s23], [sflag:$0x1] =	stream.indirect.gather [hbm4b:s4+s22], $0x80, s8, s22, $0xb8;
	[tilespmem:$0x1F880] =	vst v63  }
0xd7: {  	_ =	swait.ge [sflag:s30], $0x2800  }
0xd8: {  	s12 =	sld [smem:$0x7EE]  }
0xd9: {  	[sflag:s30] =	ssyncset.done $0x0  }
0xda: {  	[sflag:s30] =	ssyncadd.s32 $0xFFFFD800  }
0xdb: {  	[spmem:s2] =	stream.indirect.scatter.add.f32 [tilespmem:s24], [sflag:$0x6], $0x80, s12, s22, $0xb8;
	[tilespmem:$0x1F880] =	vst v63  }
0xdc: {  	_ =	swait.ge [sflag:s31], $0x2800  }
0xdd: {  	s19 =	sld [smem:$0x7EF]  }
0xde: {  	[sflag:s31] =	ssyncset.done $0x0  }
0xdf: {  	[sflag:s31] =	ssyncadd.s32 $0xFFFFD800  }
0xe0: {  	[tilespmem:s24], [sflag:$0x2] =	stream.indirect.gather [hbm4b:s4+s22], $0x80, s19, s22, $0xb8;
	[tilespmem:$0x1F880] =	vst v63  }
0xe1: {  	_ =	swait.ge [sflag:s1], $0x2800  }
0xe2: {  	s8 =	sld [smem:$0x7F2]  }
0xe3: {  	[sflag:s1] =	ssyncset.done $0x0  }
0xe4: {  	[sflag:s1] =	ssyncadd.s32 $0xFFFFD800  }
0xe5: {  	[spmem:s2] =	stream.indirect.scatter.add.f32 [tilespmem:s25], [sflag:$0x7], $0x80, s8, s22, $0xb8;
	[tilespmem:$0x1F880] =	vst v63  }
0xe6: {  	_ =	swait.ge [sflag:s0], $0x2800  }
0xe7: {  	s12 =	sld [smem:$0x7F3]  }
0xe8: {  	[sflag:s0] =	ssyncset.done $0x0  }
0xe9: {  	[sflag:s0] =	ssyncadd.s32 $0xFFFFD800  }
0xea: {  	[tilespmem:s25], [sflag:$0x3] =	stream.indirect.gather [hbm4b:s4+s22], $0x80, s12, s22, $0xb8;
	[tilespmem:$0x1F880] =	vst v63  }
0xeb: {  	_ =	swait.ge [sflag:s7], $0x2800  }
0xec: {  	s19 =	sld [smem:$0x7F4]  }
0xed: {  	[sflag:s7] =	ssyncset.done $0x0  }
0xee: {  	[sflag:s7] =	ssyncadd.s32 $0xFFFFD800  }
0xef: {  	[spmem:s2] =	stream.indirect.scatter.add.f32 [tilespmem:s26], [sflag:$0x8], $0x80, s19, s22, $0xb8;
	[tilespmem:$0x1F880] =	vst v63  }
0xf0: {  	_ =	swait.ge [sflag:s9], $0x2800  }
0xf1: {  	s8 =	sld [smem:$0x7F6]  }
0xf2: {  	[sflag:s9] =	ssyncset.done $0x0  }
0xf3: {  	[sflag:s9] =	ssyncadd.s32 $0xFFFFD800  }
0xf4: {  	[tilespmem:s26], [sflag:$0x4] =	stream.indirect.gather [hbm4b:s4+s22], $0x80, s8, s22, $0xb8;
	[tilespmem:$0x1F880] =	vst v63  }
0xf5: {  	_ =	swait.ge [sflag:s28], $0x2800  }
0xf6: {  	s12 =	sld [smem:$0x7F9]  }
0xf7: {  	[sflag:s28] =	ssyncset.done $0x0  }
0xf8: {  	[sflag:s28] =	ssyncadd.s32 $0xFFFFD800  }
0xf9: {  	[spmem:s2] =	stream.indirect.scatter.add.f32 [tilespmem:s23], [sflag:$0x5], $0x80, s12, s22, $0xb8;
	[tilespmem:$0x1F880] =	vst v63  }
0xfa: {  	_ =	swait.ge [sflag:s29], $0x2800  }
0xfb: {  	s19 =	sld [smem:$0x7FA]  }
0xfc: {  	[sflag:s29] =	ssyncset.done $0x0  }
0xfd: {  	[sflag:s29] =	ssyncadd.s32 $0xFFFFD800  }
0xfe: {  	[tilespmem:s23], [sflag:$0x1] =	stream.indirect.gather [hbm4b:s4+s22], $0x80, s19, s22, $0xb8;
	[tilespmem:$0x1F880] =	vst v63  }
0xff: {  	_ =	swait.ge [sflag:s30], $0x2800  }
0x100: {  	s8 =	sld [smem:$0x7FB]  }
0x101: {  	[sflag:s30] =	ssyncset.done $0x0  }
0x102: {  	[sflag:s30] =	ssyncadd.s32 $0xFFFFD800  }
0x103: {  	[spmem:s2] =	stream.indirect.scatter.add.f32 [tilespmem:s24], [sflag:$0x6], $0x80, s8, s22, $0xb8;
	[tilespmem:$0x1F880] =	vst v63  }
0x104: {  	_ =	swait.ge [sflag:s31], $0x2800  }
0x105: {  	s12 =	sld [smem:$0x7FC]  }
0x106: {  	[sflag:s31] =	ssyncset.done $0x0  }
0x107: {  	[sflag:s31] =	ssyncadd.s32 $0xFFFFD800  }
0x108: {  	[tilespmem:s24], [sflag:$0x2] =	stream.indirect.gather [hbm4b:s4+s22], $0x80, s12, s22, $0xb8;
	[tilespmem:$0x1F880] =	vst v63  }
0x109: {  	_ =	swait.ge [sflag:s1], $0x2800  }
0x10a: {  	s19 =	sld [smem:$0x7FD]  }
0x10b: {  	[sflag:s1] =	ssyncset.done $0x0  }
0x10c: {  	[sflag:s1] =	ssyncadd.s32 $0xFFFFD800  }
0x10d: {  	[spmem:s2] =	stream.indirect.scatter.add.f32 [tilespmem:s25], [sflag:$0x7], $0x80, s19, s22, $0xb8;
	[tilespmem:$0x1F880] =	vst v63  }
0x10e: {  	_ =	swait.ge [sflag:s0], $0x2800  }
0x10f: {  	[sflag:s0] =	ssyncset.done $0x0  }
0x110: {  	[sflag:s0] =	ssyncadd.s32 $0xFFFFD800  }
0x111: {  	[tilespmem:s25], [sflag:$0x3] =	stream.indirect.gather [hbm4b:s4+s22], $0x80, s10, s22, $0xb8;
	[tilespmem:$0x1F880] =	vst v63  }
0x112: {  	_ =	swait.ge [sflag:s7], $0x2800  }
0x113: {  	[sflag:s7] =	ssyncset.done $0x0  }
0x114: {  	[sflag:s7] =	ssyncadd.s32 $0xFFFFD800  }
0x115: {  	[spmem:s2] =	stream.indirect.scatter.add.f32 [tilespmem:s26], [sflag:$0x8], $0x80, s11, s22, $0xb8;
	[tilespmem:$0x1F880] =	vst v63  }
0x116: {  	_ =	swait.ge [sflag:s9], $0x2800  }
0x117: {  	[sflag:s9] =	ssyncset.done $0x0  }
0x118: {  	[sflag:s9] =	ssyncadd.s32 $0xFFFFD800  }
0x119: {  	[tilespmem:s26], [sflag:$0x4] =	stream.indirect.gather [hbm4b:s4+s22], $0x80, s13, s22, $0xb8;
	[tilespmem:$0x1F880] =	vst v63  }
0x11a: {  	_ =	swait.ge [sflag:s28], $0x2800  }
0x11b: {  	[sflag:s28] =	ssyncset.done $0x0  }
0x11c: {  	[sflag:s28] =	ssyncadd.s32 $0xFFFFD800  }
0x11d: {  	[spmem:s2] =	stream.indirect.scatter.add.f32 [tilespmem:s23], [sflag:$0x5], $0x80, s14, s22, $0xb8;
	[tilespmem:$0x1F880] =	vst v63  }
0x11e: {  	_ =	swait.ge [sflag:s29], $0x2800  }
0x11f: {  	[sflag:s29] =	ssyncset.done $0x0  }
0x120: {  	[sflag:s29] =	ssyncadd.s32 $0xFFFFD800  }
0x121: {  	[tilespmem:s23], [sflag:$0x1] =	stream.indirect.gather [hbm4b:s4+s22], $0x80, s15, s22, $0xb8;
	[tilespmem:$0x1F880] =	vst v63  }
0x122: {  	_ =	swait.ge [sflag:s30], $0x2800  }
0x123: {  	[sflag:s30] =	ssyncset.done $0x0  }
0x124: {  	[sflag:s30] =	ssyncadd.s32 $0xFFFFD800  }
0x125: {  	[spmem:s2] =	stream.indirect.scatter.add.f32 [tilespmem:s24], [sflag:$0x6], $0x80, s5, s22, $0xb8;
	[tilespmem:$0x1F880] =	vst v63  }
0x126: {  	_ =	swait.ge [sflag:s1], $0x2800  }
0x127: {  	[sflag:s1] =	ssyncset.done $0x0  }
0x128: {  	[sflag:s1] =	ssyncadd.s32 $0xFFFFD800  }
0x129: {  	[spmem:s2] =	stream.indirect.scatter.add.f32 [tilespmem:s25], [sflag:$0x7], $0x80, s16, s22, $0xb8;
	[tilespmem:$0x1F880] =	vst v63  }
0x12a: {  	_ =	swait.ge [sflag:s7], $0x2800  }
0x12b: {  	[sflag:s7] =	ssyncset.done $0x0  }
0x12c: {  	[sflag:s7] =	ssyncadd.s32 $0xFFFFD800  }
0x12d: {  	[spmem:s2] =	stream.indirect.scatter.add.f32 [tilespmem:s26], [sflag:$0x8], $0x80, s17, s22, $0xb8;
	[tilespmem:$0x1F880] =	vst v63  }
0x12e: {  	_ =	swait.ge [sflag:s28], $0x2800  }
0x12f: {  	[sflag:s28] =	ssyncset.done $0x0  }
0x130: {  	[sflag:s28] =	ssyncadd.s32 $0xFFFFD800  }
0x131: {  	[spmem:s2] =	stream.indirect.scatter.add.f32 [tilespmem:s23], [sflag:$0x5], $0x80, s18, s22, $0xb8;
	[tilespmem:$0x1F880] =	vst v63  }
0x132: {  	_ =	swait.ge [sflag:s29], $0x2800  }
0x133: {  	[sflag:s29] =	ssyncset.done $0x0  }
0x134: {  	[sflag:s29] =	ssyncadd.s32 $0xFFFFD800  }
0x135: {  	_ =	swait.ge [sflag:s31], $0x2800  }
0x136: {  	[sflag:s31] =	ssyncset.done $0x0  }
0x137: {  	[sflag:s31] =	ssyncadd.s32 $0xFFFFD800  }
0x138: {  	_ =	swait.ge [sflag:s0], $0x2800  }
0x139: {  	[sflag:s0] =	ssyncset.done $0x0  }
0x13a: {  	[sflag:s0] =	ssyncadd.s32 $0xFFFFD800  }
0x13b: {  	s6 =	simm.s32 $0x200;
	_ =	swait.ge [sflag:s9], $0x2800  }
0x13c: {  	s8 =	simm.s32 $0x400;
	s12 =	rddreg [dreg:$0x4];
	[sflag:s9] =	ssyncset.done $0x0  }
.LBB2_2:
0x13d: {  	[sflag:s9] =	ssyncadd.s32 $0xFFFFD800;
	s12 =	sadd.s32 s6, s12  }
0x13e: {  	[tilespmem:s3], [sflag:$0x9] =	stream.linear.gather [hbm4b:s12+s3], $0xC80, $0x38;
	[tilespmem:$0x1F880] =	vst v63  }
0x13f: {  	_ =	swait.ge [sflag:s20], $0xC80  }
0x140: {  	s12 =	rddreg [dreg:$0x3];
	[sflag:s20] =	ssyncset.done $0x0  }
0x141: {  	[sflag:s20] =	ssyncadd.s32 $0xFFFFF380;
	s12 =	sadd.s32 s6, s12  }
0x142: {  	[tilespmem:s21], [sflag:$0x9] =	stream.linear.gather [hbm4b:s12+s3], $0xC80, $0x38;
	[tilespmem:$0x1F880] =	vst v63  }
0x143: {  	_ =	swait.ge [sflag:s20], $0xC80  }
0x144: {  	[sflag:s20] =	ssyncset.done $0x0  }
0x145: {  	[sflag:s20] =	ssyncadd.s32 $0xFFFFF380  }
0x146: {  	[tilespmem:s23], [sflag:$0x1] =	stream.indirect.gather [hbm4b:s4+s22], $0x80, s3, s22, $0xb8;
	[tilespmem:$0x1F880] =	vst v63  }
0x147: {  	s19 =	smov.u32 s8;
	s12 =	rddreg [dreg:$0x5]  }
0x148: {  	[tilespmem:s24], [sflag:$0x2] =	stream.indirect.gather [hbm4b:s4+s22], $0x80, s12, s22, $0xb8;
	[tilespmem:$0x1F880] =	vst v63  }
0x149: {  	s6 =	smov.u32 s19;
	s19 =	rddreg [dreg:$0x6]  }
0x14a: {  	[tilespmem:s25], [sflag:$0x3] =	stream.indirect.gather [hbm4b:s4+s22], $0x80, s19, s22, $0xb8;
	[tilespmem:$0x1F880] =	vst v63  }
0x14b: {  	s12 =	rddreg [dreg:$0x7]  }
0x14c: {  	[tilespmem:s26], [sflag:$0x4] =	stream.indirect.gather [hbm4b:s4+s22], $0x80, s12, s22, $0xb8;
	[tilespmem:$0x1F880] =	vst v63  }
0x14d: {  	_ =	swait.ge [sflag:s28], $0x2800  }
0x14e: {  	[sflag:s28] =	ssyncset.done $0x0  }
0x14f: {  	[sflag:s28] =	ssyncadd.s32 $0xFFFFD800  }
0x150: {  	[spmem:s2] =	stream.indirect.scatter.add.f32 [tilespmem:s23], [sflag:$0x5], $0x80, s21, s22, $0xb8;
	[tilespmem:$0x1F880] =	vst v63  }
0x151: {  	_ =	swait.ge [sflag:s29], $0x2800  }
0x152: {  	[sflag:s29] =	ssyncset.done $0x0  }
0x153: {  	s19 =	rddreg [dreg:$0x8];
	[sflag:s29] =	ssyncadd.s32 $0xFFFFD800  }
0x154: {  	[tilespmem:s23], [sflag:$0x1] =	stream.indirect.gather [hbm4b:s4+s22], $0x80, s19, s22, $0xb8;
	[tilespmem:$0x1F880] =	vst v63  }
0x155: {  	_ =	swait.ge [sflag:s30], $0x2800  }
0x156: {  	[sflag:s30] =	ssyncset.done $0x0  }
0x157: {  	s19 =	rddreg [dreg:$0x9];
	[sflag:s30] =	ssyncadd.s32 $0xFFFFD800  }
0x158: {  	[spmem:s2] =	stream.indirect.scatter.add.f32 [tilespmem:s24], [sflag:$0x6], $0x80, s19, s22, $0xb8;
	[tilespmem:$0x1F880] =	vst v63  }
0x159: {  	_ =	swait.ge [sflag:s31], $0x2800  }
0x15a: {  	[sflag:s31] =	ssyncset.done $0x0  }
0x15b: {  	s19 =	rddreg [dreg:$0xa];
	[sflag:s31] =	ssyncadd.s32 $0xFFFFD800  }
0x15c: {  	[tilespmem:s24], [sflag:$0x2] =	stream.indirect.gather [hbm4b:s4+s22], $0x80, s19, s22, $0xb8;
	[tilespmem:$0x1F880] =	vst v63  }
0x15d: {  	_ =	swait.ge [sflag:s1], $0x2800  }
0x15e: {  	[sflag:s1] =	ssyncset.done $0x0  }
0x15f: {  	s19 =	rddreg [dreg:$0xb];
	[sflag:s1] =	ssyncadd.s32 $0xFFFFD800  }
0x160: {  	[spmem:s2] =	stream.indirect.scatter.add.f32 [tilespmem:s25], [sflag:$0x7], $0x80, s19, s22, $0xb8;
	[tilespmem:$0x1F880] =	vst v63  }
0x161: {  	_ =	swait.ge [sflag:s0], $0x2800  }
0x162: {  	[sflag:s0] =	ssyncset.done $0x0  }
0x163: {  	s19 =	rddreg [dreg:$0xc];
	[sflag:s0] =	ssyncadd.s32 $0xFFFFD800  }
0x164: {  	[tilespmem:s25], [sflag:$0x3] =	stream.indirect.gather [hbm4b:s4+s22], $0x80, s19, s22, $0xb8;
	[tilespmem:$0x1F880] =	vst v63  }
0x165: {  	_ =	swait.ge [sflag:s7], $0x2800  }
0x166: {  	[sflag:s7] =	ssyncset.done $0x0  }
0x167: {  	s19 =	rddreg [dreg:$0xd];
	[sflag:s7] =	ssyncadd.s32 $0xFFFFD800  }
0x168: {  	[spmem:s2] =	stream.indirect.scatter.add.f32 [tilespmem:s26], [sflag:$0x8], $0x80, s19, s22, $0xb8;
	[tilespmem:$0x1F880] =	vst v63  }
0x169: {  	_ =	swait.ge [sflag:s9], $0x2800  }
0x16a: {  	[sflag:s9] =	ssyncset.done $0x0  }
0x16b: {  	s19 =	rddreg [dreg:$0xe];
	[sflag:s9] =	ssyncadd.s32 $0xFFFFD800  }
0x16c: {  	[tilespmem:s26], [sflag:$0x4] =	stream.indirect.gather [hbm4b:s4+s22], $0x80, s19, s22, $0xb8;
	[tilespmem:$0x1F880] =	vst v63  }
0x16d: {  	_ =	swait.ge [sflag:s28], $0x2800  }
0x16e: {  	[sflag:s28] =	ssyncset.done $0x0  }
0x16f: {  	s19 =	rddreg [dreg:$0xf];
	[sflag:s28] =	ssyncadd.s32 $0xFFFFD800  }
0x170: {  	[spmem:s2] =	stream.indirect.scatter.add.f32 [tilespmem:s23], [sflag:$0x5], $0x80, s19, s22, $0xb8;
	[tilespmem:$0x1F880] =	vst v63  }
0x171: {  	_ =	swait.ge [sflag:s29], $0x2800  }
0x172: {  	[sflag:s29] =	ssyncset.done $0x0  }
0x173: {  	s19 =	rddreg [dreg:$0x10];
	[sflag:s29] =	ssyncadd.s32 $0xFFFFD800  }
0x174: {  	[tilespmem:s23], [sflag:$0x1] =	stream.indirect.gather [hbm4b:s4+s22], $0x80, s19, s22, $0xb8;
	[tilespmem:$0x1F880] =	vst v63  }
0x175: {  	_ =	swait.ge [sflag:s30], $0x2800  }
0x176: {  	[sflag:s30] =	ssyncset.done $0x0  }
0x177: {  	s19 =	rddreg [dreg:$0x11];
	[sflag:s30] =	ssyncadd.s32 $0xFFFFD800  }
0x178: {  	[spmem:s2] =	stream.indirect.scatter.add.f32 [tilespmem:s24], [sflag:$0x6], $0x80, s19, s22, $0xb8;
	[tilespmem:$0x1F880] =	vst v63  }
0x179: {  	_ =	swait.ge [sflag:s31], $0x2800  }
0x17a: {  	[sflag:s31] =	ssyncset.done $0x0  }
0x17b: {  	s19 =	rddreg [dreg:$0x12];
	[sflag:s31] =	ssyncadd.s32 $0xFFFFD800  }
0x17c: {  	[tilespmem:s24], [sflag:$0x2] =	stream.indirect.gather [hbm4b:s4+s22], $0x80, s19, s22, $0xb8;
	[tilespmem:$0x1F880] =	vst v63  }
0x17d: {  	_ =	swait.ge [sflag:s1], $0x2800  }
0x17e: {  	[sflag:s1] =	ssyncset.done $0x0  }
0x17f: {  	s19 =	rddreg [dreg:$0x13];
	[sflag:s1] =	ssyncadd.s32 $0xFFFFD800  }
0x180: {  	[spmem:s2] =	stream.indirect.scatter.add.f32 [tilespmem:s25], [sflag:$0x7], $0x80, s19, s22, $0xb8;
	[tilespmem:$0x1F880] =	vst v63  }
0x181: {  	_ =	swait.ge [sflag:s0], $0x2800  }
0x182: {  	[sflag:s0] =	ssyncset.done $0x0  }
0x183: {  	s19 =	rddreg [dreg:$0x14];
	[sflag:s0] =	ssyncadd.s32 $0xFFFFD800  }
0x184: {  	[tilespmem:s25], [sflag:$0x3] =	stream.indirect.gather [hbm4b:s4+s22], $0x80, s19, s22, $0xb8;
	[tilespmem:$0x1F880] =	vst v63  }
0x185: {  	_ =	swait.ge [sflag:s7], $0x2800  }
0x186: {  	[sflag:s7] =	ssyncset.done $0x0  }
0x187: {  	s19 =	rddreg [dreg:$0x15];
	[sflag:s7] =	ssyncadd.s32 $0xFFFFD800  }
0x188: {  	[spmem:s2] =	stream.indirect.scatter.add.f32 [tilespmem:s26], [sflag:$0x8], $0x80, s19, s22, $0xb8;
	[tilespmem:$0x1F880] =	vst v63  }
0x189: {  	_ =	swait.ge [sflag:s9], $0x2800  }
0x18a: {  	[sflag:s9] =	ssyncset.done $0x0  }
0x18b: {  	s19 =	rddreg [dreg:$0x16];
	[sflag:s9] =	ssyncadd.s32 $0xFFFFD800  }
0x18c: {  	[tilespmem:s26], [sflag:$0x4] =	stream.indirect.gather [hbm4b:s4+s22], $0x80, s19, s22, $0xb8;
	[tilespmem:$0x1F880] =	vst v63  }
0x18d: {  	_ =	swait.ge [sflag:s28], $0x2800  }
0x18e: {  	[sflag:s28] =	ssyncset.done $0x0  }
0x18f: {  	s19 =	rddreg [dreg:$0x17];
	[sflag:s28] =	ssyncadd.s32 $0xFFFFD800  }
0x190: {  	[spmem:s2] =	stream.indirect.scatter.add.f32 [tilespmem:s23], [sflag:$0x5], $0x80, s19, s22, $0xb8;
	[tilespmem:$0x1F880] =	vst v63  }
0x191: {  	_ =	swait.ge [sflag:s29], $0x2800  }
0x192: {  	[sflag:s29] =	ssyncset.done $0x0  }
0x193: {  	s19 =	rddreg [dreg:$0x18];
	[sflag:s29] =	ssyncadd.s32 $0xFFFFD800  }
0x194: {  	[tilespmem:s23], [sflag:$0x1] =	stream.indirect.gather [hbm4b:s4+s22], $0x80, s19, s22, $0xb8;
	[tilespmem:$0x1F880] =	vst v63  }
0x195: {  	_ =	swait.ge [sflag:s30], $0x2800  }
0x196: {  	[sflag:s30] =	ssyncset.done $0x0  }
0x197: {  	s19 =	rddreg [dreg:$0x19];
	[sflag:s30] =	ssyncadd.s32 $0xFFFFD800  }
0x198: {  	[spmem:s2] =	stream.indirect.scatter.add.f32 [tilespmem:s24], [sflag:$0x6], $0x80, s19, s22, $0xb8;
	[tilespmem:$0x1F880] =	vst v63  }
0x199: {  	_ =	swait.ge [sflag:s31], $0x2800  }
0x19a: {  	[sflag:s31] =	ssyncset.done $0x0  }
0x19b: {  	s19 =	rddreg [dreg:$0x1a];
	[sflag:s31] =	ssyncadd.s32 $0xFFFFD800  }
0x19c: {  	[tilespmem:s24], [sflag:$0x2] =	stream.indirect.gather [hbm4b:s4+s22], $0x80, s19, s22, $0xb8;
	[tilespmem:$0x1F880] =	vst v63  }
0x19d: {  	_ =	swait.ge [sflag:s1], $0x2800  }
0x19e: {  	[sflag:s1] =	ssyncset.done $0x0  }
0x19f: {  	s19 =	rddreg [dreg:$0x1b];
	[sflag:s1] =	ssyncadd.s32 $0xFFFFD800  }
0x1a0: {  	[spmem:s2] =	stream.indirect.scatter.add.f32 [tilespmem:s25], [sflag:$0x7], $0x80, s19, s22, $0xb8;
	[tilespmem:$0x1F880] =	vst v63  }
0x1a1: {  	_ =	swait.ge [sflag:s0], $0x2800  }
0x1a2: {  	[sflag:s0] =	ssyncset.done $0x0  }
0x1a3: {  	s19 =	rddreg [dreg:$0x1c];
	[sflag:s0] =	ssyncadd.s32 $0xFFFFD800  }
0x1a4: {  	[tilespmem:s25], [sflag:$0x3] =	stream.indirect.gather [hbm4b:s4+s22], $0x80, s19, s22, $0xb8;
	[tilespmem:$0x1F880] =	vst v63  }
0x1a5: {  	_ =	swait.ge [sflag:s7], $0x2800  }
0x1a6: {  	[sflag:s7] =	ssyncset.done $0x0  }
0x1a7: {  	s19 =	rddreg [dreg:$0x1d];
	[sflag:s7] =	ssyncadd.s32 $0xFFFFD800  }
0x1a8: {  	[spmem:s2] =	stream.indirect.scatter.add.f32 [tilespmem:s26], [sflag:$0x8], $0x80, s19, s22, $0xb8;
	[tilespmem:$0x1F880] =	vst v63  }
0x1a9: {  	_ =	swait.ge [sflag:s9], $0x2800  }
0x1aa: {  	[sflag:s9] =	ssyncset.done $0x0  }
0x1ab: {  	s19 =	rddreg [dreg:$0x1e];
	[sflag:s9] =	ssyncadd.s32 $0xFFFFD800  }
0x1ac: {  	[tilespmem:s26], [sflag:$0x4] =	stream.indirect.gather [hbm4b:s4+s22], $0x80, s19, s22, $0xb8;
	[tilespmem:$0x1F880] =	vst v63  }
0x1ad: {  	_ =	swait.ge [sflag:s28], $0x2800  }
0x1ae: {  	[sflag:s28] =	ssyncset.done $0x0  }
0x1af: {  	s19 =	rddreg [dreg:$0x1f];
	[sflag:s28] =	ssyncadd.s32 $0xFFFFD800  }
0x1b0: {  	[spmem:s2] =	stream.indirect.scatter.add.f32 [tilespmem:s23], [sflag:$0x5], $0x80, s19, s22, $0xb8;
	[tilespmem:$0x1F880] =	vst v63  }
0x1b1: {  	_ =	swait.ge [sflag:s29], $0x2800  }
0x1b2: {  	s19 =	sld [smem:$0x7ED]  }
0x1b3: {  	[sflag:s29] =	ssyncset.done $0x0  }
0x1b4: {  	[sflag:s29] =	ssyncadd.s32 $0xFFFFD800  }
0x1b5: {  	[tilespmem:s23], [sflag:$0x1] =	stream.indirect.gather [hbm4b:s4+s22], $0x80, s19, s22, $0xb8;
	[tilespmem:$0x1F880] =	vst v63  }
0x1b6: {  	_ =	swait.ge [sflag:s30], $0x2800  }
0x1b7: {  	s19 =	sld [smem:$0x7EE]  }
0x1b8: {  	[sflag:s30] =	ssyncset.done $0x0  }
0x1b9: {  	[sflag:s30] =	ssyncadd.s32 $0xFFFFD800  }
0x1ba: {  	[spmem:s2] =	stream.indirect.scatter.add.f32 [tilespmem:s24], [sflag:$0x6], $0x80, s19, s22, $0xb8;
	[tilespmem:$0x1F880] =	vst v63  }
0x1bb: {  	_ =	swait.ge [sflag:s31], $0x2800  }
0x1bc: {  	s19 =	sld [smem:$0x7EF]  }
0x1bd: {  	[sflag:s31] =	ssyncset.done $0x0  }
0x1be: {  	[sflag:s31] =	ssyncadd.s32 $0xFFFFD800  }
0x1bf: {  	[tilespmem:s24], [sflag:$0x2] =	stream.indirect.gather [hbm4b:s4+s22], $0x80, s19, s22, $0xb8;
	[tilespmem:$0x1F880] =	vst v63  }
0x1c0: {  	_ =	swait.ge [sflag:s1], $0x2800  }
0x1c1: {  	s19 =	sld [smem:$0x7F2]  }
0x1c2: {  	[sflag:s1] =	ssyncset.done $0x0  }
0x1c3: {  	[sflag:s1] =	ssyncadd.s32 $0xFFFFD800  }
0x1c4: {  	[spmem:s2] =	stream.indirect.scatter.add.f32 [tilespmem:s25], [sflag:$0x7], $0x80, s19, s22, $0xb8;
	[tilespmem:$0x1F880] =	vst v63  }
0x1c5: {  	_ =	swait.ge [sflag:s0], $0x2800  }
0x1c6: {  	s19 =	sld [smem:$0x7F3]  }
0x1c7: {  	[sflag:s0] =	ssyncset.done $0x0  }
0x1c8: {  	[sflag:s0] =	ssyncadd.s32 $0xFFFFD800  }
0x1c9: {  	[tilespmem:s25], [sflag:$0x3] =	stream.indirect.gather [hbm4b:s4+s22], $0x80, s19, s22, $0xb8;
	[tilespmem:$0x1F880] =	vst v63  }
0x1ca: {  	_ =	swait.ge [sflag:s7], $0x2800  }
0x1cb: {  	s19 =	sld [smem:$0x7F4]  }
0x1cc: {  	[sflag:s7] =	ssyncset.done $0x0  }
0x1cd: {  	[sflag:s7] =	ssyncadd.s32 $0xFFFFD800  }
0x1ce: {  	[spmem:s2] =	stream.indirect.scatter.add.f32 [tilespmem:s26], [sflag:$0x8], $0x80, s19, s22, $0xb8;
	[tilespmem:$0x1F880] =	vst v63  }
0x1cf: {  	_ =	swait.ge [sflag:s9], $0x2800  }
0x1d0: {  	s19 =	sld [smem:$0x7F6]  }
0x1d1: {  	[sflag:s9] =	ssyncset.done $0x0  }
0x1d2: {  	[sflag:s9] =	ssyncadd.s32 $0xFFFFD800  }
0x1d3: {  	[tilespmem:s26], [sflag:$0x4] =	stream.indirect.gather [hbm4b:s4+s22], $0x80, s19, s22, $0xb8;
	[tilespmem:$0x1F880] =	vst v63  }
0x1d4: {  	_ =	swait.ge [sflag:s28], $0x2800  }
0x1d5: {  	s19 =	sld [smem:$0x7F9]  }
0x1d6: {  	[sflag:s28] =	ssyncset.done $0x0  }
0x1d7: {  	[sflag:s28] =	ssyncadd.s32 $0xFFFFD800  }
0x1d8: {  	[spmem:s2] =	stream.indirect.scatter.add.f32 [tilespmem:s23], [sflag:$0x5], $0x80, s19, s22, $0xb8;
	[tilespmem:$0x1F880] =	vst v63  }
0x1d9: {  	_ =	swait.ge [sflag:s29], $0x2800  }
0x1da: {  	s19 =	sld [smem:$0x7FA]  }
0x1db: {  	[sflag:s29] =	ssyncset.done $0x0  }
0x1dc: {  	[sflag:s29] =	ssyncadd.s32 $0xFFFFD800  }
0x1dd: {  	[tilespmem:s23], [sflag:$0x1] =	stream.indirect.gather [hbm4b:s4+s22], $0x80, s19, s22, $0xb8;
	[tilespmem:$0x1F880] =	vst v63  }
0x1de: {  	_ =	swait.ge [sflag:s30], $0x2800  }
0x1df: {  	s19 =	sld [smem:$0x7FB]  }
0x1e0: {  	[sflag:s30] =	ssyncset.done $0x0  }
0x1e1: {  	[sflag:s30] =	ssyncadd.s32 $0xFFFFD800  }
0x1e2: {  	[spmem:s2] =	stream.indirect.scatter.add.f32 [tilespmem:s24], [sflag:$0x6], $0x80, s19, s22, $0xb8;
	[tilespmem:$0x1F880] =	vst v63  }
0x1e3: {  	_ =	swait.ge [sflag:s31], $0x2800  }
0x1e4: {  	s19 =	sld [smem:$0x7FC]  }
0x1e5: {  	[sflag:s31] =	ssyncset.done $0x0  }
0x1e6: {  	[sflag:s31] =	ssyncadd.s32 $0xFFFFD800  }
0x1e7: {  	[tilespmem:s24], [sflag:$0x2] =	stream.indirect.gather [hbm4b:s4+s22], $0x80, s19, s22, $0xb8;
	[tilespmem:$0x1F880] =	vst v63  }
0x1e8: {  	_ =	swait.ge [sflag:s1], $0x2800  }
0x1e9: {  	s19 =	sld [smem:$0x7FD]  }
0x1ea: {  	[sflag:s1] =	ssyncset.done $0x0  }
0x1eb: {  	[sflag:s1] =	ssyncadd.s32 $0xFFFFD800  }
0x1ec: {  	[spmem:s2] =	stream.indirect.scatter.add.f32 [tilespmem:s25], [sflag:$0x7], $0x80, s19, s22, $0xb8;
	[tilespmem:$0x1F880] =	vst v63  }
0x1ed: {  	_ =	swait.ge [sflag:s0], $0x2800  }
0x1ee: {  	[sflag:s0] =	ssyncset.done $0x0  }
0x1ef: {  	[sflag:s0] =	ssyncadd.s32 $0xFFFFD800  }
0x1f0: {  	[tilespmem:s25], [sflag:$0x3] =	stream.indirect.gather [hbm4b:s4+s22], $0x80, s10, s22, $0xb8;
	[tilespmem:$0x1F880] =	vst v63  }
0x1f1: {  	_ =	swait.ge [sflag:s7], $0x2800  }
0x1f2: {  	[sflag:s7] =	ssyncset.done $0x0  }
0x1f3: {  	[sflag:s7] =	ssyncadd.s32 $0xFFFFD800  }
0x1f4: {  	[spmem:s2] =	stream.indirect.scatter.add.f32 [tilespmem:s26], [sflag:$0x8], $0x80, s11, s22, $0xb8;
	[tilespmem:$0x1F880] =	vst v63  }
0x1f5: {  	_ =	swait.ge [sflag:s9], $0x2800  }
0x1f6: {  	[sflag:s9] =	ssyncset.done $0x0  }
0x1f7: {  	[sflag:s9] =	ssyncadd.s32 $0xFFFFD800  }
0x1f8: {  	[tilespmem:s26], [sflag:$0x4] =	stream.indirect.gather [hbm4b:s4+s22], $0x80, s13, s22, $0xb8;
	[tilespmem:$0x1F880] =	vst v63  }
0x1f9: {  	_ =	swait.ge [sflag:s28], $0x2800  }
0x1fa: {  	[sflag:s28] =	ssyncset.done $0x0  }
0x1fb: {  	[sflag:s28] =	ssyncadd.s32 $0xFFFFD800  }
0x1fc: {  	[spmem:s2] =	stream.indirect.scatter.add.f32 [tilespmem:s23], [sflag:$0x5], $0x80, s14, s22, $0xb8;
	[tilespmem:$0x1F880] =	vst v63  }
0x1fd: {  	_ =	swait.ge [sflag:s29], $0x2800  }
0x1fe: {  	[sflag:s29] =	ssyncset.done $0x0  }
0x1ff: {  	[sflag:s29] =	ssyncadd.s32 $0xFFFFD800  }
0x200: {  	[tilespmem:s23], [sflag:$0x1] =	stream.indirect.gather [hbm4b:s4+s22], $0x80, s15, s22, $0xb8;
	[tilespmem:$0x1F880] =	vst v63  }
0x201: {  	_ =	swait.ge [sflag:s30], $0x2800  }
0x202: {  	[sflag:s30] =	ssyncset.done $0x0  }
0x203: {  	[sflag:s30] =	ssyncadd.s32 $0xFFFFD800  }
0x204: {  	[spmem:s2] =	stream.indirect.scatter.add.f32 [tilespmem:s24], [sflag:$0x6], $0x80, s5, s22, $0xb8;
	[tilespmem:$0x1F880] =	vst v63  }
0x205: {  	_ =	swait.ge [sflag:s1], $0x2800  }
0x206: {  	[sflag:s1] =	ssyncset.done $0x0  }
0x207: {  	[sflag:s1] =	ssyncadd.s32 $0xFFFFD800  }
0x208: {  	[spmem:s2] =	stream.indirect.scatter.add.f32 [tilespmem:s25], [sflag:$0x7], $0x80, s16, s22, $0xb8;
	[tilespmem:$0x1F880] =	vst v63  }
0x209: {  	_ =	swait.ge [sflag:s7], $0x2800  }
0x20a: {  	[sflag:s7] =	ssyncset.done $0x0  }
0x20b: {  	[sflag:s7] =	ssyncadd.s32 $0xFFFFD800  }
0x20c: {  	[spmem:s2] =	stream.indirect.scatter.add.f32 [tilespmem:s26], [sflag:$0x8], $0x80, s17, s22, $0xb8;
	[tilespmem:$0x1F880] =	vst v63  }
0x20d: {  	_ =	swait.ge [sflag:s28], $0x2800  }
0x20e: {  	[sflag:s28] =	ssyncset.done $0x0  }
0x20f: {  	[sflag:s28] =	ssyncadd.s32 $0xFFFFD800  }
0x210: {  	[spmem:s2] =	stream.indirect.scatter.add.f32 [tilespmem:s23], [sflag:$0x5], $0x80, s18, s22, $0xb8;
	[tilespmem:$0x1F880] =	vst v63  }
0x211: {  	_ =	swait.ge [sflag:s29], $0x2800  }
0x212: {  	[sflag:s29] =	ssyncset.done $0x0  }
0x213: {  	[sflag:s29] =	ssyncadd.s32 $0xFFFFD800  }
0x214: {  	_ =	swait.ge [sflag:s31], $0x2800  }
0x215: {  	[sflag:s31] =	ssyncset.done $0x0  }
0x216: {  	p5 =	sne.s32 s8, $0x800;
	[sflag:s31] =	ssyncadd.s32 $0xFFFFD800  }
.Ltmp0:
0x217: {  	_ =	swait.ge [sflag:s0], $0x2800;
	(pc) =	sbr.rel @p5 .LBB2_2-.Ltmp0, $4  }
0x218: {  	[sflag:s0] =	ssyncset.done $0x0  }
0x219: {  	[sflag:s0] =	ssyncadd.s32 $0xFFFFD800  }
0x21a: {  	_ =	swait.ge [sflag:s9], $0x2800  }
0x21b: {  	s8 =	sadd.s32 $0x200, s8;
	s12 =	rddreg [dreg:$0x4];
	[sflag:s9] =	ssyncset.done $0x0  }
0x21c: {  	[sflag:s9] =	ssyncadd.s32 $0xFFFFD800;
	s8 =	sadd.s32 s6, s12  }
0x21d: {  	[tilespmem:s3], [sflag:$0x9] =	stream.linear.gather [hbm4b:s8+s3], $0xC80, $0x38;
	[tilespmem:$0x1F880] =	vst v63  }
0x21e: {  	_ =	swait.ge [sflag:s20], $0xC80  }
0x21f: {  	s12 =	rddreg [dreg:$0x3];
	[sflag:s20] =	ssyncset.done $0x0  }
0x220: {  	[sflag:s20] =	ssyncadd.s32 $0xFFFFF380;
	s19 =	sadd.s32 s6, s12  }
0x221: {  	[tilespmem:s21], [sflag:$0x9] =	stream.linear.gather [hbm4b:s19+s3], $0xC80, $0x38;
	[tilespmem:$0x1F880] =	vst v63  }
0x222: {  	_ =	swait.ge [sflag:s20], $0xC80  }
0x223: {  	[sflag:s20] =	ssyncset.done $0x0  }
0x224: {  	[sflag:s20] =	ssyncadd.s32 $0xFFFFF380  }
0x225: {  	[tilespmem:s23], [sflag:$0x1] =	stream.indirect.gather [hbm4b:s4+s22], $0x80, s3, s22, $0xb8;
	[tilespmem:$0x1F880] =	vst v63  }
0x226: {  	s8 =	rddreg [dreg:$0x5]  }
0x227: {  	[tilespmem:s24], [sflag:$0x2] =	stream.indirect.gather [hbm4b:s4+s22], $0x80, s8, s22, $0xb8;
	[tilespmem:$0x1F880] =	vst v63  }
0x228: {  	s12 =	rddreg [dreg:$0x6]  }
0x229: {  	[tilespmem:s25], [sflag:$0x3] =	stream.indirect.gather [hbm4b:s4+s22], $0x80, s12, s22, $0xb8;
	[tilespmem:$0x1F880] =	vst v63  }
0x22a: {  	s19 =	rddreg [dreg:$0x7]  }
0x22b: {  	[tilespmem:s26], [sflag:$0x4] =	stream.indirect.gather [hbm4b:s4+s22], $0x80, s19, s22, $0xb8;
	[tilespmem:$0x1F880] =	vst v63  }
0x22c: {  	_ =	swait.ge [sflag:s28], $0x2800  }
0x22d: {  	[sflag:s28] =	ssyncset.done $0x0  }
0x22e: {  	[sflag:s28] =	ssyncadd.s32 $0xFFFFD800  }
0x22f: {  	[spmem:s2] =	stream.indirect.scatter.add.f32 [tilespmem:s23], [sflag:$0x5], $0x80, s21, s22, $0xb8;
	[tilespmem:$0x1F880] =	vst v63  }
0x230: {  	_ =	swait.ge [sflag:s29], $0x2800  }
0x231: {  	[sflag:s29] =	ssyncset.done $0x0  }
0x232: {  	s8 =	rddreg [dreg:$0x8];
	[sflag:s29] =	ssyncadd.s32 $0xFFFFD800  }
0x233: {  	[tilespmem:s23], [sflag:$0x1] =	stream.indirect.gather [hbm4b:s4+s22], $0x80, s8, s22, $0xb8;
	[tilespmem:$0x1F880] =	vst v63  }
0x234: {  	_ =	swait.ge [sflag:s30], $0x2800  }
0x235: {  	[sflag:s30] =	ssyncset.done $0x0  }
0x236: {  	s12 =	rddreg [dreg:$0x9];
	[sflag:s30] =	ssyncadd.s32 $0xFFFFD800  }
0x237: {  	[spmem:s2] =	stream.indirect.scatter.add.f32 [tilespmem:s24], [sflag:$0x6], $0x80, s12, s22, $0xb8;
	[tilespmem:$0x1F880] =	vst v63  }
0x238: {  	_ =	swait.ge [sflag:s31], $0x2800  }
0x239: {  	[sflag:s31] =	ssyncset.done $0x0  }
0x23a: {  	s19 =	rddreg [dreg:$0xa];
	[sflag:s31] =	ssyncadd.s32 $0xFFFFD800  }
0x23b: {  	[tilespmem:s24], [sflag:$0x2] =	stream.indirect.gather [hbm4b:s4+s22], $0x80, s19, s22, $0xb8;
	[tilespmem:$0x1F880] =	vst v63  }
0x23c: {  	_ =	swait.ge [sflag:s1], $0x2800  }
0x23d: {  	[sflag:s1] =	ssyncset.done $0x0  }
0x23e: {  	s8 =	rddreg [dreg:$0xb];
	[sflag:s1] =	ssyncadd.s32 $0xFFFFD800  }
0x23f: {  	[spmem:s2] =	stream.indirect.scatter.add.f32 [tilespmem:s25], [sflag:$0x7], $0x80, s8, s22, $0xb8;
	[tilespmem:$0x1F880] =	vst v63  }
0x240: {  	_ =	swait.ge [sflag:s0], $0x2800  }
0x241: {  	[sflag:s0] =	ssyncset.done $0x0  }
0x242: {  	s12 =	rddreg [dreg:$0xc];
	[sflag:s0] =	ssyncadd.s32 $0xFFFFD800  }
0x243: {  	[tilespmem:s25], [sflag:$0x3] =	stream.indirect.gather [hbm4b:s4+s22], $0x80, s12, s22, $0xb8;
	[tilespmem:$0x1F880] =	vst v63  }
0x244: {  	_ =	swait.ge [sflag:s7], $0x2800  }
0x245: {  	[sflag:s7] =	ssyncset.done $0x0  }
0x246: {  	s19 =	rddreg [dreg:$0xd];
	[sflag:s7] =	ssyncadd.s32 $0xFFFFD800  }
0x247: {  	[spmem:s2] =	stream.indirect.scatter.add.f32 [tilespmem:s26], [sflag:$0x8], $0x80, s19, s22, $0xb8;
	[tilespmem:$0x1F880] =	vst v63  }
0x248: {  	_ =	swait.ge [sflag:s9], $0x2800  }
0x249: {  	[sflag:s9] =	ssyncset.done $0x0  }
0x24a: {  	s8 =	rddreg [dreg:$0xe];
	[sflag:s9] =	ssyncadd.s32 $0xFFFFD800  }
0x24b: {  	[tilespmem:s26], [sflag:$0x4] =	stream.indirect.gather [hbm4b:s4+s22], $0x80, s8, s22, $0xb8;
	[tilespmem:$0x1F880] =	vst v63  }
0x24c: {  	_ =	swait.ge [sflag:s28], $0x2800  }
0x24d: {  	[sflag:s28] =	ssyncset.done $0x0  }
0x24e: {  	s12 =	rddreg [dreg:$0xf];
	[sflag:s28] =	ssyncadd.s32 $0xFFFFD800  }
0x24f: {  	[spmem:s2] =	stream.indirect.scatter.add.f32 [tilespmem:s23], [sflag:$0x5], $0x80, s12, s22, $0xb8;
	[tilespmem:$0x1F880] =	vst v63  }
0x250: {  	_ =	swait.ge [sflag:s29], $0x2800  }
0x251: {  	[sflag:s29] =	ssyncset.done $0x0  }
0x252: {  	s19 =	rddreg [dreg:$0x10];
	[sflag:s29] =	ssyncadd.s32 $0xFFFFD800  }
0x253: {  	[tilespmem:s23], [sflag:$0x1] =	stream.indirect.gather [hbm4b:s4+s22], $0x80, s19, s22, $0xb8;
	[tilespmem:$0x1F880] =	vst v63  }
0x254: {  	_ =	swait.ge [sflag:s30], $0x2800  }
0x255: {  	[sflag:s30] =	ssyncset.done $0x0  }
0x256: {  	s8 =	rddreg [dreg:$0x11];
	[sflag:s30] =	ssyncadd.s32 $0xFFFFD800  }
0x257: {  	[spmem:s2] =	stream.indirect.scatter.add.f32 [tilespmem:s24], [sflag:$0x6], $0x80, s8, s22, $0xb8;
	[tilespmem:$0x1F880] =	vst v63  }
0x258: {  	_ =	swait.ge [sflag:s31], $0x2800  }
0x259: {  	[sflag:s31] =	ssyncset.done $0x0  }
0x25a: {  	s12 =	rddreg [dreg:$0x12];
	[sflag:s31] =	ssyncadd.s32 $0xFFFFD800  }
0x25b: {  	[tilespmem:s24], [sflag:$0x2] =	stream.indirect.gather [hbm4b:s4+s22], $0x80, s12, s22, $0xb8;
	[tilespmem:$0x1F880] =	vst v63  }
0x25c: {  	_ =	swait.ge [sflag:s1], $0x2800  }
0x25d: {  	[sflag:s1] =	ssyncset.done $0x0  }
0x25e: {  	s19 =	rddreg [dreg:$0x13];
	[sflag:s1] =	ssyncadd.s32 $0xFFFFD800  }
0x25f: {  	[spmem:s2] =	stream.indirect.scatter.add.f32 [tilespmem:s25], [sflag:$0x7], $0x80, s19, s22, $0xb8;
	[tilespmem:$0x1F880] =	vst v63  }
0x260: {  	_ =	swait.ge [sflag:s0], $0x2800  }
0x261: {  	[sflag:s0] =	ssyncset.done $0x0  }
0x262: {  	s8 =	rddreg [dreg:$0x14];
	[sflag:s0] =	ssyncadd.s32 $0xFFFFD800  }
0x263: {  	[tilespmem:s25], [sflag:$0x3] =	stream.indirect.gather [hbm4b:s4+s22], $0x80, s8, s22, $0xb8;
	[tilespmem:$0x1F880] =	vst v63  }
0x264: {  	_ =	swait.ge [sflag:s7], $0x2800  }
0x265: {  	[sflag:s7] =	ssyncset.done $0x0  }
0x266: {  	s12 =	rddreg [dreg:$0x15];
	[sflag:s7] =	ssyncadd.s32 $0xFFFFD800  }
0x267: {  	[spmem:s2] =	stream.indirect.scatter.add.f32 [tilespmem:s26], [sflag:$0x8], $0x80, s12, s22, $0xb8;
	[tilespmem:$0x1F880] =	vst v63  }
0x268: {  	_ =	swait.ge [sflag:s9], $0x2800  }
0x269: {  	[sflag:s9] =	ssyncset.done $0x0  }
0x26a: {  	s19 =	rddreg [dreg:$0x16];
	[sflag:s9] =	ssyncadd.s32 $0xFFFFD800  }
0x26b: {  	[tilespmem:s26], [sflag:$0x4] =	stream.indirect.gather [hbm4b:s4+s22], $0x80, s19, s22, $0xb8;
	[tilespmem:$0x1F880] =	vst v63  }
0x26c: {  	_ =	swait.ge [sflag:s28], $0x2800  }
0x26d: {  	[sflag:s28] =	ssyncset.done $0x0  }
0x26e: {  	s8 =	rddreg [dreg:$0x17];
	[sflag:s28] =	ssyncadd.s32 $0xFFFFD800  }
0x26f: {  	[spmem:s2] =	stream.indirect.scatter.add.f32 [tilespmem:s23], [sflag:$0x5], $0x80, s8, s22, $0xb8;
	[tilespmem:$0x1F880] =	vst v63  }
0x270: {  	_ =	swait.ge [sflag:s29], $0x2800  }
0x271: {  	[sflag:s29] =	ssyncset.done $0x0  }
0x272: {  	s12 =	rddreg [dreg:$0x18];
	[sflag:s29] =	ssyncadd.s32 $0xFFFFD800  }
0x273: {  	[tilespmem:s23], [sflag:$0x1] =	stream.indirect.gather [hbm4b:s4+s22], $0x80, s12, s22, $0xb8;
	[tilespmem:$0x1F880] =	vst v63  }
0x274: {  	_ =	swait.ge [sflag:s30], $0x2800  }
0x275: {  	[sflag:s30] =	ssyncset.done $0x0  }
0x276: {  	s19 =	rddreg [dreg:$0x19];
	[sflag:s30] =	ssyncadd.s32 $0xFFFFD800  }
0x277: {  	[spmem:s2] =	stream.indirect.scatter.add.f32 [tilespmem:s24], [sflag:$0x6], $0x80, s19, s22, $0xb8;
	[tilespmem:$0x1F880] =	vst v63  }
0x278: {  	_ =	swait.ge [sflag:s31], $0x2800  }
0x279: {  	[sflag:s31] =	ssyncset.done $0x0  }
0x27a: {  	s8 =	rddreg [dreg:$0x1a];
	[sflag:s31] =	ssyncadd.s32 $0xFFFFD800  }
0x27b: {  	[tilespmem:s24], [sflag:$0x2] =	stream.indirect.gather [hbm4b:s4+s22], $0x80, s8, s22, $0xb8;
	[tilespmem:$0x1F880] =	vst v63  }
0x27c: {  	_ =	swait.ge [sflag:s1], $0x2800  }
0x27d: {  	[sflag:s1] =	ssyncset.done $0x0  }
0x27e: {  	s12 =	rddreg [dreg:$0x1b];
	[sflag:s1] =	ssyncadd.s32 $0xFFFFD800  }
0x27f: {  	[spmem:s2] =	stream.indirect.scatter.add.f32 [tilespmem:s25], [sflag:$0x7], $0x80, s12, s22, $0xb8;
	[tilespmem:$0x1F880] =	vst v63  }
0x280: {  	_ =	swait.ge [sflag:s0], $0x2800  }
0x281: {  	[sflag:s0] =	ssyncset.done $0x0  }
0x282: {  	s19 =	rddreg [dreg:$0x1c];
	[sflag:s0] =	ssyncadd.s32 $0xFFFFD800  }
0x283: {  	[tilespmem:s25], [sflag:$0x3] =	stream.indirect.gather [hbm4b:s4+s22], $0x80, s19, s22, $0xb8;
	[tilespmem:$0x1F880] =	vst v63  }
0x284: {  	_ =	swait.ge [sflag:s7], $0x2800  }
0x285: {  	[sflag:s7] =	ssyncset.done $0x0  }
0x286: {  	s8 =	rddreg [dreg:$0x1d];
	[sflag:s7] =	ssyncadd.s32 $0xFFFFD800  }
0x287: {  	[spmem:s2] =	stream.indirect.scatter.add.f32 [tilespmem:s26], [sflag:$0x8], $0x80, s8, s22, $0xb8;
	[tilespmem:$0x1F880] =	vst v63  }
0x288: {  	_ =	swait.ge [sflag:s9], $0x2800  }
0x289: {  	[sflag:s9] =	ssyncset.done $0x0  }
0x28a: {  	s12 =	rddreg [dreg:$0x1e];
	[sflag:s9] =	ssyncadd.s32 $0xFFFFD800  }
0x28b: {  	[tilespmem:s26], [sflag:$0x4] =	stream.indirect.gather [hbm4b:s4+s22], $0x80, s12, s22, $0xb8;
	[tilespmem:$0x1F880] =	vst v63  }
0x28c: {  	_ =	swait.ge [sflag:s28], $0x2800  }
0x28d: {  	[sflag:s28] =	ssyncset.done $0x0  }
0x28e: {  	s19 =	rddreg [dreg:$0x1f];
	[sflag:s28] =	ssyncadd.s32 $0xFFFFD800  }
0x28f: {  	[spmem:s2] =	stream.indirect.scatter.add.f32 [tilespmem:s23], [sflag:$0x5], $0x80, s19, s22, $0xb8;
	[tilespmem:$0x1F880] =	vst v63  }
0x290: {  	_ =	swait.ge [sflag:s29], $0x2800  }
0x291: {  	s8 =	sld [smem:$0x7ED]  }
0x292: {  	[sflag:s29] =	ssyncset.done $0x0  }
0x293: {  	[sflag:s29] =	ssyncadd.s32 $0xFFFFD800  }
0x294: {  	[tilespmem:s23], [sflag:$0x1] =	stream.indirect.gather [hbm4b:s4+s22], $0x80, s8, s22, $0xb8;
	[tilespmem:$0x1F880] =	vst v63  }
0x295: {  	_ =	swait.ge [sflag:s30], $0x2800  }
0x296: {  	s12 =	sld [smem:$0x7EE]  }
0x297: {  	[sflag:s30] =	ssyncset.done $0x0  }
0x298: {  	[sflag:s30] =	ssyncadd.s32 $0xFFFFD800  }
0x299: {  	[spmem:s2] =	stream.indirect.scatter.add.f32 [tilespmem:s24], [sflag:$0x6], $0x80, s12, s22, $0xb8;
	[tilespmem:$0x1F880] =	vst v63  }
0x29a: {  	_ =	swait.ge [sflag:s31], $0x2800  }
0x29b: {  	s19 =	sld [smem:$0x7EF]  }
0x29c: {  	[sflag:s31] =	ssyncset.done $0x0  }
0x29d: {  	[sflag:s31] =	ssyncadd.s32 $0xFFFFD800  }
0x29e: {  	[tilespmem:s24], [sflag:$0x2] =	stream.indirect.gather [hbm4b:s4+s22], $0x80, s19, s22, $0xb8;
	[tilespmem:$0x1F880] =	vst v63  }
0x29f: {  	_ =	swait.ge [sflag:s1], $0x2800  }
0x2a0: {  	s8 =	sld [smem:$0x7F2]  }
0x2a1: {  	[sflag:s1] =	ssyncset.done $0x0  }
0x2a2: {  	[sflag:s1] =	ssyncadd.s32 $0xFFFFD800  }
0x2a3: {  	[spmem:s2] =	stream.indirect.scatter.add.f32 [tilespmem:s25], [sflag:$0x7], $0x80, s8, s22, $0xb8;
	[tilespmem:$0x1F880] =	vst v63  }
0x2a4: {  	_ =	swait.ge [sflag:s0], $0x2800  }
0x2a5: {  	s12 =	sld [smem:$0x7F3]  }
0x2a6: {  	[sflag:s0] =	ssyncset.done $0x0  }
0x2a7: {  	[sflag:s0] =	ssyncadd.s32 $0xFFFFD800  }
0x2a8: {  	[tilespmem:s25], [sflag:$0x3] =	stream.indirect.gather [hbm4b:s4+s22], $0x80, s12, s22, $0xb8;
	[tilespmem:$0x1F880] =	vst v63  }
0x2a9: {  	_ =	swait.ge [sflag:s7], $0x2800  }
0x2aa: {  	s19 =	sld [smem:$0x7F4]  }
0x2ab: {  	[sflag:s7] =	ssyncset.done $0x0  }
0x2ac: {  	[sflag:s7] =	ssyncadd.s32 $0xFFFFD800  }
0x2ad: {  	[spmem:s2] =	stream.indirect.scatter.add.f32 [tilespmem:s26], [sflag:$0x8], $0x80, s19, s22, $0xb8;
	[tilespmem:$0x1F880] =	vst v63  }
0x2ae: {  	_ =	swait.ge [sflag:s9], $0x2800  }
0x2af: {  	s8 =	sld [smem:$0x7F6]  }
0x2b0: {  	[sflag:s9] =	ssyncset.done $0x0  }
0x2b1: {  	[sflag:s9] =	ssyncadd.s32 $0xFFFFD800  }
0x2b2: {  	[tilespmem:s26], [sflag:$0x4] =	stream.indirect.gather [hbm4b:s4+s22], $0x80, s8, s22, $0xb8;
	[tilespmem:$0x1F880] =	vst v63  }
0x2b3: {  	_ =	swait.ge [sflag:s28], $0x2800  }
0x2b4: {  	s12 =	sld [smem:$0x7F9]  }
0x2b5: {  	[sflag:s28] =	ssyncset.done $0x0  }
0x2b6: {  	[sflag:s28] =	ssyncadd.s32 $0xFFFFD800  }
0x2b7: {  	[spmem:s2] =	stream.indirect.scatter.add.f32 [tilespmem:s23], [sflag:$0x5], $0x80, s12, s22, $0xb8;
	[tilespmem:$0x1F880] =	vst v63  }
0x2b8: {  	_ =	swait.ge [sflag:s29], $0x2800  }
0x2b9: {  	s19 =	sld [smem:$0x7FA]  }
0x2ba: {  	[sflag:s29] =	ssyncset.done $0x0  }
0x2bb: {  	[sflag:s29] =	ssyncadd.s32 $0xFFFFD800  }
0x2bc: {  	[tilespmem:s23], [sflag:$0x1] =	stream.indirect.gather [hbm4b:s4+s22], $0x80, s19, s22, $0xb8;
	[tilespmem:$0x1F880] =	vst v63  }
0x2bd: {  	_ =	swait.ge [sflag:s30], $0x2800  }
0x2be: {  	s8 =	sld [smem:$0x7FB]  }
0x2bf: {  	[sflag:s30] =	ssyncset.done $0x0  }
0x2c0: {  	[sflag:s30] =	ssyncadd.s32 $0xFFFFD800  }
0x2c1: {  	[spmem:s2] =	stream.indirect.scatter.add.f32 [tilespmem:s24], [sflag:$0x6], $0x80, s8, s22, $0xb8;
	[tilespmem:$0x1F880] =	vst v63  }
0x2c2: {  	_ =	swait.ge [sflag:s31], $0x2800  }
0x2c3: {  	s12 =	sld [smem:$0x7FC]  }
0x2c4: {  	[sflag:s31] =	ssyncset.done $0x0  }
0x2c5: {  	[sflag:s31] =	ssyncadd.s32 $0xFFFFD800  }
0x2c6: {  	[tilespmem:s24], [sflag:$0x2] =	stream.indirect.gather [hbm4b:s4+s22], $0x80, s12, s22, $0xb8;
	[tilespmem:$0x1F880] =	vst v63  }
0x2c7: {  	_ =	swait.ge [sflag:s1], $0x2800  }
0x2c8: {  	s19 =	sld [smem:$0x7FD]  }
0x2c9: {  	[sflag:s1] =	ssyncset.done $0x0  }
0x2ca: {  	[sflag:s1] =	ssyncadd.s32 $0xFFFFD800  }
0x2cb: {  	[spmem:s2] =	stream.indirect.scatter.add.f32 [tilespmem:s25], [sflag:$0x7], $0x80, s19, s22, $0xb8;
	[tilespmem:$0x1F880] =	vst v63  }
0x2cc: {  	_ =	swait.ge [sflag:s0], $0x2800  }
0x2cd: {  	[sflag:s0] =	ssyncset.done $0x0  }
0x2ce: {  	[sflag:s0] =	ssyncadd.s32 $0xFFFFD800  }
0x2cf: {  	[tilespmem:s25], [sflag:$0x3] =	stream.indirect.gather [hbm4b:s4+s22], $0x80, s10, s22, $0xb8;
	[tilespmem:$0x1F880] =	vst v63  }
0x2d0: {  	_ =	swait.ge [sflag:s7], $0x2800  }
0x2d1: {  	[sflag:s7] =	ssyncset.done $0x0  }
0x2d2: {  	[sflag:s7] =	ssyncadd.s32 $0xFFFFD800  }
0x2d3: {  	[spmem:s2] =	stream.indirect.scatter.add.f32 [tilespmem:s26], [sflag:$0x8], $0x80, s11, s22, $0xb8;
	[tilespmem:$0x1F880] =	vst v63  }
0x2d4: {  	_ =	swait.ge [sflag:s9], $0x2800  }
0x2d5: {  	[sflag:s9] =	ssyncset.done $0x0  }
0x2d6: {  	[sflag:s9] =	ssyncadd.s32 $0xFFFFD800  }
0x2d7: {  	[tilespmem:s26], [sflag:$0x4] =	stream.indirect.gather [hbm4b:s4+s22], $0x80, s13, s22, $0xb8;
	[tilespmem:$0x1F880] =	vst v63  }
0x2d8: {  	_ =	swait.ge [sflag:s28], $0x2800  }
0x2d9: {  	[sflag:s28] =	ssyncset.done $0x0  }
0x2da: {  	[sflag:s28] =	ssyncadd.s32 $0xFFFFD800  }
0x2db: {  	[spmem:s2] =	stream.indirect.scatter.add.f32 [tilespmem:s23], [sflag:$0x5], $0x80, s14, s22, $0xb8;
	[tilespmem:$0x1F880] =	vst v63  }
0x2dc: {  	_ =	swait.ge [sflag:s29], $0x2800  }
0x2dd: {  	[sflag:s29] =	ssyncset.done $0x0  }
0x2de: {  	[sflag:s29] =	ssyncadd.s32 $0xFFFFD800  }
0x2df: {  	[tilespmem:s23], [sflag:$0x1] =	stream.indirect.gather [hbm4b:s4+s22], $0x80, s15, s22, $0xb8;
	[tilespmem:$0x1F880] =	vst v63  }
0x2e0: {  	_ =	swait.ge [sflag:s30], $0x2800  }
0x2e1: {  	[sflag:s30] =	ssyncset.done $0x0  }
0x2e2: {  	[sflag:s30] =	ssyncadd.s32 $0xFFFFD800  }
0x2e3: {  	[spmem:s2] =	stream.indirect.scatter.add.f32 [tilespmem:s24], [sflag:$0x6], $0x80, s5, s22, $0xb8;
	[tilespmem:$0x1F880] =	vst v63  }
0x2e4: {  	_ =	swait.ge [sflag:s1], $0x2800  }
0x2e5: {  	[sflag:s1] =	ssyncset.done $0x0  }
0x2e6: {  	[sflag:s1] =	ssyncadd.s32 $0xFFFFD800  }
0x2e7: {  	[spmem:s2] =	stream.indirect.scatter.add.f32 [tilespmem:s25], [sflag:$0x7], $0x80, s16, s22, $0xb8;
	[tilespmem:$0x1F880] =	vst v63  }
0x2e8: {  	_ =	swait.ge [sflag:s7], $0x2800  }
0x2e9: {  	[sflag:s7] =	ssyncset.done $0x0  }
0x2ea: {  	[sflag:s7] =	ssyncadd.s32 $0xFFFFD800  }
0x2eb: {  	[spmem:s2] =	stream.indirect.scatter.add.f32 [tilespmem:s26], [sflag:$0x8], $0x80, s17, s22, $0xb8;
	[tilespmem:$0x1F880] =	vst v63  }
0x2ec: {  	_ =	swait.ge [sflag:s28], $0x2800  }
0x2ed: {  	[sflag:s28] =	ssyncset.done $0x0  }
0x2ee: {  	[sflag:s28] =	ssyncadd.s32 $0xFFFFD800  }
0x2ef: {  	[spmem:s2] =	stream.indirect.scatter.add.f32 [tilespmem:s23], [sflag:$0x5], $0x80, s18, s22, $0xb8;
	[tilespmem:$0x1F880] =	vst v63  }
0x2f0: {  	_ =	swait.ge [sflag:s29], $0x2800  }
0x2f1: {  	[sflag:s29] =	ssyncset.done $0x0  }
0x2f2: {  	[sflag:s29] =	ssyncadd.s32 $0xFFFFD800  }
0x2f3: {  	_ =	swait.ge [sflag:s31], $0x2800  }
0x2f4: {  	[sflag:s31] =	ssyncset.done $0x0  }
0x2f5: {  	[sflag:s31] =	ssyncadd.s32 $0xFFFFD800  }
0x2f6: {  	_ =	swait.ge [sflag:s0], $0x2800  }
0x2f7: {  	[sflag:s0] =	ssyncset.done $0x0  }
0x2f8: {  	[sflag:s0] =	ssyncadd.s32 $0xFFFFD800  }
0x2f9: {  	_ =	swait.ge [sflag:s9], $0x2800  }
0x2fa: {  	[sflag:s9] =	ssyncset.done $0x0  }
0x2fb: {  	[sflag:s9] =	ssyncadd.s32 $0xFFFFD800  }
0x2fc: {  	[bflag:$0x0] =	sbarrier.arrive $0xFFFF  }
0x2fd: {  	s19 =	sld [smem:$0x7E8]  }
0x2fe: {  	s8 =	sld [smem:$0x7F0];
	_ =	sdelay $0x2  }
0x2ff: {  	s12 =	simm.s32 @p4 $0x1FC9;
	s6 =	sadd.s32 @p4 $0x24900, s19;
	s8 =	sshrl.u32 @p4 s8, $0x3  }
0x300: {  	[hbm:s6], [sflag:s12] =	dma.local @p4 [spmem:s8], $0x2800  }
0x301: {  	s6 =	simm.s32 @p4 $0x9  }
0x302: {  	_ =	swait.ge @p4 [sflag:s6], $0x2800  }
0x303: {  	s8 =	sld [smem:$0x7E3]  }
0x304: {  	[sflag:s6] =	ssyncset.done @p4 $0x0;
	s12 =	sld [smem:$0x7F7]  }
0x305: {  	[sflag:s6] =	ssyncadd.s32 @p4 $0xFFFFD800;
	s6 =	stileid.u32  }
0x306: {  	s6 =	sshll.u32 @!p4 s6, $0x6  }
0x307: {  	s8 =	sadd.s32 @!p4 s8, s19;
	s6 =	sor.u32 @!p4 $0x1C09, s6;
	s12 =	sshrl.u32 @!p4 s12, $0x3  }
0x308: {  	[hbm:s8], [sflag:s6] =	dma.local @!p4 [spmem:s12], $0x2700  }
0x309: {  	s6 =	simm.s32 @!p4 $0x9  }
0x30a: {  	_ =	swait.ge @!p4 [sflag:s6], $0x2700  }
0x30b: {  	s8 =	sld [smem:$0x7E2]  }
0x30c: {  	s19 =	sld [smem:$0x7E9];
	_ =	sdelay $0x1  }
0x30d: {  	s12 =	sadd.s32 $0x1, s8  }
0x30e: {  	p5 =	sne.s32 s12, s19  }
.Ltmp1:
0x30f: {  	_ = 	snop;
	(pc) =	sbr.rel @p5 .LBB2_1-.Ltmp1, $3  }
0x310: {  	_ =	sdelay $0x1  }
0x311: {  	[sflag:s6] =	ssyncset.done @!p4 $0x0  }
0x312: {  	[sflag:s6] =	ssyncadd.s32 @!p4 $0xFFFFD900  }
0x313: {  	_ =	sfence.sel $0x180000  }
0x314: {  	[bflag:$0x0] =	sbarrier.arrive $0xFFFF  }
0x315: {  	_ =	strace $0x9000004D  }
0x316: {  	s0 =	stileid.u32;
	[bflag:$0x2] =	sbarrier.arrive $0xFFFF  }
0x317: {  	p0 =	sne.s32 s0, $0x0;
	s0 =	rddreg [dreg:$0x2]  }
0x318: {  	s0 =	sadd.s32 @!p0 $0x100000, s0  }
0x319: {  	[sflag:s0] =	ssyncadd.tile.s32 @!p0 $0x1;
	_ =	shalt  }
.Lfunc_end2:
_tile_overlayer_lowered:
.L_overlay_start_2:
0x31a: {  	(tag) =	ssettag $0x2  }
0x31b: {  	s0 =	rddreg [dreg:$0x0];
	s2 =	stileid.u32  }
0x31c: {  	s1 =	rddreg [dreg:$0x1];
	p0 =	sne.s32 s2, $0x0  }
0x31d: {  	s3 =	rddreg [dreg:$0x2];
	[bflag:$0x3] =	sbarrier.arrive $0xFFFF;
	s2 =	simm.s32 @!p0 $0x1C09  }
0x31e: {  	[timem:s3], [sflag:s2] =	dma.local @!p0 [hbm:s0], s1  }
0x31f: {  	s0 =	simm.s32 @!p0 $0x9  }
0x320: {  	_ =	swait.ge @!p0 [sflag:s0], s1  }
0x321: {  	s1 =	ssub.s32 @!p0 $0x0, s1;
	[sflag:s0] =	ssyncset.done @!p0 $0x0  }
0x322: {  	[sflag:s0] =	ssyncadd.s32 @!p0 s1  }
0x323: {  	[bflag:$0x3] =	sbarrier.arrive $0xFFFF  }
0x324: {  	_ =	shalt  }

// kernel: kernel.9.cloned.1.call-start
scs
__scs_entry_jumppad:
0x0: {  	(pc) =	sbr.rel $0x88, $3  }
0x1: {  	(tag) =	ssettag $0x0;
	lr =	simm.s32 $0x1  }
0x2: {  	[smem:$0x3F98] =	sst lr;
	_ =	strace $0xD0000000  }
0x3: {  	_ = 	snop  }
0x4: {  	_ = 	snop  }
0x5: {  	_ = 	snop  }
0x6: {  	_ = 	snop  }
0x7: {  	_ = 	snop  }
__scs_overlays_trampoline_lowered:
0x8: {  	[smem:$0x3FA7] =	sst s0  }
0x9: {  	[smem:$0x3FA8] =	sst s1  }
0xa: {  	[smem:$0x3FA9] =	sst s2  }
0xb: {  	[smem:$0x3FAA] =	sst s3  }
0xc: {  	[smem:$0x3FAB] =	sst s4  }
0xd: {  	[smem:$0x3FAC] =	sst s5  }
0xe: {  	[smem:$0x3FAD] =	sst s6  }
0xf: {  	[smem:$0x3FAE] =	sst s7  }
0x10: {  	[smem:$0x3FAF] =	sst s8  }
0x11: {  	[smem:$0x3FB0] =	sst s9;
	s0 =	simm.s32 @!p0 $0x0  }
0x12: {  	s1 =	sld [smem:$0x3F96];
	s0 =	simm.s32 @p0 $0x1  }
0x13: {  	[smem:$0x3FB1] =	sst s0;
	s0 =	simm.s32 @!p1 $0x0  }
0x14: {  	s2 =	sld [smem:$0x3F95];
	s0 =	simm.s32 @p1 $0x1  }
0x15: {  	[smem:$0x3FB2] =	sst s0;
	s0 =	simm.s32 @!p2 $0x0  }
0x16: {  	s3 =	sld [smem:$0x3FDB];
	s0 =	simm.s32 @p2 $0x1  }
0x17: {  	s4 =	simm.s32 $0x1BF5;
	[smem:$0x3FB4] =	sst s0  }
0x18: {  	s0 =	sld [smem:$0x3F97];
	_ =	swait.ge [sflag:s4], $0x0  }
0x19: {  	s7 =	sld [smem:$0x3F98]  }
0x1a: {  	s8 =	sadd.s32 $0xFFFFE003, lr  }
0x1b: {  	s9 =	sadd.s32 $0xFFFFFEF7, lr;
	s5 =	simm.s32 $0xFFFFFFFF;
	p2 =	slt.u32 s8, $0xFFFFF086  }
0x1c: {  	p1 =	slt.u32 s9, $0xF7A;
	s5 =	simm.s32 @!p2 $0x0  }
0x1d: {  	s5 =	simm.s32 @p1 $0x1;
	p0 =	seq.s32 s7, s2  }
0x1e: {  	s7 =	smul.u32 @!p0 $0xF7A, s2;
	p2 =	seq.s32 @!p0 s5, $0x0  }
0x1f: {  	s9 =	smul.u32 $0xF7A, s1;
	s8 =	simm.s32 @!p0 $0x1BF5;
	p2 =	por !p2, p0  }
0x20: {  	[sflag:s8] =	ssyncset.s32 @!p0 $0xFFFFF086;
	s6 =	sadd.s32 @!p0 s3, s7;
	s7 =	simm.s32 @!p0 $0x108  }
0x21: {  	s3 =	sadd.s32 s3, s9;
	s6 =	sadd.s32 @!p0 $0x88, s6;
	s7 =	simm.s32 @p2 $0x1082  }
0x22: {  	[simem:s7], [sflag:s8] =	dma.local @!p0 [hbm:s6], $0xF7A  }
0x23: {  	s9 =	sor.u32 $0xD0000000, s2;
	s6 =	simm.s32 $0x108;
	_ =	swait.ge @!p0 [sflag:s8], $0x0  }
0x24: {  	s3 =	sadd.s32 $0x88, s3;
	s6 =	simm.s32 @!p1 $0x1082;
	[sflag:s4] =	ssyncset.s32 $0xFFFFF086  }
0x25: {  	[simem:s6], [sflag:s4] =	dma.local [hbm:s3], $0xF7A  }
0x26: {  	[smem:$0x3F98] =	sst s1;
	(tag) =	ssettag s2;
	_ =	strace s9  }
0x27: {  	s1 =	sld [smem:$0x3FA8]  }
0x28: {  	s2 =	sld [smem:$0x3FA9]  }
0x29: {  	s4 =	sld [smem:$0x3FAB]  }
0x2a: {  	p0 =	seq.s32 s5, $0x0;
	s5 =	sld [smem:$0x3FAC]  }
0x2b: {  	s6 =	sld [smem:$0x3FAD]  }
0x2c: {  	s7 =	sld [smem:$0x3FAE]  }
0x2d: {  	s3 =	simm.s32 $0x108;
	s8 =	sld [smem:$0x3FAF]  }
0x2e: {  	s3 =	simm.s32 @!p0 $0x1082;
	s9 =	sld [smem:$0x3FB0]  }
0x2f: {  	lr =	sadd.s32 s0, s3;
	s0 =	sld [smem:$0x3FA7]  }
0x30: {  	s3 =	sld [smem:$0x3FAA]  }
0x31: {  	[smem:$0x3FB3] =	sst s10  }
0x32: {  	s10 =	sld [smem:$0x3FB1];
	_ =	sdelay $0x3  }
0x33: {  	p0 =	seq.s32 s10, $0x1;
	s10 =	sld [smem:$0x3FB3];
	_ =	sdelay $0x3  }
0x34: {  	[smem:$0x3FB3] =	sst s10  }
0x35: {  	s10 =	sld [smem:$0x3FB2];
	_ =	sdelay $0x3  }
0x36: {  	p1 =	seq.s32 s10, $0x1;
	s10 =	sld [smem:$0x3FB3];
	_ =	sdelay $0x3  }
0x37: {  	[smem:$0x3FB3] =	sst s10  }
0x38: {  	s10 =	sld [smem:$0x3FB4]  }
0x39: {  	_ = 	snop;
	(pc) =	sbr.ind lr, $3  }
0x3a: {  	_ = 	snop  }
0x3b: {  	_ = 	snop  }
0x3c: {  	p2 =	seq.s32 s10, $0x1;
	s10 =	sld [smem:$0x3FB3]  }
0x3d: {  	_ =	shalt  }
0x3e: {  	_ =	shalt  }
0x3f: {  	_ =	shalt  }
0x40: {  	_ =	shalt  }
0x41: {  	_ =	shalt  }
0x42: {  	_ =	shalt  }
0x43: {  	_ =	shalt  }
0x44: {  	_ =	shalt  }
0x45: {  	_ =	shalt  }
0x46: {  	_ =	shalt  }
0x47: {  	_ =	shalt  }
0x48: {  	_ =	shalt  }
0x49: {  	_ =	shalt  }
0x4a: {  	_ =	shalt  }
0x4b: {  	_ =	shalt  }
0x4c: {  	_ =	shalt  }
0x4d: {  	_ =	shalt  }
0x4e: {  	_ =	shalt  }
0x4f: {  	_ =	shalt  }
0x50: {  	_ =	shalt  }
0x51: {  	_ =	shalt  }
0x52: {  	_ =	shalt  }
0x53: {  	_ =	shalt  }
0x54: {  	_ =	shalt  }
0x55: {  	_ =	shalt  }
0x56: {  	_ =	shalt  }
0x57: {  	_ =	shalt  }
0x58: {  	_ =	shalt  }
0x59: {  	_ =	shalt  }
0x5a: {  	_ =	shalt  }
0x5b: {  	_ =	shalt  }
0x5c: {  	_ =	shalt  }
0x5d: {  	_ =	shalt  }
0x5e: {  	_ =	shalt  }
0x5f: {  	_ =	shalt  }
0x60: {  	_ =	shalt  }
0x61: {  	_ =	shalt  }
0x62: {  	_ =	shalt  }
0x63: {  	_ =	shalt  }
0x64: {  	_ =	shalt  }
0x65: {  	_ =	shalt  }
0x66: {  	_ =	shalt  }
0x67: {  	_ =	shalt  }
0x68: {  	_ =	shalt  }
0x69: {  	_ =	shalt  }
0x6a: {  	_ =	shalt  }
0x6b: {  	_ =	shalt  }
0x6c: {  	_ =	shalt  }
0x6d: {  	_ =	shalt  }
0x6e: {  	_ =	shalt  }
0x6f: {  	_ =	shalt  }
0x70: {  	_ =	shalt  }
0x71: {  	_ =	shalt  }
0x72: {  	_ =	shalt  }
0x73: {  	_ =	shalt  }
0x74: {  	_ =	shalt  }
0x75: {  	_ =	shalt  }
0x76: {  	_ =	shalt  }
0x77: {  	_ =	shalt  }
0x78: {  	_ =	shalt  }
0x79: {  	_ =	shalt  }
0x7a: {  	_ =	shalt  }
0x7b: {  	_ =	shalt  }
0x7c: {  	_ =	shalt  }
0x7d: {  	_ =	shalt  }
0x7e: {  	_ =	shalt  }
0x7f: {  	_ =	shalt  }
0x80: {  	_ =	shalt  }
0x81: {  	_ =	shalt  }
0x82: {  	_ =	shalt  }
0x83: {  	_ =	shalt  }
0x84: {  	_ =	shalt  }
0x85: {  	_ =	shalt  }
0x86: {  	_ =	shalt  }
0x87: {  	_ =	shalt  }
.Lfunc_end0:
.L_simem_size_0:
called_computation_lowered:
.L_overlay_start_0:
0x88: {  	s2 =	sld [smem:$0x3FD9]  }
0x89: {  	s3 =	sld [smem:$0x3FFE];
	_ =	sdelay $0x1  }
0x8a: {  	s1 =	srdreg.scid  }
0x8b: {  	s0 =	sand.u32 $0x1, s1  }
0x8c: {  	s17 =	sshll.u32 s0, $0xA;
	s2 =	sadd.s32 s3, s2  }
0x8d: {  	s2 =	sadd.s32 s2, s17  }
0x8e: {  	[smem:$0x3FBF] =	sst s2  }
0x8f: {  	_ = 	snop  }
0x90: {  	s2 =	sld [smem:$0x3FD0];
	(tm) =	ssettm $0x1  }
0x91: {  	s18 =	sld [smem:$0x3FFB];
	_ =	sdelay $0x3  }
0x92: {  	_ =	strace s18  }
0x93: {  	s3 =	sld [smem:$0x3FFC];
	_ =	sdelay $0x3  }
0x94: {  	_ =	strace s3  }
0x95: {  	s3 =	sld [smem:$0x3FFD];
	_ =	sdelay $0x3  }
0x96: {  	_ =	strace s3  }
0x97: {  	_ =	strace $0x8FFFFFFF  }
0x98: {  	s19 =	sld [smem:$0x3FDB];
	_ =	sdelay $0x1  }
0x99: {  	s4 =	simm.s32 $_scs_section_size  }
0x9a: {  	s5 =	simm.s32 $_size__tile_overlayer_lowered;
	s6 =	simm.s32 $_tile_overlayer_lowered  }
0x9b: {  	s22 =	simm.s32 $0x1BFF;
	s21 =	sshll.u32 s6, $0x1;
	s3 =	sadd.s32 s4, s19  }
0x9c: {  	s7 =	simm.s32 $0x0;
	s20 =	sshll.u32 s5, $0x1;
	s5 =	sadd.s32 s21, s3  }
0x9d: {  	[timem:s7], [sflag:s22] =	dma.local [hbm:s5], s20  }
0x9e: {  	_ =	swait.ge [sflag:s22], s20  }
0x9f: {  	s4 =	ssub.s32 $0x0, s20;
	[sflag:s22] =	ssyncset.done $0x0  }
0xa0: {  	[sflag:s22] =	ssyncadd.s32 s4;
	_ =	sdelay $0x1  }
0xa1: {  	s23 =	simm.s32 $0x1B8B  }
0xa2: {  	_ =	swait.ge [sflag:s23], $0x1  }
0xa3: {  	[sflag:s23] =	ssyncset.done $0x0  }
0xa4: {  	s25 =	simm.s32 $0x1B8E;
	s24 =	sld [smem:$0x3FFE];
	[sflag:s23] =	ssyncadd.s32 $0xFFFFFFFF  }
0xa5: {  	s26 =	simm.s32 $execute0_lowered;
	[smem:$0x3FD2] =	sst s25  }
0xa6: {  	s5 =	sshll.u32 s26, $0x1;
	_ =	strace $0x80000046;
	[dreg:$0x1] =	wrdreg $0xFFFFFFFF  }
0xa7: {  	s28 =	simm.s32 $_size_execute0_lowered;
	s3 =	sadd.s32 s3, s5;
	[dreg:$0x0] =	wrdreg $0x0  }
0xa8: {  	s5 =	sshll.u32 s28, $0x1;
	[dreg:$0x2] =	wrdreg s3  }
0xa9: {  	[dreg:$0x3] =	wrdreg s5  }
0xaa: {  	[dreg:$0x4] =	wrdreg $0xC0  }
0xab: {  	_ =	task [dreg:s7], $0x5FFFF  }
0xac: {  	[dreg:$0x1] =	wrdreg $0xFFFFFFFF  }
0xad: {  	[dreg:$0x0] =	wrdreg $0x60  }
0xae: {  	[dreg:$0x2] =	wrdreg s24  }
0xaf: {  	[dreg:$0x3] =	wrdreg s2  }
0xb0: {  	[dreg:$0x4] =	wrdreg $0x40800  }
0xb1: {  	[dreg:$0x5] =	wrdreg $0x9  }
0xb2: {  	_ =	task.clear_ibuf [dreg:s7], $0x6FFFF;
	_ =	strace $0x90000046  }
0xb3: {  	s29 =	simm.s32 $0x9;
	_ =	strace $0x80000048  }
0xb4: {  	_ =	swait.ge [sflag:s29], $0x1  }
0xb5: {  	[sflag:s29] =	ssyncadd.s32 $0xFFFFFFFF  }
0xb6: {  	_ =	strace $0x90000048  }
0xb7: {  	_ =	sfence  }
0xb8: {  	s30 =	sld [smem:$0x0];
	_ =	sdelay $0x2  }
0xb9: {  	s31 =	sshll.u32 s1, $0xD;
	s1 =	sshrl.u32 s1, $0x2  }
0xba: {  	s3 =	sand.u32 $0x4000, s31;
	s1 =	sadd.s32 s1, s30  }
0xbb: {  	s0 =	sor.u32 s3, s0;
	s1 =	sshll.u32 s1, $0x11  }
0xbc: {  	s0 =	sor.u32 s1, s0  }
0xbd: {  	s0 =	sadd.s32 $0x8F2B, s0  }
0xbe: {  	[sflag:s0] =	ssyncadd.remote.s32 $0x1  }
0xbf: {  	_ =	sfence.sel $0xFFFF  }
0xc0: {  	[dreg:$0x0] =	wrdreg $0xFFFFFFFF;
	(pc) =	sbr.abs _section_cstart, $3  }
0xc1: {  	[dreg:$0x1] =	wrdreg $0xFFFFFFFF  }
0xc2: {  	_ =	task.clear_ibuf [dreg:s7], $0x2FFFF;
	_ =	strace $0x9FFFFFFF  }
0xc3: {  	(tm) =	ssettm $0x7FFFFFFF  }
tec
execute0_lowered:
.L_overlay_start_1:
0x0: {  	(tag) =	ssettag $0x1  }
0x1: {  	s5 =	rddreg [dreg:$0x0]  }
0x2: {  	s1 =	rddreg [dreg:$0x1]  }
0x3: {  	s2 =	rddreg [dreg:$0x2]  }
0x4: {  	s0 =	rddreg [dreg:$0x3];
	s3 =	simm.s32 $0x0;
	s8 =	stileid.u32  }
0x5: {  	s6 =	srdreg.scid;
	s12 =	simm.s32 $0x1;
	s13 =	simm.s32 $0x0  }
0x6: {  	[smem:$0x7FF] =	sst s3;
	s4 =	sshll.u32 s8, $0xB;
	s6 =	sand.u32 $0x1, s6  }
0x7: {  	p0 =	sne.s32 s8, $0x0;
	s8 =	simm.s32 $0x2;
	_ =	strace $0x80000047  }
0x8: {  	s7 =	sadd.s32 s4, s5;
	s4 =	sadd.s32 $0x12400, s5;
	s9 =	ssub.s32 $0x2, s6  }
0x9: {  	s10 =	sshll.u32 s6, $0xF;
	s6 =	sshll.u32 s6, $0x4;
	s11 =	sshrl.u32 s9, $0x1  }
0xa: {  	s7 =	sadd.s32 s10, s7;
	s6 =	sadd.s32 s6, s5;
	s10 =	sshrl.u32 @!p0 s2, $0x3  }
0xb: {  	s9 =	ssub.s32 s9, s11;
	s5 =	sadd.s32 $0x2400, s7;
	s6 =	sadd.s32 $0x12A00, s6  }
0xc: {  	s11 =	simm.s32 $0x50;
	s7 =	smax.u32 s9, $0x1;
	s9 =	simm.s32 $0x4000  }
.LBB2_1:
0xd: {  	[tilespmem:s3], [sflag:$0x2] =	stream.linear.gather [hbm4b:s5+s3], $0x3E80, $0x38;
	[tilespmem:$0x42F8] =	vst v63  }
0xe: {  	_ =	swait.ge [sflag:s8], $0x3E80  }
0xf: {  	[sflag:s8] =	ssyncset.done $0x0  }
0x10: {  	[sflag:s8] =	ssyncadd.s32 $0xFFFFC180  }
0x11: {  	[tilespmem:s9], [sflag:$0x2] =	stream.linear.gather [hbm4b:s1+s3], $0x80, $0x38;
	[tilespmem:$0x42F8] =	vst v63  }
0x12: {  	_ =	swait.ge [sflag:s8], $0x80  }
0x13: {  	[sflag:s8] =	ssyncset.done $0x0  }
0x14: {  	s14 =	simm.s32 @!p0 $0x1C02;
	[sflag:s8] =	ssyncadd.s32 $0xFFFFFF80  }
0x15: {  	[spmem:s10], [sflag:s14] =	dma.local @!p0 [hbm:s4], $0x4F0  }
0x16: {  	s14 =	simm.s32 @!p0 $0x2  }
0x17: {  	_ =	swait.ge @!p0 [sflag:s14], $0x4F0  }
0x18: {  	[sflag:s14] =	ssyncset.done @!p0 $0x0  }
0x19: {  	[sflag:s14] =	ssyncadd.s32 @!p0 $0xFFFFFB10  }
0x1a: {  	s26 =	simm.s32 $0x0;
	[bflag:$0x0] =	sbarrier.arrive $0xFFFF  }
0x1b: {  	[spmem:s2] =	stream.indirect.scatter.add.f32 [tilespmem:s9], [sflag:$0x1], $0x1, s26, s11, $0xb8;
	[tilespmem:$0x42F8] =	vst v63  }
0x1c: {  	s28 =	simm.s32 $0x80  }
0x1d: {  	[spmem:s2] =	stream.indirect.scatter.add.f32 [tilespmem:s9], [sflag:$0x1], $0x1, s28, s11, $0xb8;
	[tilespmem:$0x42F8] =	vst v63  }
0x1e: {  	s29 =	simm.s32 $0x100  }
0x1f: {  	[spmem:s2] =	stream.indirect.scatter.add.f32 [tilespmem:s9], [sflag:$0x1], $0x1, s29, s11, $0xb8;
	[tilespmem:$0x42F8] =	vst v63  }
0x20: {  	s30 =	simm.s32 $0x180  }
0x21: {  	[spmem:s2] =	stream.indirect.scatter.add.f32 [tilespmem:s9], [sflag:$0x1], $0x1, s30, s11, $0xb8;
	[tilespmem:$0x42F8] =	vst v63  }
0x22: {  	s31 =	simm.s32 $0x200  }
0x23: {  	[spmem:s2] =	stream.indirect.scatter.add.f32 [tilespmem:s9], [sflag:$0x1], $0x1, s31, s11, $0xb8;
	[tilespmem:$0x42F8] =	vst v63  }
0x24: {  	_ =	swait.ge [sflag:s12], $0x50  }
0x25: {  	[sflag:s12] =	ssyncset.done $0x0  }
0x26: {  	[sflag:s12] =	ssyncadd.s32 $0xFFFFFFB0  }
0x27: {  	_ =	swait.ge [sflag:s12], $0x50  }
0x28: {  	[sflag:s12] =	ssyncset.done $0x0  }
0x29: {  	[sflag:s12] =	ssyncadd.s32 $0xFFFFFFB0  }
0x2a: {  	_ =	swait.ge [sflag:s12], $0x50  }
0x2b: {  	[sflag:s12] =	ssyncset.done $0x0  }
0x2c: {  	[sflag:s12] =	ssyncadd.s32 $0xFFFFFFB0  }
0x2d: {  	_ =	swait.ge [sflag:s12], $0x50  }
0x2e: {  	[sflag:s12] =	ssyncset.done $0x0  }
0x2f: {  	[sflag:s12] =	ssyncadd.s32 $0xFFFFFFB0  }
0x30: {  	_ =	swait.ge [sflag:s12], $0x50  }
0x31: {  	s15 =	simm.s32 $0x1400;
	s14 =	simm.s32 $0xA00;
	[sflag:s12] =	ssyncset.done $0x0  }
.LBB2_2:
0x32: {  	s16 =	sshra.s32 s14, $0x2  }
0x33: {  	[sflag:s12] =	ssyncadd.s32 $0xFFFFFFB0;
	s14 =	smov.u32 s15;
	s17 =	sadd.s32 $0xA00, s15  }
0x34: {  	[spmem:s2] =	stream.indirect.scatter.add.f32 [tilespmem:s9], [sflag:$0x1], $0x1, s16, s11, $0xb8;
	[tilespmem:$0x42F8] =	vst v63  }
0x35: {  	p1 =	sne.s32 s15, $0xF000;
	s15 =	sadd.s32 $0x80, s16  }
0x36: {  	[spmem:s2] =	stream.indirect.scatter.add.f32 [tilespmem:s9], [sflag:$0x1], $0x1, s15, s11, $0xb8;
	[tilespmem:$0x42F8] =	vst v63  }
0x37: {  	s15 =	sadd.s32 $0x100, s16  }
0x38: {  	[spmem:s2] =	stream.indirect.scatter.add.f32 [tilespmem:s9], [sflag:$0x1], $0x1, s15, s11, $0xb8;
	[tilespmem:$0x42F8] =	vst v63  }
0x39: {  	s15 =	sadd.s32 $0x180, s16  }
0x3a: {  	[spmem:s2] =	stream.indirect.scatter.add.f32 [tilespmem:s9], [sflag:$0x1], $0x1, s15, s11, $0xb8;
	[tilespmem:$0x42F8] =	vst v63  }
0x3b: {  	s15 =	sadd.s32 $0x200, s16  }
0x3c: {  	[spmem:s2] =	stream.indirect.scatter.add.f32 [tilespmem:s9], [sflag:$0x1], $0x1, s15, s11, $0xb8;
	[tilespmem:$0x42F8] =	vst v63  }
0x3d: {  	_ =	swait.ge [sflag:s12], $0x50  }
0x3e: {  	[sflag:s12] =	ssyncset.done $0x0  }
0x3f: {  	[sflag:s12] =	ssyncadd.s32 $0xFFFFFFB0  }
0x40: {  	_ =	swait.ge [sflag:s12], $0x50  }
0x41: {  	[sflag:s12] =	ssyncset.done $0x0  }
0x42: {  	[sflag:s12] =	ssyncadd.s32 $0xFFFFFFB0  }
0x43: {  	_ =	swait.ge [sflag:s12], $0x50  }
0x44: {  	[sflag:s12] =	ssyncset.done $0x0  }
0x45: {  	[sflag:s12] =	ssyncadd.s32 $0xFFFFFFB0  }
.Ltmp0:
0x46: {  	_ =	swait.ge [sflag:s12], $0x50;
	(pc) =	sbr.rel @p1 .LBB2_2-.Ltmp0, $4  }
0x47: {  	[sflag:s12] =	ssyncset.done $0x0  }
0x48: {  	[sflag:s12] =	ssyncadd.s32 $0xFFFFFFB0  }
0x49: {  	_ =	swait.ge [sflag:s12], $0x50  }
0x4a: {  	s15 =	smov.u32 s17;
	[sflag:s12] =	ssyncset.done $0x0  }
0x4b: {  	s14 =	sshra.s32 s14, $0x2;
	[sflag:s12] =	ssyncadd.s32 $0xFFFFFFB0  }
0x4c: {  	[spmem:s2] =	stream.indirect.scatter.add.f32 [tilespmem:s9], [sflag:$0x1], $0x1, s14, s11, $0xb8;
	[tilespmem:$0x42F8] =	vst v63  }
0x4d: {  	s15 =	sadd.s32 $0x80, s14  }
0x4e: {  	[spmem:s2] =	stream.indirect.scatter.add.f32 [tilespmem:s9], [sflag:$0x1], $0x1, s15, s11, $0xb8;
	[tilespmem:$0x42F8] =	vst v63  }
0x4f: {  	s30 =	sadd.s32 $0x100, s14  }
0x50: {  	[spmem:s2] =	stream.indirect.scatter.add.f32 [tilespmem:s9], [sflag:$0x1], $0x1, s30, s11, $0xb8;
	[tilespmem:$0x42F8] =	vst v63  }
0x51: {  	s31 =	sadd.s32 $0x180, s14  }
0x52: {  	[spmem:s2] =	stream.indirect.scatter.add.f32 [tilespmem:s9], [sflag:$0x1], $0x1, s31, s11, $0xb8;
	[tilespmem:$0x42F8] =	vst v63  }
0x53: {  	s14 =	sadd.s32 $0x200, s14  }
0x54: {  	[spmem:s2] =	stream.indirect.scatter.add.f32 [tilespmem:s9], [sflag:$0x1], $0x1, s14, s11, $0xb8;
	[tilespmem:$0x42F8] =	vst v63  }
0x55: {  	_ =	swait.ge [sflag:s12], $0x50  }
0x56: {  	[sflag:s12] =	ssyncset.done $0x0  }
0x57: {  	[sflag:s12] =	ssyncadd.s32 $0xFFFFFFB0  }
0x58: {  	_ =	swait.ge [sflag:s12], $0x50  }
0x59: {  	[sflag:s12] =	ssyncset.done $0x0  }
0x5a: {  	[sflag:s12] =	ssyncadd.s32 $0xFFFFFFB0  }
0x5b: {  	_ =	swait.ge [sflag:s12], $0x50  }
0x5c: {  	[sflag:s12] =	ssyncset.done $0x0  }
0x5d: {  	[sflag:s12] =	ssyncadd.s32 $0xFFFFFFB0  }
0x5e: {  	_ =	swait.ge [sflag:s12], $0x50  }
0x5f: {  	[sflag:s12] =	ssyncset.done $0x0  }
0x60: {  	[sflag:s12] =	ssyncadd.s32 $0xFFFFFFB0  }
0x61: {  	_ =	swait.ge [sflag:s12], $0x50  }
0x62: {  	s16 =	simm.s32 @!p0 $0x10;
	s13 =	sadd.s32 $0x1, s13;
	[sflag:s12] =	ssyncset.done $0x0  }
0x63: {  	s17 =	simm.s32 @!p0 $0x1C02;
	p1 =	sne.s32 s13, s7;
	[sflag:s12] =	ssyncadd.s32 $0xFFFFFFB0  }
0x64: {  	s15 =	simm.s32 @!p0 $0x20;
	s14 =	simm.s32 @!p0 $0x1;
	[bflag:$0x0] =	sbarrier.arrive $0xFFFF  }
0x65: {  	[hbm:s6@s15], [sflag:s17] =	dma.strided @!p0 [spmem:s10@s16], $0x4F0, s14, $0x10   }
.Ltmp1:
0x66: {  	_ = 	snop;
	(pc) =	sbr.rel @p1 .LBB2_1-.Ltmp1, $4  }
0x67: {  	s14 =	simm.s32 @!p0 $0x2  }
0x68: {  	_ =	swait.ge @!p0 [sflag:s14], $0x4F0  }
0x69: {  	[sflag:s14] =	ssyncset.done @!p0 $0x0  }
0x6a: {  	[sflag:s14] =	ssyncadd.s32 @!p0 $0xFFFFFB10  }
0x6b: {  	_ =	sfence.sel $0x180000  }
0x6c: {  	[bflag:$0x0] =	sbarrier.arrive $0xFFFF  }
0x6d: {  	_ =	strace $0x90000047  }
0x6e: {  	s0 =	sadd.s32 @!p0 $0x100000, s0;
	[bflag:$0x2] =	sbarrier.arrive $0xFFFF  }
0x6f: {  	[sflag:s0] =	ssyncadd.tile.s32 @!p0 $0x1;
	_ =	shalt  }
.Lfunc_end2:
_tile_overlayer_lowered:
.L_overlay_start_2:
0x70: {  	(tag) =	ssettag $0x2  }
0x71: {  	s0 =	rddreg [dreg:$0x0];
	s2 =	stileid.u32  }
0x72: {  	s1 =	rddreg [dreg:$0x1];
	p0 =	sne.s32 s2, $0x0  }
0x73: {  	s3 =	rddreg [dreg:$0x2];
	[bflag:$0x3] =	sbarrier.arrive $0xFFFF;
	s2 =	simm.s32 @!p0 $0x1C02  }
0x74: {  	[timem:s3], [sflag:s2] =	dma.local @!p0 [hbm:s0], s1  }
0x75: {  	s0 =	simm.s32 @!p0 $0x2  }
0x76: {  	_ =	swait.ge @!p0 [sflag:s0], s1  }
0x77: {  	s1 =	ssub.s32 @!p0 $0x0, s1;
	[sflag:s0] =	ssyncset.done @!p0 $0x0  }
0x78: {  	[sflag:s0] =	ssyncadd.s32 @!p0 s1  }
0x79: {  	[bflag:$0x3] =	sbarrier.arrive $0xFFFF  }
0x7a: {  	_ =	shalt  }

</sc_bundles>
